<compile_context>
chip_gen: v7x
topology: tpu7x:2x2x1
jax: 0.10.2.dev20260603
libtpu: 0.0.44.dev20260713+nightly
codegen_flags: <defaults>
</compile_context>

<pallas_src>
import functools

import jax
import jax.numpy as jnp
from jax import lax
from jax.experimental import pallas as pl
from jax.experimental.pallas import tpu as pltpu
from jax.experimental.pallas import tpu_sc as plsc

N_U = 128
N_B = 16
N_NODES = 10000
N_EDGES = 320000
NC = 2
NS = 16
FPT = 8
E = 1280
N_WIN = N_EDGES // E
N_NODES_PAD = 10240
BINS_STRIDE = N_NODES_PAD + 17


def _sc_body(deltasT, idx_cat, partialT,
             vb0, vb1, vb2, ib0, ib1, ib2, bins,
             ld_sem0, ld_sem1, ld_sem2):
    cid = lax.axis_index("c")
    sid = lax.axis_index("s")
    fbase = cid * N_U + FPT * sid

    vb = (vb0, vb1, vb2)
    ib = (ib0, ib1, ib2)
    ld_sem = (ld_sem0, ld_sem1, ld_sem2)
    f_vecs = [jnp.full((16,), f, jnp.int32) for f in range(FPT)]
    idx0 = cid * N_EDGES

    def _issue(w, p):
        e0 = w * E
        pltpu.async_copy(idx_cat.at[pl.ds(idx0 + e0, E)], ib[p], ld_sem[p])
        pltpu.async_copy(
            deltasT.at[pl.ds(fbase, FPT), pl.ds(e0, E)], vb[p], ld_sem[p])

    def _consume(w, p):
        e0 = w * E
        pltpu.make_async_copy(
            idx_cat.at[pl.ds(idx0 + e0, E)], ib[p], ld_sem[p]).wait()
        pltpu.make_async_copy(
            deltasT.at[pl.ds(fbase, FPT), pl.ds(e0, E)], vb[p], ld_sem[p]).wait()

        UNROLL = 4

        def _blk(g, _):
            idxvs = [
                ib[p][pl.ds(16 * UNROLL * g + 16 * u, 16)]
                for u in range(UNROLL)
            ]
            valss = [
                [vb[p][f, pl.ds(16 * UNROLL * g + 16 * u, 16)]
                 for f in range(FPT)]
                for u in range(UNROLL)
            ]
            for u in range(UNROLL):
                for f in range(FPT):
                    plsc.addupdate_scatter(
                        bins, [f_vecs[f], idxvs[u]], valss[u][f])
            return _
        lax.fori_loop(0, E // (16 * UNROLL), _blk, None)

    _issue(0, 0)
    _issue(1, 1)

    def _zero(j, _):
        for f in range(FPT):
            for k in range(8):
                bins[f, pl.ds(128 * j + 16 * k, 16)] = jnp.zeros(
                    (16,), jnp.float32)
        return _
    lax.fori_loop(0, N_NODES_PAD // 128, _zero, None)

    def _body(i, _):
        for k in range(3):
            w = 3 * i + k
            _consume(w, k)
            wn = w + 2

            @pl.when(wn < N_WIN)
            def _():
                _issue(wn, (k + 2) % 3)
        return _

    lax.fori_loop(0, N_WIN // 3, _body, None)
    for w in range(N_WIN - N_WIN % 3, N_WIN):
        _consume(w, w % 3)

    pltpu.sync_copy(bins, partialT.at[cid, pl.ds(FPT * sid, FPT), :])


_sc_call = functools.partial(
    pl.kernel,
    out_type=[
        jax.ShapeDtypeStruct((NC, N_U, BINS_STRIDE), jnp.float32),
    ],
    mesh=plsc.VectorSubcoreMesh(core_axis_name="c", subcore_axis_name="s"),
    compiler_params=pltpu.CompilerParams(needs_layout_passes=False),
    scratch_types=[
        pltpu.VMEM((FPT, E), jnp.float32),
        pltpu.VMEM((FPT, E), jnp.float32),
        pltpu.VMEM((FPT, E), jnp.float32),
        pltpu.VMEM((E,), jnp.int32),
        pltpu.VMEM((E,), jnp.int32),
        pltpu.VMEM((E,), jnp.int32),
        pltpu.VMEM((FPT, BINS_STRIDE), jnp.float32),
        pltpu.SemaphoreType.DMA,
        pltpu.SemaphoreType.DMA,
        pltpu.SemaphoreType.DMA,
    ],
)(_sc_body)


def _comb_body(p_ref, o_ref):
    o_ref[...] = jnp.transpose(p_ref[0] + p_ref[1])


def _combine_partials(partialT):
    blk = 1280
    return pl.pallas_call(
        _comb_body,
        out_shape=jax.ShapeDtypeStruct((N_NODES, N_U), jnp.float32),
        grid=(N_NODES_PAD // blk,),
        in_specs=[pl.BlockSpec((NC, N_U, blk), lambda i: (0, 0, i))],
        out_specs=pl.BlockSpec((blk, N_U), lambda i: (i, 0)),
    )(partialT)


def _b_body(d_ref, o_ref):
    o_ref[...] = d_ref[...]


def _copy_b(deltasT):
    blk = 32000
    bT = pl.pallas_call(
        _b_body,
        out_shape=jax.ShapeDtypeStruct((N_B, N_EDGES), jnp.float32),
        grid=(N_EDGES // blk,),
        in_specs=[pl.BlockSpec((N_B, blk), lambda i: (2 * N_U // N_B, i))],
        out_specs=pl.BlockSpec((N_B, blk), lambda i: (0, i)),
    )(deltasT)
    return jnp.transpose(bT)


def kernel(unary, binary, deltas, index1, index2):
    deltasT = jnp.transpose(deltas)
    idx_cat = jnp.concatenate(
        [index1.astype(jnp.int32), index2.astype(jnp.int32)])
    outs = _sc_call(deltasT, idx_cat)
    partialT = outs[0] if isinstance(outs, (tuple, list)) else outs
    return (_combine_partials(partialT), _copy_b(deltasT))

# --- scband reference (transcript-rebuilt; emitter-appended) ---
"""Pipeline reference for scband-group-by-23330262352104 (READ-ONLY COPY).

The authoritative reference and input builder live on the scoring server;
editing this copy changes nothing except your own understanding.
"""

import jax, jax.numpy as jnp
import numpy as np

N_UNARY = 128
N_NODES = 10000
N_EDGES = 320000
N_BINARY = 16

def setup_inputs(seed: int = 0) -> dict:
    key = jax.random.key(seed)
    k1, k2, k3, k4, k5 = jax.random.split(key, 5)
    unary = jax.random.normal(k1, (N_NODES, N_UNARY), dtype=jnp.float32)
    binary = jax.random.normal(k2, (N_EDGES, N_BINARY), dtype=jnp.float32)
    deltas = jax.random.normal(k3, (N_EDGES, 2 * N_UNARY + N_BINARY), dtype=jnp.float32)
    index1 = jax.random.randint(k4, (N_EDGES,), 0, N_NODES, dtype=jnp.int32).astype(jnp.int64)
    index2 = jax.random.randint(k5, (N_EDGES,), 0, N_NODES, dtype=jnp.int32).astype(jnp.int64)
    return {"unary": unary, "binary": binary, "deltas": deltas, "index1": index1, "index2": index2}

def reference(unary, binary, deltas, index1, index2):
    n_unary = N_UNARY
    ux = deltas[:, :n_unary]
    uy = deltas[:, n_unary:2 * n_unary]
    b = deltas[:, 2 * n_unary:]
    num_segments = unary.shape[0]
    ux_deltas = jax.ops.segment_sum(ux, index1, num_segments=num_segments)
    uy_deltas = jax.ops.segment_sum(uy, index2, num_segments=num_segments)
    return (ux_deltas + uy_deltas, b)

if __name__ == "__main__":
    import jax
    _d = setup_inputs()
    print(jax.jit(kernel)(*tuple(_d.values())))

</pallas_src>

<mosaic_0001>
#map = affine_map<(d0, d1) -> (0, 0)>
#map1 = affine_map<(d0, d1) -> (0)>
#map2 = affine_map<(d0, d1) -> (0, 0, 0)>
module attributes {stable_mosaic.version = 14 : i64} {
  func.func @_sc_body(%arg0: i32, %arg1: i32, %arg2: memref<272x320000xf32, #tpu.memory_space<hbm>>, %arg3: memref<640000xi32, #tpu.memory_space<hbm>>, %arg4: memref<2x128x10257xf32, #tpu.memory_space<hbm>>, %arg5: memref<8x1280xf32, #tpu.memory_space<vmem>>, %arg6: memref<8x1280xf32, #tpu.memory_space<vmem>>, %arg7: memref<8x1280xf32, #tpu.memory_space<vmem>>, %arg8: memref<1280xi32, #tpu.memory_space<vmem>>, %arg9: memref<1280xi32, #tpu.memory_space<vmem>>, %arg10: memref<1280xi32, #tpu.memory_space<vmem>>, %arg11: memref<8x10257xf32, #tpu.memory_space<vmem>>, %arg12: memref<!tpu.dma_semaphore, #tpu.memory_space<semaphore_mem>>, %arg13: memref<!tpu.dma_semaphore, #tpu.memory_space<semaphore_mem>>, %arg14: memref<!tpu.dma_semaphore, #tpu.memory_space<semaphore_mem>>) attributes {dimension_semantics = [#tpu.dimension_semantics<core_parallel>, #tpu.dimension_semantics<subcore_parallel>], iteration_bounds = array<i64: 2, 16>, scalar_prefetch = 0 : i64, scratch_operands = 10 : i64, tpu.core_type = #tpu.core_type<sc_vector_subcore>, window_params = [{transform_indices = #map}, {transform_indices = #map1}, {transform_indices = #map2}]} {
    %mul3A = arith.constant 128 : i32
    %mul3A_0 = arith.muli %arg0, %mul3A : i32
    %mul3A_1 = arith.constant 8 : i32
    %mul3A_2 = arith.muli %mul3A_1, %arg1 : i32
    %add3A = arith.addi %mul3A_0, %mul3A_2 : i32
    %broadcast_in_dim3A = arith.constant 0 : i32
    %broadcast_in_dim3A_3 = vector.broadcast %broadcast_in_dim3A : i32 to vector<16xi32>
    %broadcast_in_dim3A_4 = arith.constant 1 : i32
    %broadcast_in_dim3A_5 = vector.broadcast %broadcast_in_dim3A_4 : i32 to vector<16xi32>
    %broadcast_in_dim3A_6 = arith.constant 2 : i32
    %broadcast_in_dim3A_7 = vector.broadcast %broadcast_in_dim3A_6 : i32 to vector<16xi32>
    %broadcast_in_dim3A_8 = arith.constant 3 : i32
    %broadcast_in_dim3A_9 = vector.broadcast %broadcast_in_dim3A_8 : i32 to vector<16xi32>
    %broadcast_in_dim3A_10 = arith.constant 4 : i32
    %broadcast_in_dim3A_11 = vector.broadcast %broadcast_in_dim3A_10 : i32 to vector<16xi32>
    %broadcast_in_dim3A_12 = arith.constant 5 : i32
    %broadcast_in_dim3A_13 = vector.broadcast %broadcast_in_dim3A_12 : i32 to vector<16xi32>
    %broadcast_in_dim3A_14 = arith.constant 6 : i32
    %broadcast_in_dim3A_15 = vector.broadcast %broadcast_in_dim3A_14 : i32 to vector<16xi32>
    %broadcast_in_dim3A_16 = arith.constant 7 : i32
    %broadcast_in_dim3A_17 = vector.broadcast %broadcast_in_dim3A_16 : i32 to vector<16xi32>
    %mul3A_18 = arith.constant 320000 : i32
    %mul3A_19 = arith.muli %arg0, %mul3A_18 : i32
    %add3A_20 = arith.constant 0 : i32
    %add3A_21 = arith.addi %mul3A_19, %add3A_20 : i32
    %dma_start3A = tpu.memref_slice %arg3[%add3A_21] : memref<640000xi32, #tpu.memory_space<hbm>> -> memref<1280xi32, #tpu.memory_space<hbm>>
    %dma_start3A_22 = tpu.memref_slice %arg3[%add3A_21] : memref<640000xi32, #tpu.memory_space<hbm>> -> memref<1280xi32, #tpu.memory_space<hbm>>
    tpu.enqueue_dma source(%dma_start3A_22 : memref<1280xi32, #tpu.memory_space<hbm>>) target(%arg8 : memref<1280xi32, #tpu.memory_space<vmem>>) target_semaphore(%arg12 : memref<!tpu.dma_semaphore, #tpu.memory_space<semaphore_mem>>)
    %dma_start3A_23 = arith.constant 0 : i32
    %dma_start3A_24 = tpu.memref_slice %arg2[%add3A, %dma_start3A_23] : memref<272x320000xf32, #tpu.memory_space<hbm>> -> memref<8x1280xf32, #tpu.memory_space<hbm>>
    %dma_start3A_25 = arith.constant 0 : i32
    %dma_start3A_26 = tpu.memref_slice %arg2[%add3A, %dma_start3A_25] : memref<272x320000xf32, #tpu.memory_space<hbm>> -> memref<8x1280xf32, #tpu.memory_space<hbm>>
    tpu.enqueue_dma source(%dma_start3A_26 : memref<8x1280xf32, #tpu.memory_space<hbm>>) target(%arg5 : memref<8x1280xf32, #tpu.memory_space<vmem>>) target_semaphore(%arg12 : memref<!tpu.dma_semaphore, #tpu.memory_space<semaphore_mem>>)
    %add3A_27 = arith.constant 1280 : i32
    %add3A_28 = arith.addi %mul3A_19, %add3A_27 : i32
    %dma_start3A_29 = tpu.memref_slice %arg3[%add3A_28] : memref<640000xi32, #tpu.memory_space<hbm>> -> memref<1280xi32, #tpu.memory_space<hbm>>
    %dma_start3A_30 = tpu.memref_slice %arg3[%add3A_28] : memref<640000xi32, #tpu.memory_space<hbm>> -> memref<1280xi32, #tpu.memory_space<hbm>>
    tpu.enqueue_dma source(%dma_start3A_30 : memref<1280xi32, #tpu.memory_space<hbm>>) target(%arg9 : memref<1280xi32, #tpu.memory_space<vmem>>) target_semaphore(%arg13 : memref<!tpu.dma_semaphore, #tpu.memory_space<semaphore_mem>>)
    %dma_start3A_31 = arith.constant 1280 : i32
    %dma_start3A_32 = tpu.memref_slice %arg2[%add3A, %dma_start3A_31] : memref<272x320000xf32, #tpu.memory_space<hbm>> -> memref<8x1280xf32, #tpu.memory_space<hbm>>
    %dma_start3A_33 = arith.constant 1280 : i32
    %dma_start3A_34 = tpu.memref_slice %arg2[%add3A, %dma_start3A_33] : memref<272x320000xf32, #tpu.memory_space<hbm>> -> memref<8x1280xf32, #tpu.memory_space<hbm>>
    tpu.enqueue_dma source(%dma_start3A_34 : memref<8x1280xf32, #tpu.memory_space<hbm>>) target(%arg6 : memref<8x1280xf32, #tpu.memory_space<vmem>>) target_semaphore(%arg13 : memref<!tpu.dma_semaphore, #tpu.memory_space<semaphore_mem>>)
    %scan3A = arith.constant 0 : i32
    %scan3A_35 = arith.constant 80 : i32
    %scan3A_36 = arith.addi %scan3A, %scan3A_35 : i32
    %scan3A_37 = arith.constant 1 : i32
    scf.for %scan3A_58 = %scan3A to %scan3A_36 step %scan3A_37  : i32 {
      %broadcast_in_dim3A_59 = arith.constant 0.000000e+00 : f32
      %broadcast_in_dim3A_60 = vector.broadcast %broadcast_in_dim3A_59 : f32 to vector<16xf32>
      %mul3A_61 = arith.constant 128 : i32
      %mul3A_62 = arith.muli %mul3A_61, %scan3A_58 : i32
      %add3A_63 = arith.constant 0 : i32
      %add3A_64 = arith.addi %mul3A_62, %add3A_63 : i32
      %swap3A = arith.constant 0 : i32
      %swap3A_65 = arith.index_cast %swap3A : i32 to index
      %swap3A_66 = arith.index_cast %add3A_64 : i32 to index
      %swap3A_67 = tpu.vector_load %arg11[%swap3A_65, %swap3A_66] {strides = array<i32>} : memref<8x10257xf32, #tpu.memory_space<vmem>>, vector<16xf32>,
      tpu.vector_store %arg11[%swap3A_65, %swap3A_66], %broadcast_in_dim3A_60 {strides = array<i32>} : memref<8x10257xf32, #tpu.memory_space<vmem>>, vector<16xf32>,
      %broadcast_in_dim3A_68 = arith.constant 0.000000e+00 : f32
      %broadcast_in_dim3A_69 = vector.broadcast %broadcast_in_dim3A_68 : f32 to vector<16xf32>
      %mul3A_70 = arith.constant 128 : i32
      %mul3A_71 = arith.muli %mul3A_70, %scan3A_58 : i32
      %add3A_72 = arith.constant 16 : i32
      %add3A_73 = arith.addi %mul3A_71, %add3A_72 : i32
      %swap3A_74 = arith.constant 0 : i32
      %swap3A_75 = arith.index_cast %swap3A_74 : i32 to index
      %swap3A_76 = arith.index_cast %add3A_73 : i32 to index
      %swap3A_77 = tpu.vector_load %arg11[%swap3A_75, %swap3A_76] {strides = array<i32>} : memref<8x10257xf32, #tpu.memory_space<vmem>>, vector<16xf32>,
      tpu.vector_store %arg11[%swap3A_75, %swap3A_76], %broadcast_in_dim3A_69 {strides = array<i32>} : memref<8x10257xf32, #tpu.memory_space<vmem>>, vector<16xf32>,
      %broadcast_in_dim3A_78 = arith.constant 0.000000e+00 : f32
      %broadcast_in_dim3A_79 = vector.broadcast %broadcast_in_dim3A_78 : f32 to vector<16xf32>
      %mul3A_80 = arith.constant 128 : i32
      %mul3A_81 = arith.muli %mul3A_80, %scan3A_58 : i32
      %add3A_82 = arith.constant 32 : i32
      %add3A_83 = arith.addi %mul3A_81, %add3A_82 : i32
      %swap3A_84 = arith.constant 0 : i32
      %swap3A_85 = arith.index_cast %swap3A_84 : i32 to index
      %swap3A_86 = arith.index_cast %add3A_83 : i32 to index
      %swap3A_87 = tpu.vector_load %arg11[%swap3A_85, %swap3A_86] {strides = array<i32>} : memref<8x10257xf32, #tpu.memory_space<vmem>>, vector<16xf32>,
      tpu.vector_store %arg11[%swap3A_85, %swap3A_86], %broadcast_in_dim3A_79 {strides = array<i32>} : memref<8x10257xf32, #tpu.memory_space<vmem>>, vector<16xf32>,
      %broadcast_in_dim3A_88 = arith.constant 0.000000e+00 : f32
      %broadcast_in_dim3A_89 = vector.broadcast %broadcast_in_dim3A_88 : f32 to vector<16xf32>
      %mul3A_90 = arith.constant 128 : i32
      %mul3A_91 = arith.muli %mul3A_90, %scan3A_58 : i32
      %add3A_92 = arith.constant 48 : i32
      %add3A_93 = arith.addi %mul3A_91, %add3A_92 : i32
      %swap3A_94 = arith.constant 0 : i32
      %swap3A_95 = arith.index_cast %swap3A_94 : i32 to index
      %swap3A_96 = arith.index_cast %add3A_93 : i32 to index
      %swap3A_97 = tpu.vector_load %arg11[%swap3A_95, %swap3A_96] {strides = array<i32>} : memref<8x10257xf32, #tpu.memory_space<vmem>>, vector<16xf32>,
      tpu.vector_store %arg11[%swap3A_95, %swap3A_96], %broadcast_in_dim3A_89 {strides = array<i32>} : memref<8x10257xf32, #tpu.memory_space<vmem>>, vector<16xf32>,
      %broadcast_in_dim3A_98 = arith.constant 0.000000e+00 : f32
      %broadcast_in_dim3A_99 = vector.broadcast %broadcast_in_dim3A_98 : f32 to vector<16xf32>
      %mul3A_100 = arith.constant 128 : i32
      %mul3A_101 = arith.muli %mul3A_100, %scan3A_58 : i32
      %add3A_102 = arith.constant 64 : i32
      %add3A_103 = arith.addi %mul3A_101, %add3A_102 : i32
      %swap3A_104 = arith.constant 0 : i32
      %swap3A_105 = arith.index_cast %swap3A_104 : i32 to index
      %swap3A_106 = arith.index_cast %add3A_103 : i32 to index
      %swap3A_107 = tpu.vector_load %arg11[%swap3A_105, %swap3A_106] {strides = array<i32>} : memref<8x10257xf32, #tpu.memory_space<vmem>>, vector<16xf32>,
      tpu.vector_store %arg11[%swap3A_105, %swap3A_106], %broadcast_in_dim3A_99 {strides = array<i32>} : memref<8x10257xf32, #tpu.memory_space<vmem>>, vector<16xf32>,
      %broadcast_in_dim3A_108 = arith.constant 0.000000e+00 : f32
      %broadcast_in_dim3A_109 = vector.broadcast %broadcast_in_dim3A_108 : f32 to vector<16xf32>
      %mul3A_110 = arith.constant 128 : i32
      %mul3A_111 = arith.muli %mul3A_110, %scan3A_58 : i32
      %add3A_112 = arith.constant 80 : i32
      %add3A_113 = arith.addi %mul3A_111, %add3A_112 : i32
      %swap3A_114 = arith.constant 0 : i32
      %swap3A_115 = arith.index_cast %swap3A_114 : i32 to index
      %swap3A_116 = arith.index_cast %add3A_113 : i32 to index
      %swap3A_117 = tpu.vector_load %arg11[%swap3A_115, %swap3A_116] {strides = array<i32>} : memref<8x10257xf32, #tpu.memory_space<vmem>>, vector<16xf32>,
      tpu.vector_store %arg11[%swap3A_115, %swap3A_116], %broadcast_in_dim3A_109 {strides = array<i32>} : memref<8x10257xf32, #tpu.memory_space<vmem>>, vector<16xf32>,
      %broadcast_in_dim3A_118 = arith.constant 0.000000e+00 : f32
      %broadcast_in_dim3A_119 = vector.broadcast %broadcast_in_dim3A_118 : f32 to vector<16xf32>
      %mul3A_120 = arith.constant 128 : i32
      %mul3A_121 = arith.muli %mul3A_120, %scan3A_58 : i32
      %add3A_122 = arith.constant 96 : i32
      %add3A_123 = arith.addi %mul3A_121, %add3A_122 : i32
      %swap3A_124 = arith.constant 0 : i32
      %swap3A_125 = arith.index_cast %swap3A_124 : i32 to index
      %swap3A_126 = arith.index_cast %add3A_123 : i32 to index
      %swap3A_127 = tpu.vector_load %arg11[%swap3A_125, %swap3A_126] {strides = array<i32>} : memref<8x10257xf32, #tpu.memory_space<vmem>>, vector<16xf32>,
      tpu.vector_store %arg11[%swap3A_125, %swap3A_126], %broadcast_in_dim3A_119 {strides = array<i32>} : memref<8x10257xf32, #tpu.memory_space<vmem>>, vector<16xf32>,
      %broadcast_in_dim3A_128 = arith.constant 0.000000e+00 : f32
      %broadcast_in_dim3A_129 = vector.broadcast %broadcast_in_dim3A_128 : f32 to vector<16xf32>
      %mul3A_130 = arith.constant 128 : i32
      %mul3A_131 = arith.muli %mul3A_130, %scan3A_58 : i32
      %add3A_132 = arith.constant 112 : i32
      %add3A_133 = arith.addi %mul3A_131, %add3A_132 : i32
      %swap3A_134 = arith.constant 0 : i32
      %swap3A_135 = arith.index_cast %swap3A_134 : i32 to index
      %swap3A_136 = arith.index_cast %add3A_133 : i32 to index
      %swap3A_137 = tpu.vector_load %arg11[%swap3A_135, %swap3A_136] {strides = array<i32>} : memref<8x10257xf32, #tpu.memory_space<vmem>>, vector<16xf32>,
      tpu.vector_store %arg11[%swap3A_135, %swap3A_136], %broadcast_in_dim3A_129 {strides = array<i32>} : memref<8x10257xf32, #tpu.memory_space<vmem>>, vector<16xf32>,
      %broadcast_in_dim3A_138 = arith.constant 0.000000e+00 : f32
      %broadcast_in_dim3A_139 = vector.broadcast %broadcast_in_dim3A_138 : f32 to vector<16xf32>
      %mul3A_140 = arith.constant 128 : i32
      %mul3A_141 = arith.muli %mul3A_140, %scan3A_58 : i32
      %add3A_142 = arith.constant 0 : i32
      %add3A_143 = arith.addi %mul3A_141, %add3A_142 : i32
      %swap3A_144 = arith.constant 1 : i32
      %swap3A_145 = arith.index_cast %swap3A_144 : i32 to index
      %swap3A_146 = arith.index_cast %add3A_143 : i32 to index
      %swap3A_147 = tpu.vector_load %arg11[%swap3A_145, %swap3A_146] {strides = array<i32>} : memref<8x10257xf32, #tpu.memory_space<vmem>>, vector<16xf32>,
      tpu.vector_store %arg11[%swap3A_145, %swap3A_146], %broadcast_in_dim3A_139 {strides = array<i32>} : memref<8x10257xf32, #tpu.memory_space<vmem>>, vector<16xf32>,
      %broadcast_in_dim3A_148 = arith.constant 0.000000e+00 : f32
      %broadcast_in_dim3A_149 = vector.broadcast %broadcast_in_dim3A_148 : f32 to vector<16xf32>
      %mul3A_150 = arith.constant 128 : i32
      %mul3A_151 = arith.muli %mul3A_150, %scan3A_58 : i32
      %add3A_152 = arith.constant 16 : i32
      %add3A_153 = arith.addi %mul3A_151, %add3A_152 : i32
      %swap3A_154 = arith.constant 1 : i32
      %swap3A_155 = arith.index_cast %swap3A_154 : i32 to index
      %swap3A_156 = arith.index_cast %add3A_153 : i32 to index
      %swap3A_157 = tpu.vector_load %arg11[%swap3A_155, %swap3A_156] {strides = array<i32>} : memref<8x10257xf32, #tpu.memory_space<vmem>>, vector<16xf32>,
      tpu.vector_store %arg11[%swap3A_155, %swap3A_156], %broadcast_in_dim3A_149 {strides = array<i32>} : memref<8x10257xf32, #tpu.memory_space<vmem>>, vector<16xf32>,
      %broadcast_in_dim3A_158 = arith.constant 0.000000e+00 : f32
      %broadcast_in_dim3A_159 = vector.broadcast %broadcast_in_dim3A_158 : f32 to vector<16xf32>
      %mul3A_160 = arith.constant 128 : i32
      %mul3A_161 = arith.muli %mul3A_160, %scan3A_58 : i32
      %add3A_162 = arith.constant 32 : i32
      %add3A_163 = arith.addi %mul3A_161, %add3A_162 : i32
      %swap3A_164 = arith.constant 1 : i32
      %swap3A_165 = arith.index_cast %swap3A_164 : i32 to index
      %swap3A_166 = arith.index_cast %add3A_163 : i32 to index
      %swap3A_167 = tpu.vector_load %arg11[%swap3A_165, %swap3A_166] {strides = array<i32>} : memref<8x10257xf32, #tpu.memory_space<vmem>>, vector<16xf32>,
      tpu.vector_store %arg11[%swap3A_165, %swap3A_166], %broadcast_in_dim3A_159 {strides = array<i32>} : memref<8x10257xf32, #tpu.memory_space<vmem>>, vector<16xf32>,
      %broadcast_in_dim3A_168 = arith.constant 0.000000e+00 : f32
      %broadcast_in_dim3A_169 = vector.broadcast %broadcast_in_dim3A_168 : f32 to vector<16xf32>
      %mul3A_170 = arith.constant 128 : i32
      %mul3A_171 = arith.muli %mul3A_170, %scan3A_58 : i32
      %add3A_172 = arith.constant 48 : i32
      %add3A_173 = arith.addi %mul3A_171, %add3A_172 : i32
      %swap3A_174 = arith.constant 1 : i32
      %swap3A_175 = arith.index_cast %swap3A_174 : i32 to index
      %swap3A_176 = arith.index_cast %add3A_173 : i32 to index
      %swap3A_177 = tpu.vector_load %arg11[%swap3A_175, %swap3A_176] {strides = array<i32>} : memref<8x10257xf32, #tpu.memory_space<vmem>>, vector<16xf32>,
      tpu.vector_store %arg11[%swap3A_175, %swap3A_176], %broadcast_in_dim3A_169 {strides = array<i32>} : memref<8x10257xf32, #tpu.memory_space<vmem>>, vector<16xf32>,
      %broadcast_in_dim3A_178 = arith.constant 0.000000e+00 : f32
      %broadcast_in_dim3A_179 = vector.broadcast %broadcast_in_dim3A_178 : f32 to vector<16xf32>
      %mul3A_180 = arith.constant 128 : i32
      %mul3A_181 = arith.muli %mul3A_180, %scan3A_58 : i32
      %add3A_182 = arith.constant 64 : i32
      %add3A_183 = arith.addi %mul3A_181, %add3A_182 : i32
      %swap3A_184 = arith.constant 1 : i32
      %swap3A_185 = arith.index_cast %swap3A_184 : i32 to index
      %swap3A_186 = arith.index_cast %add3A_183 : i32 to index
      %swap3A_187 = tpu.vector_load %arg11[%swap3A_185, %swap3A_186] {strides = array<i32>} : memref<8x10257xf32, #tpu.memory_space<vmem>>, vector<16xf32>,
      tpu.vector_store %arg11[%swap3A_185, %swap3A_186], %broadcast_in_dim3A_179 {strides = array<i32>} : memref<8x10257xf32, #tpu.memory_space<vmem>>, vector<16xf32>,
      %broadcast_in_dim3A_188 = arith.constant 0.000000e+00 : f32
      %broadcast_in_dim3A_189 = vector.broadcast %broadcast_in_dim3A_188 : f32 to vector<16xf32>
      %mul3A_190 = arith.constant 128 : i32
      %mul3A_191 = arith.muli %mul3A_190, %scan3A_58 : i32
      %add3A_192 = arith.constant 80 : i32
      %add3A_193 = arith.addi %mul3A_191, %add3A_192 : i32
      %swap3A_194 = arith.constant 1 : i32
      %swap3A_195 = arith.index_cast %swap3A_194 : i32 to index
      %swap3A_196 = arith.index_cast %add3A_193 : i32 to index
      %swap3A_197 = tpu.vector_load %arg11[%swap3A_195, %swap3A_196] {strides = array<i32>} : memref<8x10257xf32, #tpu.memory_space<vmem>>, vector<16xf32>,
      tpu.vector_store %arg11[%swap3A_195, %swap3A_196], %broadcast_in_dim3A_189 {strides = array<i32>} : memref<8x10257xf32, #tpu.memory_space<vmem>>, vector<16xf32>,
      %broadcast_in_dim3A_198 = arith.constant 0.000000e+00 : f32
      %broadcast_in_dim3A_199 = vector.broadcast %broadcast_in_dim3A_198 : f32 to vector<16xf32>
      %mul3A_200 = arith.constant 128 : i32
      %mul3A_201 = arith.muli %mul3A_200, %scan3A_58 : i32
      %add3A_202 = arith.constant 96 : i32
      %add3A_203 = arith.addi %mul3A_201, %add3A_202 : i32
      %swap3A_204 = arith.constant 1 : i32
      %swap3A_205 = arith.index_cast %swap3A_204 : i32 to index
      %swap3A_206 = arith.index_cast %add3A_203 : i32 to index
      %swap3A_207 = tpu.vector_load %arg11[%swap3A_205, %swap3A_206] {strides = array<i32>} : memref<8x10257xf32, #tpu.memory_space<vmem>>, vector<16xf32>,
      tpu.vector_store %arg11[%swap3A_205, %swap3A_206], %broadcast_in_dim3A_199 {strides = array<i32>} : memref<8x10257xf32, #tpu.memory_space<vmem>>, vector<16xf32>,
      %broadcast_in_dim3A_208 = arith.constant 0.000000e+00 : f32
      %broadcast_in_dim3A_209 = vector.broadcast %broadcast_in_dim3A_208 : f32 to vector<16xf32>
      %mul3A_210 = arith.constant 128 : i32
      %mul3A_211 = arith.muli %mul3A_210, %scan3A_58 : i32
      %add3A_212 = arith.constant 112 : i32
      %add3A_213 = arith.addi %mul3A_211, %add3A_212 : i32
      %swap3A_214 = arith.constant 1 : i32
      %swap3A_215 = arith.index_cast %swap3A_214 : i32 to index
      %swap3A_216 = arith.index_cast %add3A_213 : i32 to index
      %swap3A_217 = tpu.vector_load %arg11[%swap3A_215, %swap3A_216] {strides = array<i32>} : memref<8x10257xf32, #tpu.memory_space<vmem>>, vector<16xf32>,
      tpu.vector_store %arg11[%swap3A_215, %swap3A_216], %broadcast_in_dim3A_209 {strides = array<i32>} : memref<8x10257xf32, #tpu.memory_space<vmem>>, vector<16xf32>,
      %broadcast_in_dim3A_218 = arith.constant 0.000000e+00 : f32
      %broadcast_in_dim3A_219 = vector.broadcast %broadcast_in_dim3A_218 : f32 to vector<16xf32>
      %mul3A_220 = arith.constant 128 : i32
      %mul3A_221 = arith.muli %mul3A_220, %scan3A_58 : i32
      %add3A_222 = arith.constant 0 : i32
      %add3A_223 = arith.addi %mul3A_221, %add3A_222 : i32
      %swap3A_224 = arith.constant 2 : i32
      %swap3A_225 = arith.index_cast %swap3A_224 : i32 to index
      %swap3A_226 = arith.index_cast %add3A_223 : i32 to index
      %swap3A_227 = tpu.vector_load %arg11[%swap3A_225, %swap3A_226] {strides = array<i32>} : memref<8x10257xf32, #tpu.memory_space<vmem>>, vector<16xf32>,
      tpu.vector_store %arg11[%swap3A_225, %swap3A_226], %broadcast_in_dim3A_219 {strides = array<i32>} : memref<8x10257xf32, #tpu.memory_space<vmem>>, vector<16xf32>,
      %broadcast_in_dim3A_228 = arith.constant 0.000000e+00 : f32
      %broadcast_in_dim3A_229 = vector.broadcast %broadcast_in_dim3A_228 : f32 to vector<16xf32>
      %mul3A_230 = arith.constant 128 : i32
      %mul3A_231 = arith.muli %mul3A_230, %scan3A_58 : i32
      %add3A_232 = arith.constant 16 : i32
      %add3A_233 = arith.addi %mul3A_231, %add3A_232 : i32
      %swap3A_234 = arith.constant 2 : i32
      %swap3A_235 = arith.index_cast %swap3A_234 : i32 to index
      %swap3A_236 = arith.index_cast %add3A_233 : i32 to index
      %swap3A_237 = tpu.vector_load %arg11[%swap3A_235, %swap3A_236] {strides = array<i32>} : memref<8x10257xf32, #tpu.memory_space<vmem>>, vector<16xf32>,
      tpu.vector_store %arg11[%swap3A_235, %swap3A_236], %broadcast_in_dim3A_229 {strides = array<i32>} : memref<8x10257xf32, #tpu.memory_space<vmem>>, vector<16xf32>,
      %broadcast_in_dim3A_238 = arith.constant 0.000000e+00 : f32
      %broadcast_in_dim3A_239 = vector.broadcast %broadcast_in_dim3A_238 : f32 to vector<16xf32>
      %mul3A_240 = arith.constant 128 : i32
      %mul3A_241 = arith.muli %mul3A_240, %scan3A_58 : i32
      %add3A_242 = arith.constant 32 : i32
      %add3A_243 = arith.addi %mul3A_241, %add3A_242 : i32
      %swap3A_244 = arith.constant 2 : i32
      %swap3A_245 = arith.index_cast %swap3A_244 : i32 to index
      %swap3A_246 = arith.index_cast %add3A_243 : i32 to index
      %swap3A_247 = tpu.vector_load %arg11[%swap3A_245, %swap3A_246] {strides = array<i32>} : memref<8x10257xf32, #tpu.memory_space<vmem>>, vector<16xf32>,
      tpu.vector_store %arg11[%swap3A_245, %swap3A_246], %broadcast_in_dim3A_239 {strides = array<i32>} : memref<8x10257xf32, #tpu.memory_space<vmem>>, vector<16xf32>,
      %broadcast_in_dim3A_248 = arith.constant 0.000000e+00 : f32
      %broadcast_in_dim3A_249 = vector.broadcast %broadcast_in_dim3A_248 : f32 to vector<16xf32>
      %mul3A_250 = arith.constant 128 : i32
      %mul3A_251 = arith.muli %mul3A_250, %scan3A_58 : i32
      %add3A_252 = arith.constant 48 : i32
      %add3A_253 = arith.addi %mul3A_251, %add3A_252 : i32
      %swap3A_254 = arith.constant 2 : i32
      %swap3A_255 = arith.index_cast %swap3A_254 : i32 to index
      %swap3A_256 = arith.index_cast %add3A_253 : i32 to index
      %swap3A_257 = tpu.vector_load %arg11[%swap3A_255, %swap3A_256] {strides = array<i32>} : memref<8x10257xf32, #tpu.memory_space<vmem>>, vector<16xf32>,
      tpu.vector_store %arg11[%swap3A_255, %swap3A_256], %broadcast_in_dim3A_249 {strides = array<i32>} : memref<8x10257xf32, #tpu.memory_space<vmem>>, vector<16xf32>,
      %broadcast_in_dim3A_258 = arith.constant 0.000000e+00 : f32
      %broadcast_in_dim3A_259 = vector.broadcast %broadcast_in_dim3A_258 : f32 to vector<16xf32>
      %mul3A_260 = arith.constant 128 : i32
      %mul3A_261 = arith.muli %mul3A_260, %scan3A_58 : i32
      %add3A_262 = arith.constant 64 : i32
      %add3A_263 = arith.addi %mul3A_261, %add3A_262 : i32
      %swap3A_264 = arith.constant 2 : i32
      %swap3A_265 = arith.index_cast %swap3A_264 : i32 to index
      %swap3A_266 = arith.index_cast %add3A_263 : i32 to index
      %swap3A_267 = tpu.vector_load %arg11[%swap3A_265, %swap3A_266] {strides = array<i32>} : memref<8x10257xf32, #tpu.memory_space<vmem>>, vector<16xf32>,
      tpu.vector_store %arg11[%swap3A_265, %swap3A_266], %broadcast_in_dim3A_259 {strides = array<i32>} : memref<8x10257xf32, #tpu.memory_space<vmem>>, vector<16xf32>,
      %broadcast_in_dim3A_268 = arith.constant 0.000000e+00 : f32
      %broadcast_in_dim3A_269 = vector.broadcast %broadcast_in_dim3A_268 : f32 to vector<16xf32>
      %mul3A_270 = arith.constant 128 : i32
      %mul3A_271 = arith.muli %mul3A_270, %scan3A_58 : i32
      %add3A_272 = arith.constant 80 : i32
      %add3A_273 = arith.addi %mul3A_271, %add3A_272 : i32
      %swap3A_274 = arith.constant 2 : i32
      %swap3A_275 = arith.index_cast %swap3A_274 : i32 to index
      %swap3A_276 = arith.index_cast %add3A_273 : i32 to index
      %swap3A_277 = tpu.vector_load %arg11[%swap3A_275, %swap3A_276] {strides = array<i32>} : memref<8x10257xf32, #tpu.memory_space<vmem>>, vector<16xf32>,
      tpu.vector_store %arg11[%swap3A_275, %swap3A_276], %broadcast_in_dim3A_269 {strides = array<i32>} : memref<8x10257xf32, #tpu.memory_space<vmem>>, vector<16xf32>,
      %broadcast_in_dim3A_278 = arith.constant 0.000000e+00 : f32
      %broadcast_in_dim3A_279 = vector.broadcast %broadcast_in_dim3A_278 : f32 to vector<16xf32>
      %mul3A_280 = arith.constant 128 : i32
      %mul3A_281 = arith.muli %mul3A_280, %scan3A_58 : i32
      %add3A_282 = arith.constant 96 : i32
      %add3A_283 = arith.addi %mul3A_281, %add3A_282 : i32
      %swap3A_284 = arith.constant 2 : i32
      %swap3A_285 = arith.index_cast %swap3A_284 : i32 to index
      %swap3A_286 = arith.index_cast %add3A_283 : i32 to index
      %swap3A_287 = tpu.vector_load %arg11[%swap3A_285, %swap3A_286] {strides = array<i32>} : memref<8x10257xf32, #tpu.memory_space<vmem>>, vector<16xf32>,
      tpu.vector_store %arg11[%swap3A_285, %swap3A_286], %broadcast_in_dim3A_279 {strides = array<i32>} : memref<8x10257xf32, #tpu.memory_space<vmem>>, vector<16xf32>,
      %broadcast_in_dim3A_288 = arith.constant 0.000000e+00 : f32
      %broadcast_in_dim3A_289 = vector.broadcast %broadcast_in_dim3A_288 : f32 to vector<16xf32>
      %mul3A_290 = arith.constant 128 : i32
      %mul3A_291 = arith.muli %mul3A_290, %scan3A_58 : i32
      %add3A_292 = arith.constant 112 : i32
      %add3A_293 = arith.addi %mul3A_291, %add3A_292 : i32
      %swap3A_294 = arith.constant 2 : i32
      %swap3A_295 = arith.index_cast %swap3A_294 : i32 to index
      %swap3A_296 = arith.index_cast %add3A_293 : i32 to index
      %swap3A_297 = tpu.vector_load %arg11[%swap3A_295, %swap3A_296] {strides = array<i32>} : memref<8x10257xf32, #tpu.memory_space<vmem>>, vector<16xf32>,
      tpu.vector_store %arg11[%swap3A_295, %swap3A_296], %broadcast_in_dim3A_289 {strides = array<i32>} : memref<8x10257xf32, #tpu.memory_space<vmem>>, vector<16xf32>,
      %broadcast_in_dim3A_298 = arith.constant 0.000000e+00 : f32
      %broadcast_in_dim3A_299 = vector.broadcast %broadcast_in_dim3A_298 : f32 to vector<16xf32>
      %mul3A_300 = arith.constant 128 : i32
      %mul3A_301 = arith.muli %mul3A_300, %scan3A_58 : i32
      %add3A_302 = arith.constant 0 : i32
      %add3A_303 = arith.addi %mul3A_301, %add3A_302 : i32
      %swap3A_304 = arith.constant 3 : i32
      %swap3A_305 = arith.index_cast %swap3A_304 : i32 to index
      %swap3A_306 = arith.index_cast %add3A_303 : i32 to index
      %swap3A_307 = tpu.vector_load %arg11[%swap3A_305, %swap3A_306] {strides = array<i32>} : memref<8x10257xf32, #tpu.memory_space<vmem>>, vector<16xf32>,
      tpu.vector_store %arg11[%swap3A_305, %swap3A_306], %broadcast_in_dim3A_299 {strides = array<i32>} : memref<8x10257xf32, #tpu.memory_space<vmem>>, vector<16xf32>,
      %broadcast_in_dim3A_308 = arith.constant 0.000000e+00 : f32
      %broadcast_in_dim3A_309 = vector.broadcast %broadcast_in_dim3A_308 : f32 to vector<16xf32>
      %mul3A_310 = arith.constant 128 : i32
      %mul3A_311 = arith.muli %mul3A_310, %scan3A_58 : i32
      %add3A_312 = arith.constant 16 : i32
      %add3A_313 = arith.addi %mul3A_311, %add3A_312 : i32
      %swap3A_314 = arith.constant 3 : i32
      %swap3A_315 = arith.index_cast %swap3A_314 : i32 to index
      %swap3A_316 = arith.index_cast %add3A_313 : i32 to index
      %swap3A_317 = tpu.vector_load %arg11[%swap3A_315, %swap3A_316] {strides = array<i32>} : memref<8x10257xf32, #tpu.memory_space<vmem>>, vector<16xf32>,
      tpu.vector_store %arg11[%swap3A_315, %swap3A_316], %broadcast_in_dim3A_309 {strides = array<i32>} : memref<8x10257xf32, #tpu.memory_space<vmem>>, vector<16xf32>,
      %broadcast_in_dim3A_318 = arith.constant 0.000000e+00 : f32
      %broadcast_in_dim3A_319 = vector.broadcast %broadcast_in_dim3A_318 : f32 to vector<16xf32>
      %mul3A_320 = arith.constant 128 : i32
      %mul3A_321 = arith.muli %mul3A_320, %scan3A_58 : i32
      %add3A_322 = arith.constant 32 : i32
      %add3A_323 = arith.addi %mul3A_321, %add3A_322 : i32
      %swap3A_324 = arith.constant 3 : i32
      %swap3A_325 = arith.index_cast %swap3A_324 : i32 to index
      %swap3A_326 = arith.index_cast %add3A_323 : i32 to index
      %swap3A_327 = tpu.vector_load %arg11[%swap3A_325, %swap3A_326] {strides = array<i32>} : memref<8x10257xf32, #tpu.memory_space<vmem>>, vector<16xf32>,
      tpu.vector_store %arg11[%swap3A_325, %swap3A_326], %broadcast_in_dim3A_319 {strides = array<i32>} : memref<8x10257xf32, #tpu.memory_space<vmem>>, vector<16xf32>,
      %broadcast_in_dim3A_328 = arith.constant 0.000000e+00 : f32
      %broadcast_in_dim3A_329 = vector.broadcast %broadcast_in_dim3A_328 : f32 to vector<16xf32>
      %mul3A_330 = arith.constant 128 : i32
      %mul3A_331 = arith.muli %mul3A_330, %scan3A_58 : i32
      %add3A_332 = arith.constant 48 : i32
      %add3A_333 = arith.addi %mul3A_331, %add3A_332 : i32
      %swap3A_334 = arith.constant 3 : i32
      %swap3A_335 = arith.index_cast %swap3A_334 : i32 to index
      %swap3A_336 = arith.index_cast %add3A_333 : i32 to index
      %swap3A_337 = tpu.vector_load %arg11[%swap3A_335, %swap3A_336] {strides = array<i32>} : memref<8x10257xf32, #tpu.memory_space<vmem>>, vector<16xf32>,
      tpu.vector_store %arg11[%swap3A_335, %swap3A_336], %broadcast_in_dim3A_329 {strides = array<i32>} : memref<8x10257xf32, #tpu.memory_space<vmem>>, vector<16xf32>,
      %broadcast_in_dim3A_338 = arith.constant 0.000000e+00 : f32
      %broadcast_in_dim3A_339 = vector.broadcast %broadcast_in_dim3A_338 : f32 to vector<16xf32>
      %mul3A_340 = arith.constant 128 : i32
      %mul3A_341 = arith.muli %mul3A_340, %scan3A_58 : i32
      %add3A_342 = arith.constant 64 : i32
      %add3A_343 = arith.addi %mul3A_341, %add3A_342 : i32
      %swap3A_344 = arith.constant 3 : i32
      %swap3A_345 = arith.index_cast %swap3A_344 : i32 to index
      %swap3A_346 = arith.index_cast %add3A_343 : i32 to index
      %swap3A_347 = tpu.vector_load %arg11[%swap3A_345, %swap3A_346] {strides = array<i32>} : memref<8x10257xf32, #tpu.memory_space<vmem>>, vector<16xf32>,
      tpu.vector_store %arg11[%swap3A_345, %swap3A_346], %broadcast_in_dim3A_339 {strides = array<i32>} : memref<8x10257xf32, #tpu.memory_space<vmem>>, vector<16xf32>,
      %broadcast_in_dim3A_348 = arith.constant 0.000000e+00 : f32
      %broadcast_in_dim3A_349 = vector.broadcast %broadcast_in_dim3A_348 : f32 to vector<16xf32>
      %mul3A_350 = arith.constant 128 : i32
      %mul3A_351 = arith.muli %mul3A_350, %scan3A_58 : i32
      %add3A_352 = arith.constant 80 : i32
      %add3A_353 = arith.addi %mul3A_351, %add3A_352 : i32
      %swap3A_354 = arith.constant 3 : i32
      %swap3A_355 = arith.index_cast %swap3A_354 : i32 to index
      %swap3A_356 = arith.index_cast %add3A_353 : i32 to index
      %swap3A_357 = tpu.vector_load %arg11[%swap3A_355, %swap3A_356] {strides = array<i32>} : memref<8x10257xf32, #tpu.memory_space<vmem>>, vector<16xf32>,
      tpu.vector_store %arg11[%swap3A_355, %swap3A_356], %broadcast_in_dim3A_349 {strides = array<i32>} : memref<8x10257xf32, #tpu.memory_space<vmem>>, vector<16xf32>,
      %broadcast_in_dim3A_358 = arith.constant 0.000000e+00 : f32
      %broadcast_in_dim3A_359 = vector.broadcast %broadcast_in_dim3A_358 : f32 to vector<16xf32>
      %mul3A_360 = arith.constant 128 : i32
      %mul3A_361 = arith.muli %mul3A_360, %scan3A_58 : i32
      %add3A_362 = arith.constant 96 : i32
      %add3A_363 = arith.addi %mul3A_361, %add3A_362 : i32
      %swap3A_364 = arith.constant 3 : i32
      %swap3A_365 = arith.index_cast %swap3A_364 : i32 to index
      %swap3A_366 = arith.index_cast %add3A_363 : i32 to index
      %swap3A_367 = tpu.vector_load %arg11[%swap3A_365, %swap3A_366] {strides = array<i32>} : memref<8x10257xf32, #tpu.memory_space<vmem>>, vector<16xf32>,
      tpu.vector_store %arg11[%swap3A_365, %swap3A_366], %broadcast_in_dim3A_359 {strides = array<i32>} : memref<8x10257xf32, #tpu.memory_space<vmem>>, vector<16xf32>,
      %broadcast_in_dim3A_368 = arith.constant 0.000000e+00 : f32
      %broadcast_in_dim3A_369 = vector.broadcast %broadcast_in_dim3A_368 : f32 to vector<16xf32>
      %mul3A_370 = arith.constant 128 : i32
      %mul3A_371 = arith.muli %mul3A_370, %scan3A_58 : i32
      %add3A_372 = arith.constant 112 : i32
      %add3A_373 = arith.addi %mul3A_371, %add3A_372 : i32
      %swap3A_374 = arith.constant 3 : i32
      %swap3A_375 = arith.index_cast %swap3A_374 : i32 to index
      %swap3A_376 = arith.index_cast %add3A_373 : i32 to index
      %swap3A_377 = tpu.vector_load %arg11[%swap3A_375, %swap3A_376] {strides = array<i32>} : memref<8x10257xf32, #tpu.memory_space<vmem>>, vector<16xf32>,
      tpu.vector_store %arg11[%swap3A_375, %swap3A_376], %broadcast_in_dim3A_369 {strides = array<i32>} : memref<8x10257xf32, #tpu.memory_space<vmem>>, vector<16xf32>,
      %broadcast_in_dim3A_378 = arith.constant 0.000000e+00 : f32
      %broadcast_in_dim3A_379 = vector.broadcast %broadcast_in_dim3A_378 : f32 to vector<16xf32>
      %mul3A_380 = arith.constant 128 : i32
      %mul3A_381 = arith.muli %mul3A_380, %scan3A_58 : i32
      %add3A_382 = arith.constant 0 : i32
      %add3A_383 = arith.addi %mul3A_381, %add3A_382 : i32
      %swap3A_384 = arith.constant 4 : i32
      %swap3A_385 = arith.index_cast %swap3A_384 : i32 to index
      %swap3A_386 = arith.index_cast %add3A_383 : i32 to index
      %swap3A_387 = tpu.vector_load %arg11[%swap3A_385, %swap3A_386] {strides = array<i32>} : memref<8x10257xf32, #tpu.memory_space<vmem>>, vector<16xf32>,
      tpu.vector_store %arg11[%swap3A_385, %swap3A_386], %broadcast_in_dim3A_379 {strides = array<i32>} : memref<8x10257xf32, #tpu.memory_space<vmem>>, vector<16xf32>,
      %broadcast_in_dim3A_388 = arith.constant 0.000000e+00 : f32
      %broadcast_in_dim3A_389 = vector.broadcast %broadcast_in_dim3A_388 : f32 to vector<16xf32>
      %mul3A_390 = arith.constant 128 : i32
      %mul3A_391 = arith.muli %mul3A_390, %scan3A_58 : i32
      %add3A_392 = arith.constant 16 : i32
      %add3A_393 = arith.addi %mul3A_391, %add3A_392 : i32
      %swap3A_394 = arith.constant 4 : i32
      %swap3A_395 = arith.index_cast %swap3A_394 : i32 to index
      %swap3A_396 = arith.index_cast %add3A_393 : i32 to index
      %swap3A_397 = tpu.vector_load %arg11[%swap3A_395, %swap3A_396] {strides = array<i32>} : memref<8x10257xf32, #tpu.memory_space<vmem>>, vector<16xf32>,
      tpu.vector_store %arg11[%swap3A_395, %swap3A_396], %broadcast_in_dim3A_389 {strides = array<i32>} : memref<8x10257xf32, #tpu.memory_space<vmem>>, vector<16xf32>,
      %broadcast_in_dim3A_398 = arith.constant 0.000000e+00 : f32
      %broadcast_in_dim3A_399 = vector.broadcast %broadcast_in_dim3A_398 : f32 to vector<16xf32>
      %mul3A_400 = arith.constant 128 : i32
      %mul3A_401 = arith.muli %mul3A_400, %scan3A_58 : i32
      %add3A_402 = arith.constant 32 : i32
      %add3A_403 = arith.addi %mul3A_401, %add3A_402 : i32
      %swap3A_404 = arith.constant 4 : i32
      %swap3A_405 = arith.index_cast %swap3A_404 : i32 to index
      %swap3A_406 = arith.index_cast %add3A_403 : i32 to index
      %swap3A_407 = tpu.vector_load %arg11[%swap3A_405, %swap3A_406] {strides = array<i32>} : memref<8x10257xf32, #tpu.memory_space<vmem>>, vector<16xf32>,
      tpu.vector_store %arg11[%swap3A_405, %swap3A_406], %broadcast_in_dim3A_399 {strides = array<i32>} : memref<8x10257xf32, #tpu.memory_space<vmem>>, vector<16xf32>,
      %broadcast_in_dim3A_408 = arith.constant 0.000000e+00 : f32
      %broadcast_in_dim3A_409 = vector.broadcast %broadcast_in_dim3A_408 : f32 to vector<16xf32>
      %mul3A_410 = arith.constant 128 : i32
      %mul3A_411 = arith.muli %mul3A_410, %scan3A_58 : i32
      %add3A_412 = arith.constant 48 : i32
      %add3A_413 = arith.addi %mul3A_411, %add3A_412 : i32
      %swap3A_414 = arith.constant 4 : i32
      %swap3A_415 = arith.index_cast %swap3A_414 : i32 to index
      %swap3A_416 = arith.index_cast %add3A_413 : i32 to index
      %swap3A_417 = tpu.vector_load %arg11[%swap3A_415, %swap3A_416] {strides = array<i32>} : memref<8x10257xf32, #tpu.memory_space<vmem>>, vector<16xf32>,
      tpu.vector_store %arg11[%swap3A_415, %swap3A_416], %broadcast_in_dim3A_409 {strides = array<i32>} : memref<8x10257xf32, #tpu.memory_space<vmem>>, vector<16xf32>,
      %broadcast_in_dim3A_418 = arith.constant 0.000000e+00 : f32
      %broadcast_in_dim3A_419 = vector.broadcast %broadcast_in_dim3A_418 : f32 to vector<16xf32>
      %mul3A_420 = arith.constant 128 : i32
      %mul3A_421 = arith.muli %mul3A_420, %scan3A_58 : i32
      %add3A_422 = arith.constant 64 : i32
      %add3A_423 = arith.addi %mul3A_421, %add3A_422 : i32
      %swap3A_424 = arith.constant 4 : i32
      %swap3A_425 = arith.index_cast %swap3A_424 : i32 to index
      %swap3A_426 = arith.index_cast %add3A_423 : i32 to index
      %swap3A_427 = tpu.vector_load %arg11[%swap3A_425, %swap3A_426] {strides = array<i32>} : memref<8x10257xf32, #tpu.memory_space<vmem>>, vector<16xf32>,
      tpu.vector_store %arg11[%swap3A_425, %swap3A_426], %broadcast_in_dim3A_419 {strides = array<i32>} : memref<8x10257xf32, #tpu.memory_space<vmem>>, vector<16xf32>,
      %broadcast_in_dim3A_428 = arith.constant 0.000000e+00 : f32
      %broadcast_in_dim3A_429 = vector.broadcast %broadcast_in_dim3A_428 : f32 to vector<16xf32>
      %mul3A_430 = arith.constant 128 : i32
      %mul3A_431 = arith.muli %mul3A_430, %scan3A_58 : i32
      %add3A_432 = arith.constant 80 : i32
      %add3A_433 = arith.addi %mul3A_431, %add3A_432 : i32
      %swap3A_434 = arith.constant 4 : i32
      %swap3A_435 = arith.index_cast %swap3A_434 : i32 to index
      %swap3A_436 = arith.index_cast %add3A_433 : i32 to index
      %swap3A_437 = tpu.vector_load %arg11[%swap3A_435, %swap3A_436] {strides = array<i32>} : memref<8x10257xf32, #tpu.memory_space<vmem>>, vector<16xf32>,
      tpu.vector_store %arg11[%swap3A_435, %swap3A_436], %broadcast_in_dim3A_429 {strides = array<i32>} : memref<8x10257xf32, #tpu.memory_space<vmem>>, vector<16xf32>,
      %broadcast_in_dim3A_438 = arith.constant 0.000000e+00 : f32
      %broadcast_in_dim3A_439 = vector.broadcast %broadcast_in_dim3A_438 : f32 to vector<16xf32>
      %mul3A_440 = arith.constant 128 : i32
      %mul3A_441 = arith.muli %mul3A_440, %scan3A_58 : i32
      %add3A_442 = arith.constant 96 : i32
      %add3A_443 = arith.addi %mul3A_441, %add3A_442 : i32
      %swap3A_444 = arith.constant 4 : i32
      %swap3A_445 = arith.index_cast %swap3A_444 : i32 to index
      %swap3A_446 = arith.index_cast %add3A_443 : i32 to index
      %swap3A_447 = tpu.vector_load %arg11[%swap3A_445, %swap3A_446] {strides = array<i32>} : memref<8x10257xf32, #tpu.memory_space<vmem>>, vector<16xf32>,
      tpu.vector_store %arg11[%swap3A_445, %swap3A_446], %broadcast_in_dim3A_439 {strides = array<i32>} : memref<8x10257xf32, #tpu.memory_space<vmem>>, vector<16xf32>,
      %broadcast_in_dim3A_448 = arith.constant 0.000000e+00 : f32
      %broadcast_in_dim3A_449 = vector.broadcast %broadcast_in_dim3A_448 : f32 to vector<16xf32>
      %mul3A_450 = arith.constant 128 : i32
      %mul3A_451 = arith.muli %mul3A_450, %scan3A_58 : i32
      %add3A_452 = arith.constant 112 : i32
      %add3A_453 = arith.addi %mul3A_451, %add3A_452 : i32
      %swap3A_454 = arith.constant 4 : i32
      %swap3A_455 = arith.index_cast %swap3A_454 : i32 to index
      %swap3A_456 = arith.index_cast %add3A_453 : i32 to index
      %swap3A_457 = tpu.vector_load %arg11[%swap3A_455, %swap3A_456] {strides = array<i32>} : memref<8x10257xf32, #tpu.memory_space<vmem>>, vector<16xf32>,
      tpu.vector_store %arg11[%swap3A_455, %swap3A_456], %broadcast_in_dim3A_449 {strides = array<i32>} : memref<8x10257xf32, #tpu.memory_space<vmem>>, vector<16xf32>,
      %broadcast_in_dim3A_458 = arith.constant 0.000000e+00 : f32
      %broadcast_in_dim3A_459 = vector.broadcast %broadcast_in_dim3A_458 : f32 to vector<16xf32>
      %mul3A_460 = arith.constant 128 : i32
      %mul3A_461 = arith.muli %mul3A_460, %scan3A_58 : i32
      %add3A_462 = arith.constant 0 : i32
      %add3A_463 = arith.addi %mul3A_461, %add3A_462 : i32
      %swap3A_464 = arith.constant 5 : i32
      %swap3A_465 = arith.index_cast %swap3A_464 : i32 to index
      %swap3A_466 = arith.index_cast %add3A_463 : i32 to index
      %swap3A_467 = tpu.vector_load %arg11[%swap3A_465, %swap3A_466] {strides = array<i32>} : memref<8x10257xf32, #tpu.memory_space<vmem>>, vector<16xf32>,
      tpu.vector_store %arg11[%swap3A_465, %swap3A_466], %broadcast_in_dim3A_459 {strides = array<i32>} : memref<8x10257xf32, #tpu.memory_space<vmem>>, vector<16xf32>,
      %broadcast_in_dim3A_468 = arith.constant 0.000000e+00 : f32
      %broadcast_in_dim3A_469 = vector.broadcast %broadcast_in_dim3A_468 : f32 to vector<16xf32>
      %mul3A_470 = arith.constant 128 : i32
      %mul3A_471 = arith.muli %mul3A_470, %scan3A_58 : i32
      %add3A_472 = arith.constant 16 : i32
      %add3A_473 = arith.addi %mul3A_471, %add3A_472 : i32
      %swap3A_474 = arith.constant 5 : i32
      %swap3A_475 = arith.index_cast %swap3A_474 : i32 to index
      %swap3A_476 = arith.index_cast %add3A_473 : i32 to index
      %swap3A_477 = tpu.vector_load %arg11[%swap3A_475, %swap3A_476] {strides = array<i32>} : memref<8x10257xf32, #tpu.memory_space<vmem>>, vector<16xf32>,
      tpu.vector_store %arg11[%swap3A_475, %swap3A_476], %broadcast_in_dim3A_469 {strides = array<i32>} : memref<8x10257xf32, #tpu.memory_space<vmem>>, vector<16xf32>,
      %broadcast_in_dim3A_478 = arith.constant 0.000000e+00 : f32
      %broadcast_in_dim3A_479 = vector.broadcast %broadcast_in_dim3A_478 : f32 to vector<16xf32>
      %mul3A_480 = arith.constant 128 : i32
      %mul3A_481 = arith.muli %mul3A_480, %scan3A_58 : i32
      %add3A_482 = arith.constant 32 : i32
      %add3A_483 = arith.addi %mul3A_481, %add3A_482 : i32
      %swap3A_484 = arith.constant 5 : i32
      %swap3A_485 = arith.index_cast %swap3A_484 : i32 to index
      %swap3A_486 = arith.index_cast %add3A_483 : i32 to index
      %swap3A_487 = tpu.vector_load %arg11[%swap3A_485, %swap3A_486] {strides = array<i32>} : memref<8x10257xf32, #tpu.memory_space<vmem>>, vector<16xf32>,
      tpu.vector_store %arg11[%swap3A_485, %swap3A_486], %broadcast_in_dim3A_479 {strides = array<i32>} : memref<8x10257xf32, #tpu.memory_space<vmem>>, vector<16xf32>,
      %broadcast_in_dim3A_488 = arith.constant 0.000000e+00 : f32
      %broadcast_in_dim3A_489 = vector.broadcast %broadcast_in_dim3A_488 : f32 to vector<16xf32>
      %mul3A_490 = arith.constant 128 : i32
      %mul3A_491 = arith.muli %mul3A_490, %scan3A_58 : i32
      %add3A_492 = arith.constant 48 : i32
      %add3A_493 = arith.addi %mul3A_491, %add3A_492 : i32
      %swap3A_494 = arith.constant 5 : i32
      %swap3A_495 = arith.index_cast %swap3A_494 : i32 to index
      %swap3A_496 = arith.index_cast %add3A_493 : i32 to index
      %swap3A_497 = tpu.vector_load %arg11[%swap3A_495, %swap3A_496] {strides = array<i32>} : memref<8x10257xf32, #tpu.memory_space<vmem>>, vector<16xf32>,
      tpu.vector_store %arg11[%swap3A_495, %swap3A_496], %broadcast_in_dim3A_489 {strides = array<i32>} : memref<8x10257xf32, #tpu.memory_space<vmem>>, vector<16xf32>,
      %broadcast_in_dim3A_498 = arith.constant 0.000000e+00 : f32
      %broadcast_in_dim3A_499 = vector.broadcast %broadcast_in_dim3A_498 : f32 to vector<16xf32>
      %mul3A_500 = arith.constant 128 : i32
      %mul3A_501 = arith.muli %mul3A_500, %scan3A_58 : i32
      %add3A_502 = arith.constant 64 : i32
      %add3A_503 = arith.addi %mul3A_501, %add3A_502 : i32
      %swap3A_504 = arith.constant 5 : i32
      %swap3A_505 = arith.index_cast %swap3A_504 : i32 to index
      %swap3A_506 = arith.index_cast %add3A_503 : i32 to index
      %swap3A_507 = tpu.vector_load %arg11[%swap3A_505, %swap3A_506] {strides = array<i32>} : memref<8x10257xf32, #tpu.memory_space<vmem>>, vector<16xf32>,
      tpu.vector_store %arg11[%swap3A_505, %swap3A_506], %broadcast_in_dim3A_499 {strides = array<i32>} : memref<8x10257xf32, #tpu.memory_space<vmem>>, vector<16xf32>,
      %broadcast_in_dim3A_508 = arith.constant 0.000000e+00 : f32
      %broadcast_in_dim3A_509 = vector.broadcast %broadcast_in_dim3A_508 : f32 to vector<16xf32>
      %mul3A_510 = arith.constant 128 : i32
      %mul3A_511 = arith.muli %mul3A_510, %scan3A_58 : i32
      %add3A_512 = arith.constant 80 : i32
      %add3A_513 = arith.addi %mul3A_511, %add3A_512 : i32
      %swap3A_514 = arith.constant 5 : i32
      %swap3A_515 = arith.index_cast %swap3A_514 : i32 to index
      %swap3A_516 = arith.index_cast %add3A_513 : i32 to index
      %swap3A_517 = tpu.vector_load %arg11[%swap3A_515, %swap3A_516] {strides = array<i32>} : memref<8x10257xf32, #tpu.memory_space<vmem>>, vector<16xf32>,
      tpu.vector_store %arg11[%swap3A_515, %swap3A_516], %broadcast_in_dim3A_509 {strides = array<i32>} : memref<8x10257xf32, #tpu.memory_space<vmem>>, vector<16xf32>,
      %broadcast_in_dim3A_518 = arith.constant 0.000000e+00 : f32
      %broadcast_in_dim3A_519 = vector.broadcast %broadcast_in_dim3A_518 : f32 to vector<16xf32>
      %mul3A_520 = arith.constant 128 : i32
      %mul3A_521 = arith.muli %mul3A_520, %scan3A_58 : i32
      %add3A_522 = arith.constant 96 : i32
      %add3A_523 = arith.addi %mul3A_521, %add3A_522 : i32
      %swap3A_524 = arith.constant 5 : i32
      %swap3A_525 = arith.index_cast %swap3A_524 : i32 to index
      %swap3A_526 = arith.index_cast %add3A_523 : i32 to index
      %swap3A_527 = tpu.vector_load %arg11[%swap3A_525, %swap3A_526] {strides = array<i32>} : memref<8x10257xf32, #tpu.memory_space<vmem>>, vector<16xf32>,
      tpu.vector_store %arg11[%swap3A_525, %swap3A_526], %broadcast_in_dim3A_519 {strides = array<i32>} : memref<8x10257xf32, #tpu.memory_space<vmem>>, vector<16xf32>,
      %broadcast_in_dim3A_528 = arith.constant 0.000000e+00 : f32
      %broadcast_in_dim3A_529 = vector.broadcast %broadcast_in_dim3A_528 : f32 to vector<16xf32>
      %mul3A_530 = arith.constant 128 : i32
      %mul3A_531 = arith.muli %mul3A_530, %scan3A_58 : i32
      %add3A_532 = arith.constant 112 : i32
      %add3A_533 = arith.addi %mul3A_531, %add3A_532 : i32
      %swap3A_534 = arith.constant 5 : i32
      %swap3A_535 = arith.index_cast %swap3A_534 : i32 to index
      %swap3A_536 = arith.index_cast %add3A_533 : i32 to index
      %swap3A_537 = tpu.vector_load %arg11[%swap3A_535, %swap3A_536] {strides = array<i32>} : memref<8x10257xf32, #tpu.memory_space<vmem>>, vector<16xf32>,
      tpu.vector_store %arg11[%swap3A_535, %swap3A_536], %broadcast_in_dim3A_529 {strides = array<i32>} : memref<8x10257xf32, #tpu.memory_space<vmem>>, vector<16xf32>,
      %broadcast_in_dim3A_538 = arith.constant 0.000000e+00 : f32
      %broadcast_in_dim3A_539 = vector.broadcast %broadcast_in_dim3A_538 : f32 to vector<16xf32>
      %mul3A_540 = arith.constant 128 : i32
      %mul3A_541 = arith.muli %mul3A_540, %scan3A_58 : i32
      %add3A_542 = arith.constant 0 : i32
      %add3A_543 = arith.addi %mul3A_541, %add3A_542 : i32
      %swap3A_544 = arith.constant 6 : i32
      %swap3A_545 = arith.index_cast %swap3A_544 : i32 to index
      %swap3A_546 = arith.index_cast %add3A_543 : i32 to index
      %swap3A_547 = tpu.vector_load %arg11[%swap3A_545, %swap3A_546] {strides = array<i32>} : memref<8x10257xf32, #tpu.memory_space<vmem>>, vector<16xf32>,
      tpu.vector_store %arg11[%swap3A_545, %swap3A_546], %broadcast_in_dim3A_539 {strides = array<i32>} : memref<8x10257xf32, #tpu.memory_space<vmem>>, vector<16xf32>,
      %broadcast_in_dim3A_548 = arith.constant 0.000000e+00 : f32
      %broadcast_in_dim3A_549 = vector.broadcast %broadcast_in_dim3A_548 : f32 to vector<16xf32>
      %mul3A_550 = arith.constant 128 : i32
      %mul3A_551 = arith.muli %mul3A_550, %scan3A_58 : i32
      %add3A_552 = arith.constant 16 : i32
      %add3A_553 = arith.addi %mul3A_551, %add3A_552 : i32
      %swap3A_554 = arith.constant 6 : i32
      %swap3A_555 = arith.index_cast %swap3A_554 : i32 to index
      %swap3A_556 = arith.index_cast %add3A_553 : i32 to index
      %swap3A_557 = tpu.vector_load %arg11[%swap3A_555, %swap3A_556] {strides = array<i32>} : memref<8x10257xf32, #tpu.memory_space<vmem>>, vector<16xf32>,
      tpu.vector_store %arg11[%swap3A_555, %swap3A_556], %broadcast_in_dim3A_549 {strides = array<i32>} : memref<8x10257xf32, #tpu.memory_space<vmem>>, vector<16xf32>,
      %broadcast_in_dim3A_558 = arith.constant 0.000000e+00 : f32
      %broadcast_in_dim3A_559 = vector.broadcast %broadcast_in_dim3A_558 : f32 to vector<16xf32>
      %mul3A_560 = arith.constant 128 : i32
      %mul3A_561 = arith.muli %mul3A_560, %scan3A_58 : i32
      %add3A_562 = arith.constant 32 : i32
      %add3A_563 = arith.addi %mul3A_561, %add3A_562 : i32
      %swap3A_564 = arith.constant 6 : i32
      %swap3A_565 = arith.index_cast %swap3A_564 : i32 to index
      %swap3A_566 = arith.index_cast %add3A_563 : i32 to index
      %swap3A_567 = tpu.vector_load %arg11[%swap3A_565, %swap3A_566] {strides = array<i32>} : memref<8x10257xf32, #tpu.memory_space<vmem>>, vector<16xf32>,
      tpu.vector_store %arg11[%swap3A_565, %swap3A_566], %broadcast_in_dim3A_559 {strides = array<i32>} : memref<8x10257xf32, #tpu.memory_space<vmem>>, vector<16xf32>,
      %broadcast_in_dim3A_568 = arith.constant 0.000000e+00 : f32
      %broadcast_in_dim3A_569 = vector.broadcast %broadcast_in_dim3A_568 : f32 to vector<16xf32>
      %mul3A_570 = arith.constant 128 : i32
      %mul3A_571 = arith.muli %mul3A_570, %scan3A_58 : i32
      %add3A_572 = arith.constant 48 : i32
      %add3A_573 = arith.addi %mul3A_571, %add3A_572 : i32
      %swap3A_574 = arith.constant 6 : i32
      %swap3A_575 = arith.index_cast %swap3A_574 : i32 to index
      %swap3A_576 = arith.index_cast %add3A_573 : i32 to index
      %swap3A_577 = tpu.vector_load %arg11[%swap3A_575, %swap3A_576] {strides = array<i32>} : memref<8x10257xf32, #tpu.memory_space<vmem>>, vector<16xf32>,
      tpu.vector_store %arg11[%swap3A_575, %swap3A_576], %broadcast_in_dim3A_569 {strides = array<i32>} : memref<8x10257xf32, #tpu.memory_space<vmem>>, vector<16xf32>,
      %broadcast_in_dim3A_578 = arith.constant 0.000000e+00 : f32
      %broadcast_in_dim3A_579 = vector.broadcast %broadcast_in_dim3A_578 : f32 to vector<16xf32>
      %mul3A_580 = arith.constant 128 : i32
      %mul3A_581 = arith.muli %mul3A_580, %scan3A_58 : i32
      %add3A_582 = arith.constant 64 : i32
      %add3A_583 = arith.addi %mul3A_581, %add3A_582 : i32
      %swap3A_584 = arith.constant 6 : i32
      %swap3A_585 = arith.index_cast %swap3A_584 : i32 to index
      %swap3A_586 = arith.index_cast %add3A_583 : i32 to index
      %swap3A_587 = tpu.vector_load %arg11[%swap3A_585, %swap3A_586] {strides = array<i32>} : memref<8x10257xf32, #tpu.memory_space<vmem>>, vector<16xf32>,
      tpu.vector_store %arg11[%swap3A_585, %swap3A_586], %broadcast_in_dim3A_579 {strides = array<i32>} : memref<8x10257xf32, #tpu.memory_space<vmem>>, vector<16xf32>,
      %broadcast_in_dim3A_588 = arith.constant 0.000000e+00 : f32
      %broadcast_in_dim3A_589 = vector.broadcast %broadcast_in_dim3A_588 : f32 to vector<16xf32>
      %mul3A_590 = arith.constant 128 : i32
      %mul3A_591 = arith.muli %mul3A_590, %scan3A_58 : i32
      %add3A_592 = arith.constant 80 : i32
      %add3A_593 = arith.addi %mul3A_591, %add3A_592 : i32
      %swap3A_594 = arith.constant 6 : i32
      %swap3A_595 = arith.index_cast %swap3A_594 : i32 to index
      %swap3A_596 = arith.index_cast %add3A_593 : i32 to index
      %swap3A_597 = tpu.vector_load %arg11[%swap3A_595, %swap3A_596] {strides = array<i32>} : memref<8x10257xf32, #tpu.memory_space<vmem>>, vector<16xf32>,
      tpu.vector_store %arg11[%swap3A_595, %swap3A_596], %broadcast_in_dim3A_589 {strides = array<i32>} : memref<8x10257xf32, #tpu.memory_space<vmem>>, vector<16xf32>,
      %broadcast_in_dim3A_598 = arith.constant 0.000000e+00 : f32
      %broadcast_in_dim3A_599 = vector.broadcast %broadcast_in_dim3A_598 : f32 to vector<16xf32>
      %mul3A_600 = arith.constant 128 : i32
      %mul3A_601 = arith.muli %mul3A_600, %scan3A_58 : i32
      %add3A_602 = arith.constant 96 : i32
      %add3A_603 = arith.addi %mul3A_601, %add3A_602 : i32
      %swap3A_604 = arith.constant 6 : i32
      %swap3A_605 = arith.index_cast %swap3A_604 : i32 to index
      %swap3A_606 = arith.index_cast %add3A_603 : i32 to index
      %swap3A_607 = tpu.vector_load %arg11[%swap3A_605, %swap3A_606] {strides = array<i32>} : memref<8x10257xf32, #tpu.memory_space<vmem>>, vector<16xf32>,
      tpu.vector_store %arg11[%swap3A_605, %swap3A_606], %broadcast_in_dim3A_599 {strides = array<i32>} : memref<8x10257xf32, #tpu.memory_space<vmem>>, vector<16xf32>,
      %broadcast_in_dim3A_608 = arith.constant 0.000000e+00 : f32
      %broadcast_in_dim3A_609 = vector.broadcast %broadcast_in_dim3A_608 : f32 to vector<16xf32>
      %mul3A_610 = arith.constant 128 : i32
      %mul3A_611 = arith.muli %mul3A_610, %scan3A_58 : i32
      %add3A_612 = arith.constant 112 : i32
      %add3A_613 = arith.addi %mul3A_611, %add3A_612 : i32
      %swap3A_614 = arith.constant 6 : i32
      %swap3A_615 = arith.index_cast %swap3A_614 : i32 to index
      %swap3A_616 = arith.index_cast %add3A_613 : i32 to index
      %swap3A_617 = tpu.vector_load %arg11[%swap3A_615, %swap3A_616] {strides = array<i32>} : memref<8x10257xf32, #tpu.memory_space<vmem>>, vector<16xf32>,
      tpu.vector_store %arg11[%swap3A_615, %swap3A_616], %broadcast_in_dim3A_609 {strides = array<i32>} : memref<8x10257xf32, #tpu.memory_space<vmem>>, vector<16xf32>,
      %broadcast_in_dim3A_618 = arith.constant 0.000000e+00 : f32
      %broadcast_in_dim3A_619 = vector.broadcast %broadcast_in_dim3A_618 : f32 to vector<16xf32>
      %mul3A_620 = arith.constant 128 : i32
      %mul3A_621 = arith.muli %mul3A_620, %scan3A_58 : i32
      %add3A_622 = arith.constant 0 : i32
      %add3A_623 = arith.addi %mul3A_621, %add3A_622 : i32
      %swap3A_624 = arith.constant 7 : i32
      %swap3A_625 = arith.index_cast %swap3A_624 : i32 to index
      %swap3A_626 = arith.index_cast %add3A_623 : i32 to index
      %swap3A_627 = tpu.vector_load %arg11[%swap3A_625, %swap3A_626] {strides = array<i32>} : memref<8x10257xf32, #tpu.memory_space<vmem>>, vector<16xf32>,
      tpu.vector_store %arg11[%swap3A_625, %swap3A_626], %broadcast_in_dim3A_619 {strides = array<i32>} : memref<8x10257xf32, #tpu.memory_space<vmem>>, vector<16xf32>,
      %broadcast_in_dim3A_628 = arith.constant 0.000000e+00 : f32
      %broadcast_in_dim3A_629 = vector.broadcast %broadcast_in_dim3A_628 : f32 to vector<16xf32>
      %mul3A_630 = arith.constant 128 : i32
      %mul3A_631 = arith.muli %mul3A_630, %scan3A_58 : i32
      %add3A_632 = arith.constant 16 : i32
      %add3A_633 = arith.addi %mul3A_631, %add3A_632 : i32
      %swap3A_634 = arith.constant 7 : i32
      %swap3A_635 = arith.index_cast %swap3A_634 : i32 to index
      %swap3A_636 = arith.index_cast %add3A_633 : i32 to index
      %swap3A_637 = tpu.vector_load %arg11[%swap3A_635, %swap3A_636] {strides = array<i32>} : memref<8x10257xf32, #tpu.memory_space<vmem>>, vector<16xf32>,
      tpu.vector_store %arg11[%swap3A_635, %swap3A_636], %broadcast_in_dim3A_629 {strides = array<i32>} : memref<8x10257xf32, #tpu.memory_space<vmem>>, vector<16xf32>,
      %broadcast_in_dim3A_638 = arith.constant 0.000000e+00 : f32
      %broadcast_in_dim3A_639 = vector.broadcast %broadcast_in_dim3A_638 : f32 to vector<16xf32>
      %mul3A_640 = arith.constant 128 : i32
      %mul3A_641 = arith.muli %mul3A_640, %scan3A_58 : i32
      %add3A_642 = arith.constant 32 : i32
      %add3A_643 = arith.addi %mul3A_641, %add3A_642 : i32
      %swap3A_644 = arith.constant 7 : i32
      %swap3A_645 = arith.index_cast %swap3A_644 : i32 to index
      %swap3A_646 = arith.index_cast %add3A_643 : i32 to index
      %swap3A_647 = tpu.vector_load %arg11[%swap3A_645, %swap3A_646] {strides = array<i32>} : memref<8x10257xf32, #tpu.memory_space<vmem>>, vector<16xf32>,
      tpu.vector_store %arg11[%swap3A_645, %swap3A_646], %broadcast_in_dim3A_639 {strides = array<i32>} : memref<8x10257xf32, #tpu.memory_space<vmem>>, vector<16xf32>,
      %broadcast_in_dim3A_648 = arith.constant 0.000000e+00 : f32
      %broadcast_in_dim3A_649 = vector.broadcast %broadcast_in_dim3A_648 : f32 to vector<16xf32>
      %mul3A_650 = arith.constant 128 : i32
      %mul3A_651 = arith.muli %mul3A_650, %scan3A_58 : i32
      %add3A_652 = arith.constant 48 : i32
      %add3A_653 = arith.addi %mul3A_651, %add3A_652 : i32
      %swap3A_654 = arith.constant 7 : i32
      %swap3A_655 = arith.index_cast %swap3A_654 : i32 to index
      %swap3A_656 = arith.index_cast %add3A_653 : i32 to index
      %swap3A_657 = tpu.vector_load %arg11[%swap3A_655, %swap3A_656] {strides = array<i32>} : memref<8x10257xf32, #tpu.memory_space<vmem>>, vector<16xf32>,
      tpu.vector_store %arg11[%swap3A_655, %swap3A_656], %broadcast_in_dim3A_649 {strides = array<i32>} : memref<8x10257xf32, #tpu.memory_space<vmem>>, vector<16xf32>,
      %broadcast_in_dim3A_658 = arith.constant 0.000000e+00 : f32
      %broadcast_in_dim3A_659 = vector.broadcast %broadcast_in_dim3A_658 : f32 to vector<16xf32>
      %mul3A_660 = arith.constant 128 : i32
      %mul3A_661 = arith.muli %mul3A_660, %scan3A_58 : i32
      %add3A_662 = arith.constant 64 : i32
      %add3A_663 = arith.addi %mul3A_661, %add3A_662 : i32
      %swap3A_664 = arith.constant 7 : i32
      %swap3A_665 = arith.index_cast %swap3A_664 : i32 to index
      %swap3A_666 = arith.index_cast %add3A_663 : i32 to index
      %swap3A_667 = tpu.vector_load %arg11[%swap3A_665, %swap3A_666] {strides = array<i32>} : memref<8x10257xf32, #tpu.memory_space<vmem>>, vector<16xf32>,
      tpu.vector_store %arg11[%swap3A_665, %swap3A_666], %broadcast_in_dim3A_659 {strides = array<i32>} : memref<8x10257xf32, #tpu.memory_space<vmem>>, vector<16xf32>,
      %broadcast_in_dim3A_668 = arith.constant 0.000000e+00 : f32
      %broadcast_in_dim3A_669 = vector.broadcast %broadcast_in_dim3A_668 : f32 to vector<16xf32>
      %mul3A_670 = arith.constant 128 : i32
      %mul3A_671 = arith.muli %mul3A_670, %scan3A_58 : i32
      %add3A_672 = arith.constant 80 : i32
      %add3A_673 = arith.addi %mul3A_671, %add3A_672 : i32
      %swap3A_674 = arith.constant 7 : i32
      %swap3A_675 = arith.index_cast %swap3A_674 : i32 to index
      %swap3A_676 = arith.index_cast %add3A_673 : i32 to index
      %swap3A_677 = tpu.vector_load %arg11[%swap3A_675, %swap3A_676] {strides = array<i32>} : memref<8x10257xf32, #tpu.memory_space<vmem>>, vector<16xf32>,
      tpu.vector_store %arg11[%swap3A_675, %swap3A_676], %broadcast_in_dim3A_669 {strides = array<i32>} : memref<8x10257xf32, #tpu.memory_space<vmem>>, vector<16xf32>,
      %broadcast_in_dim3A_678 = arith.constant 0.000000e+00 : f32
      %broadcast_in_dim3A_679 = vector.broadcast %broadcast_in_dim3A_678 : f32 to vector<16xf32>
      %mul3A_680 = arith.constant 128 : i32
      %mul3A_681 = arith.muli %mul3A_680, %scan3A_58 : i32
      %add3A_682 = arith.constant 96 : i32
      %add3A_683 = arith.addi %mul3A_681, %add3A_682 : i32
      %swap3A_684 = arith.constant 7 : i32
      %swap3A_685 = arith.index_cast %swap3A_684 : i32 to index
      %swap3A_686 = arith.index_cast %add3A_683 : i32 to index
      %swap3A_687 = tpu.vector_load %arg11[%swap3A_685, %swap3A_686] {strides = array<i32>} : memref<8x10257xf32, #tpu.memory_space<vmem>>, vector<16xf32>,
      tpu.vector_store %arg11[%swap3A_685, %swap3A_686], %broadcast_in_dim3A_679 {strides = array<i32>} : memref<8x10257xf32, #tpu.memory_space<vmem>>, vector<16xf32>,
      %broadcast_in_dim3A_688 = arith.constant 0.000000e+00 : f32
      %broadcast_in_dim3A_689 = vector.broadcast %broadcast_in_dim3A_688 : f32 to vector<16xf32>
      %mul3A_690 = arith.constant 128 : i32
      %mul3A_691 = arith.muli %mul3A_690, %scan3A_58 : i32
      %add3A_692 = arith.constant 112 : i32
      %add3A_693 = arith.addi %mul3A_691, %add3A_692 : i32
      %swap3A_694 = arith.constant 7 : i32
      %swap3A_695 = arith.index_cast %swap3A_694 : i32 to index
      %swap3A_696 = arith.index_cast %add3A_693 : i32 to index
      %swap3A_697 = tpu.vector_load %arg11[%swap3A_695, %swap3A_696] {strides = array<i32>} : memref<8x10257xf32, #tpu.memory_space<vmem>>, vector<16xf32>,
      tpu.vector_store %arg11[%swap3A_695, %swap3A_696], %broadcast_in_dim3A_689 {strides = array<i32>} : memref<8x10257xf32, #tpu.memory_space<vmem>>, vector<16xf32>,
    }
    %scan3A_38 = arith.constant 80 : i32
    %scan3A_39 = arith.constant 0 : i32
    %scan3A_40 = arith.constant 83 : i32
    %scan3A_41 = arith.addi %scan3A_39, %scan3A_40 : i32
    %scan3A_42 = arith.constant 1 : i32
    scf.for %scan3A_58 = %scan3A_39 to %scan3A_41 step %scan3A_42  : i32 {
      %mul3A_59 = arith.constant 3 : i32
      %mul3A_60 = arith.muli %mul3A_59, %scan3A_58 : i32
      %add3A_61 = arith.constant 0 : i32
      %add3A_62 = arith.addi %mul3A_60, %add3A_61 : i32
      %mul3A_63 = arith.constant 1280 : i32
      %mul3A_64 = arith.muli %add3A_62, %mul3A_63 : i32
      %add3A_65 = arith.addi %mul3A_19, %mul3A_64 : i32
      %dma_wait3A_66 = tpu.memref_slice %arg3[%add3A_65] : memref<640000xi32, #tpu.memory_space<hbm>> -> memref<1280xi32, #tpu.memory_space<hbm>>
      %dma_wait3A_67 = tpu.memref_slice %arg3[%add3A_65] : memref<640000xi32, #tpu.memory_space<hbm>> -> memref<1280xi32, #tpu.memory_space<hbm>>
      tpu.wait_dma2 semaphore(%arg12 : memref<!tpu.dma_semaphore, #tpu.memory_space<semaphore_mem>>) src(%dma_wait3A_67 : memref<1280xi32, #tpu.memory_space<hbm>>) dst(%arg8 : memref<1280xi32, #tpu.memory_space<vmem>>)
      %dma_wait3A_68 = tpu.memref_slice %arg2[%add3A, %mul3A_64] : memref<272x320000xf32, #tpu.memory_space<hbm>> -> memref<8x1280xf32, #tpu.memory_space<hbm>>
      %dma_wait3A_69 = tpu.memref_slice %arg2[%add3A, %mul3A_64] : memref<272x320000xf32, #tpu.memory_space<hbm>> -> memref<8x1280xf32, #tpu.memory_space<hbm>>
      tpu.wait_dma2 semaphore(%arg12 : memref<!tpu.dma_semaphore, #tpu.memory_space<semaphore_mem>>) src(%dma_wait3A_69 : memref<8x1280xf32, #tpu.memory_space<hbm>>) dst(%arg5 : memref<8x1280xf32, #tpu.memory_space<vmem>>)
      %scan3A_70 = arith.constant 0 : i32
      %scan3A_71 = arith.constant 20 : i32
      %scan3A_72 = arith.addi %scan3A_70, %scan3A_71 : i32
      %scan3A_73 = arith.constant 1 : i32
      scf.for %scan3A_125 = %scan3A_70 to %scan3A_72 step %scan3A_73  : i32 {
        %mul3A_126 = arith.constant 64 : i32
        %mul3A_127 = arith.muli %mul3A_126, %scan3A_125 : i32
        %add3A_128 = arith.constant 0 : i32
        %add3A_129 = arith.addi %mul3A_127, %add3A_128 : i32
        %get3A = arith.index_cast %add3A_129 : i32 to index
        %get3A_130 = tpu.vector_load %arg8[%get3A] {strides = array<i32>} : memref<1280xi32, #tpu.memory_space<vmem>>, vector<16xi32>,
        %mul3A_131 = arith.constant 64 : i32
        %mul3A_132 = arith.muli %mul3A_131, %scan3A_125 : i32
        %add3A_133 = arith.constant 16 : i32
        %add3A_134 = arith.addi %mul3A_132, %add3A_133 : i32
        %get3A_135 = arith.index_cast %add3A_134 : i32 to index
        %get3A_136 = tpu.vector_load %arg8[%get3A_135] {strides = array<i32>} : memref<1280xi32, #tpu.memory_space<vmem>>, vector<16xi32>,
        %mul3A_137 = arith.constant 64 : i32
        %mul3A_138 = arith.muli %mul3A_137, %scan3A_125 : i32
        %add3A_139 = arith.constant 32 : i32
        %add3A_140 = arith.addi %mul3A_138, %add3A_139 : i32
        %get3A_141 = arith.index_cast %add3A_140 : i32 to index
        %get3A_142 = tpu.vector_load %arg8[%get3A_141] {strides = array<i32>} : memref<1280xi32, #tpu.memory_space<vmem>>, vector<16xi32>,
        %mul3A_143 = arith.constant 64 : i32
        %mul3A_144 = arith.muli %mul3A_143, %scan3A_125 : i32
        %add3A_145 = arith.constant 48 : i32
        %add3A_146 = arith.addi %mul3A_144, %add3A_145 : i32
        %get3A_147 = arith.index_cast %add3A_146 : i32 to index
        %get3A_148 = tpu.vector_load %arg8[%get3A_147] {strides = array<i32>} : memref<1280xi32, #tpu.memory_space<vmem>>, vector<16xi32>,
        %mul3A_149 = arith.constant 64 : i32
        %mul3A_150 = arith.muli %mul3A_149, %scan3A_125 : i32
        %add3A_151 = arith.constant 0 : i32
        %add3A_152 = arith.addi %mul3A_150, %add3A_151 : i32
        %get3A_153 = arith.constant 0 : i32
        %get3A_154 = arith.index_cast %get3A_153 : i32 to index
        %get3A_155 = arith.index_cast %add3A_152 : i32 to index
        %get3A_156 = tpu.vector_load %arg5[%get3A_154, %get3A_155] {strides = array<i32>} : memref<8x1280xf32, #tpu.memory_space<vmem>>, vector<16xf32>,
        %mul3A_157 = arith.constant 64 : i32
        %mul3A_158 = arith.muli %mul3A_157, %scan3A_125 : i32
        %add3A_159 = arith.constant 0 : i32
        %add3A_160 = arith.addi %mul3A_158, %add3A_159 : i32
        %get3A_161 = arith.constant 1 : i32
        %get3A_162 = arith.index_cast %get3A_161 : i32 to index
        %get3A_163 = arith.index_cast %add3A_160 : i32 to index
        %get3A_164 = tpu.vector_load %arg5[%get3A_162, %get3A_163] {strides = array<i32>} : memref<8x1280xf32, #tpu.memory_space<vmem>>, vector<16xf32>,
        %mul3A_165 = arith.constant 64 : i32
        %mul3A_166 = arith.muli %mul3A_165, %scan3A_125 : i32
        %add3A_167 = arith.constant 0 : i32
        %add3A_168 = arith.addi %mul3A_166, %add3A_167 : i32
        %get3A_169 = arith.constant 2 : i32
        %get3A_170 = arith.index_cast %get3A_169 : i32 to index
        %get3A_171 = arith.index_cast %add3A_168 : i32 to index
        %get3A_172 = tpu.vector_load %arg5[%get3A_170, %get3A_171] {strides = array<i32>} : memref<8x1280xf32, #tpu.memory_space<vmem>>, vector<16xf32>,
        %mul3A_173 = arith.constant 64 : i32
        %mul3A_174 = arith.muli %mul3A_173, %scan3A_125 : i32
        %add3A_175 = arith.constant 0 : i32
        %add3A_176 = arith.addi %mul3A_174, %add3A_175 : i32
        %get3A_177 = arith.constant 3 : i32
        %get3A_178 = arith.index_cast %get3A_177 : i32 to index
        %get3A_179 = arith.index_cast %add3A_176 : i32 to index
        %get3A_180 = tpu.vector_load %arg5[%get3A_178, %get3A_179] {strides = array<i32>} : memref<8x1280xf32, #tpu.memory_space<vmem>>, vector<16xf32>,
        %mul3A_181 = arith.constant 64 : i32
        %mul3A_182 = arith.muli %mul3A_181, %scan3A_125 : i32
        %add3A_183 = arith.constant 0 : i32
        %add3A_184 = arith.addi %mul3A_182, %add3A_183 : i32
        %get3A_185 = arith.constant 4 : i32
        %get3A_186 = arith.index_cast %get3A_185 : i32 to index
        %get3A_187 = arith.index_cast %add3A_184 : i32 to index
        %get3A_188 = tpu.vector_load %arg5[%get3A_186, %get3A_187] {strides = array<i32>} : memref<8x1280xf32, #tpu.memory_space<vmem>>, vector<16xf32>,
        %mul3A_189 = arith.constant 64 : i32
        %mul3A_190 = arith.muli %mul3A_189, %scan3A_125 : i32
        %add3A_191 = arith.constant 0 : i32
        %add3A_192 = arith.addi %mul3A_190, %add3A_191 : i32
        %get3A_193 = arith.constant 5 : i32
        %get3A_194 = arith.index_cast %get3A_193 : i32 to index
        %get3A_195 = arith.index_cast %add3A_192 : i32 to index
        %get3A_196 = tpu.vector_load %arg5[%get3A_194, %get3A_195] {strides = array<i32>} : memref<8x1280xf32, #tpu.memory_space<vmem>>, vector<16xf32>,
        %mul3A_197 = arith.constant 64 : i32
        %mul3A_198 = arith.muli %mul3A_197, %scan3A_125 : i32
        %add3A_199 = arith.constant 0 : i32
        %add3A_200 = arith.addi %mul3A_198, %add3A_199 : i32
        %get3A_201 = arith.constant 6 : i32
        %get3A_202 = arith.index_cast %get3A_201 : i32 to index
        %get3A_203 = arith.index_cast %add3A_200 : i32 to index
        %get3A_204 = tpu.vector_load %arg5[%get3A_202, %get3A_203] {strides = array<i32>} : memref<8x1280xf32, #tpu.memory_space<vmem>>, vector<16xf32>,
        %mul3A_205 = arith.constant 64 : i32
        %mul3A_206 = arith.muli %mul3A_205, %scan3A_125 : i32
        %add3A_207 = arith.constant 0 : i32
        %add3A_208 = arith.addi %mul3A_206, %add3A_207 : i32
        %get3A_209 = arith.constant 7 : i32
        %get3A_210 = arith.index_cast %get3A_209 : i32 to index
        %get3A_211 = arith.index_cast %add3A_208 : i32 to index
        %get3A_212 = tpu.vector_load %arg5[%get3A_210, %get3A_211] {strides = array<i32>} : memref<8x1280xf32, #tpu.memory_space<vmem>>, vector<16xf32>,
        %mul3A_213 = arith.constant 64 : i32
        %mul3A_214 = arith.muli %mul3A_213, %scan3A_125 : i32
        %add3A_215 = arith.constant 16 : i32
        %add3A_216 = arith.addi %mul3A_214, %add3A_215 : i32
        %get3A_217 = arith.constant 0 : i32
        %get3A_218 = arith.index_cast %get3A_217 : i32 to index
        %get3A_219 = arith.index_cast %add3A_216 : i32 to index
        %get3A_220 = tpu.vector_load %arg5[%get3A_218, %get3A_219] {strides = array<i32>} : memref<8x1280xf32, #tpu.memory_space<vmem>>, vector<16xf32>,
        %mul3A_221 = arith.constant 64 : i32
        %mul3A_222 = arith.muli %mul3A_221, %scan3A_125 : i32
        %add3A_223 = arith.constant 16 : i32
        %add3A_224 = arith.addi %mul3A_222, %add3A_223 : i32
        %get3A_225 = arith.constant 1 : i32
        %get3A_226 = arith.index_cast %get3A_225 : i32 to index
        %get3A_227 = arith.index_cast %add3A_224 : i32 to index
        %get3A_228 = tpu.vector_load %arg5[%get3A_226, %get3A_227] {strides = array<i32>} : memref<8x1280xf32, #tpu.memory_space<vmem>>, vector<16xf32>,
        %mul3A_229 = arith.constant 64 : i32
        %mul3A_230 = arith.muli %mul3A_229, %scan3A_125 : i32
        %add3A_231 = arith.constant 16 : i32
        %add3A_232 = arith.addi %mul3A_230, %add3A_231 : i32
        %get3A_233 = arith.constant 2 : i32
        %get3A_234 = arith.index_cast %get3A_233 : i32 to index
        %get3A_235 = arith.index_cast %add3A_232 : i32 to index
        %get3A_236 = tpu.vector_load %arg5[%get3A_234, %get3A_235] {strides = array<i32>} : memref<8x1280xf32, #tpu.memory_space<vmem>>, vector<16xf32>,
        %mul3A_237 = arith.constant 64 : i32
        %mul3A_238 = arith.muli %mul3A_237, %scan3A_125 : i32
        %add3A_239 = arith.constant 16 : i32
        %add3A_240 = arith.addi %mul3A_238, %add3A_239 : i32
        %get3A_241 = arith.constant 3 : i32
        %get3A_242 = arith.index_cast %get3A_241 : i32 to index
        %get3A_243 = arith.index_cast %add3A_240 : i32 to index
        %get3A_244 = tpu.vector_load %arg5[%get3A_242, %get3A_243] {strides = array<i32>} : memref<8x1280xf32, #tpu.memory_space<vmem>>, vector<16xf32>,
        %mul3A_245 = arith.constant 64 : i32
        %mul3A_246 = arith.muli %mul3A_245, %scan3A_125 : i32
        %add3A_247 = arith.constant 16 : i32
        %add3A_248 = arith.addi %mul3A_246, %add3A_247 : i32
        %get3A_249 = arith.constant 4 : i32
        %get3A_250 = arith.index_cast %get3A_249 : i32 to index
        %get3A_251 = arith.index_cast %add3A_248 : i32 to index
        %get3A_252 = tpu.vector_load %arg5[%get3A_250, %get3A_251] {strides = array<i32>} : memref<8x1280xf32, #tpu.memory_space<vmem>>, vector<16xf32>,
        %mul3A_253 = arith.constant 64 : i32
        %mul3A_254 = arith.muli %mul3A_253, %scan3A_125 : i32
        %add3A_255 = arith.constant 16 : i32
        %add3A_256 = arith.addi %mul3A_254, %add3A_255 : i32
        %get3A_257 = arith.constant 5 : i32
        %get3A_258 = arith.index_cast %get3A_257 : i32 to index
        %get3A_259 = arith.index_cast %add3A_256 : i32 to index
        %get3A_260 = tpu.vector_load %arg5[%get3A_258, %get3A_259] {strides = array<i32>} : memref<8x1280xf32, #tpu.memory_space<vmem>>, vector<16xf32>,
        %mul3A_261 = arith.constant 64 : i32
        %mul3A_262 = arith.muli %mul3A_261, %scan3A_125 : i32
        %add3A_263 = arith.constant 16 : i32
        %add3A_264 = arith.addi %mul3A_262, %add3A_263 : i32
        %get3A_265 = arith.constant 6 : i32
        %get3A_266 = arith.index_cast %get3A_265 : i32 to index
        %get3A_267 = arith.index_cast %add3A_264 : i32 to index
        %get3A_268 = tpu.vector_load %arg5[%get3A_266, %get3A_267] {strides = array<i32>} : memref<8x1280xf32, #tpu.memory_space<vmem>>, vector<16xf32>,
        %mul3A_269 = arith.constant 64 : i32
        %mul3A_270 = arith.muli %mul3A_269, %scan3A_125 : i32
        %add3A_271 = arith.constant 16 : i32
        %add3A_272 = arith.addi %mul3A_270, %add3A_271 : i32
        %get3A_273 = arith.constant 7 : i32
        %get3A_274 = arith.index_cast %get3A_273 : i32 to index
        %get3A_275 = arith.index_cast %add3A_272 : i32 to index
        %get3A_276 = tpu.vector_load %arg5[%get3A_274, %get3A_275] {strides = array<i32>} : memref<8x1280xf32, #tpu.memory_space<vmem>>, vector<16xf32>,
        %mul3A_277 = arith.constant 64 : i32
        %mul3A_278 = arith.muli %mul3A_277, %scan3A_125 : i32
        %add3A_279 = arith.constant 32 : i32
        %add3A_280 = arith.addi %mul3A_278, %add3A_279 : i32
        %get3A_281 = arith.constant 0 : i32
        %get3A_282 = arith.index_cast %get3A_281 : i32 to index
        %get3A_283 = arith.index_cast %add3A_280 : i32 to index
        %get3A_284 = tpu.vector_load %arg5[%get3A_282, %get3A_283] {strides = array<i32>} : memref<8x1280xf32, #tpu.memory_space<vmem>>, vector<16xf32>,
        %mul3A_285 = arith.constant 64 : i32
        %mul3A_286 = arith.muli %mul3A_285, %scan3A_125 : i32
        %add3A_287 = arith.constant 32 : i32
        %add3A_288 = arith.addi %mul3A_286, %add3A_287 : i32
        %get3A_289 = arith.constant 1 : i32
        %get3A_290 = arith.index_cast %get3A_289 : i32 to index
        %get3A_291 = arith.index_cast %add3A_288 : i32 to index
        %get3A_292 = tpu.vector_load %arg5[%get3A_290, %get3A_291] {strides = array<i32>} : memref<8x1280xf32, #tpu.memory_space<vmem>>, vector<16xf32>,
        %mul3A_293 = arith.constant 64 : i32
        %mul3A_294 = arith.muli %mul3A_293, %scan3A_125 : i32
        %add3A_295 = arith.constant 32 : i32
        %add3A_296 = arith.addi %mul3A_294, %add3A_295 : i32
        %get3A_297 = arith.constant 2 : i32
        %get3A_298 = arith.index_cast %get3A_297 : i32 to index
        %get3A_299 = arith.index_cast %add3A_296 : i32 to index
        %get3A_300 = tpu.vector_load %arg5[%get3A_298, %get3A_299] {strides = array<i32>} : memref<8x1280xf32, #tpu.memory_space<vmem>>, vector<16xf32>,
        %mul3A_301 = arith.constant 64 : i32
        %mul3A_302 = arith.muli %mul3A_301, %scan3A_125 : i32
        %add3A_303 = arith.constant 32 : i32
        %add3A_304 = arith.addi %mul3A_302, %add3A_303 : i32
        %get3A_305 = arith.constant 3 : i32
        %get3A_306 = arith.index_cast %get3A_305 : i32 to index
        %get3A_307 = arith.index_cast %add3A_304 : i32 to index
        %get3A_308 = tpu.vector_load %arg5[%get3A_306, %get3A_307] {strides = array<i32>} : memref<8x1280xf32, #tpu.memory_space<vmem>>, vector<16xf32>,
        %mul3A_309 = arith.constant 64 : i32
        %mul3A_310 = arith.muli %mul3A_309, %scan3A_125 : i32
        %add3A_311 = arith.constant 32 : i32
        %add3A_312 = arith.addi %mul3A_310, %add3A_311 : i32
        %get3A_313 = arith.constant 4 : i32
        %get3A_314 = arith.index_cast %get3A_313 : i32 to index
        %get3A_315 = arith.index_cast %add3A_312 : i32 to index
        %get3A_316 = tpu.vector_load %arg5[%get3A_314, %get3A_315] {strides = array<i32>} : memref<8x1280xf32, #tpu.memory_space<vmem>>, vector<16xf32>,
        %mul3A_317 = arith.constant 64 : i32
        %mul3A_318 = arith.muli %mul3A_317, %scan3A_125 : i32
        %add3A_319 = arith.constant 32 : i32
        %add3A_320 = arith.addi %mul3A_318, %add3A_319 : i32
        %get3A_321 = arith.constant 5 : i32
        %get3A_322 = arith.index_cast %get3A_321 : i32 to index
        %get3A_323 = arith.index_cast %add3A_320 : i32 to index
        %get3A_324 = tpu.vector_load %arg5[%get3A_322, %get3A_323] {strides = array<i32>} : memref<8x1280xf32, #tpu.memory_space<vmem>>, vector<16xf32>,
        %mul3A_325 = arith.constant 64 : i32
        %mul3A_326 = arith.muli %mul3A_325, %scan3A_125 : i32
        %add3A_327 = arith.constant 32 : i32
        %add3A_328 = arith.addi %mul3A_326, %add3A_327 : i32
        %get3A_329 = arith.constant 6 : i32
        %get3A_330 = arith.index_cast %get3A_329 : i32 to index
        %get3A_331 = arith.index_cast %add3A_328 : i32 to index
        %get3A_332 = tpu.vector_load %arg5[%get3A_330, %get3A_331] {strides = array<i32>} : memref<8x1280xf32, #tpu.memory_space<vmem>>, vector<16xf32>,
        %mul3A_333 = arith.constant 64 : i32
        %mul3A_334 = arith.muli %mul3A_333, %scan3A_125 : i32
        %add3A_335 = arith.constant 32 : i32
        %add3A_336 = arith.addi %mul3A_334, %add3A_335 : i32
        %get3A_337 = arith.constant 7 : i32
        %get3A_338 = arith.index_cast %get3A_337 : i32 to index
        %get3A_339 = arith.index_cast %add3A_336 : i32 to index
        %get3A_340 = tpu.vector_load %arg5[%get3A_338, %get3A_339] {strides = array<i32>} : memref<8x1280xf32, #tpu.memory_space<vmem>>, vector<16xf32>,
        %mul3A_341 = arith.constant 64 : i32
        %mul3A_342 = arith.muli %mul3A_341, %scan3A_125 : i32
        %add3A_343 = arith.constant 48 : i32
        %add3A_344 = arith.addi %mul3A_342, %add3A_343 : i32
        %get3A_345 = arith.constant 0 : i32
        %get3A_346 = arith.index_cast %get3A_345 : i32 to index
        %get3A_347 = arith.index_cast %add3A_344 : i32 to index
        %get3A_348 = tpu.vector_load %arg5[%get3A_346, %get3A_347] {strides = array<i32>} : memref<8x1280xf32, #tpu.memory_space<vmem>>, vector<16xf32>,
        %mul3A_349 = arith.constant 64 : i32
        %mul3A_350 = arith.muli %mul3A_349, %scan3A_125 : i32
        %add3A_351 = arith.constant 48 : i32
        %add3A_352 = arith.addi %mul3A_350, %add3A_351 : i32
        %get3A_353 = arith.constant 1 : i32
        %get3A_354 = arith.index_cast %get3A_353 : i32 to index
        %get3A_355 = arith.index_cast %add3A_352 : i32 to index
        %get3A_356 = tpu.vector_load %arg5[%get3A_354, %get3A_355] {strides = array<i32>} : memref<8x1280xf32, #tpu.memory_space<vmem>>, vector<16xf32>,
        %mul3A_357 = arith.constant 64 : i32
        %mul3A_358 = arith.muli %mul3A_357, %scan3A_125 : i32
        %add3A_359 = arith.constant 48 : i32
        %add3A_360 = arith.addi %mul3A_358, %add3A_359 : i32
        %get3A_361 = arith.constant 2 : i32
        %get3A_362 = arith.index_cast %get3A_361 : i32 to index
        %get3A_363 = arith.index_cast %add3A_360 : i32 to index
        %get3A_364 = tpu.vector_load %arg5[%get3A_362, %get3A_363] {strides = array<i32>} : memref<8x1280xf32, #tpu.memory_space<vmem>>, vector<16xf32>,
        %mul3A_365 = arith.constant 64 : i32
        %mul3A_366 = arith.muli %mul3A_365, %scan3A_125 : i32
        %add3A_367 = arith.constant 48 : i32
        %add3A_368 = arith.addi %mul3A_366, %add3A_367 : i32
        %get3A_369 = arith.constant 3 : i32
        %get3A_370 = arith.index_cast %get3A_369 : i32 to index
        %get3A_371 = arith.index_cast %add3A_368 : i32 to index
        %get3A_372 = tpu.vector_load %arg5[%get3A_370, %get3A_371] {strides = array<i32>} : memref<8x1280xf32, #tpu.memory_space<vmem>>, vector<16xf32>,
        %mul3A_373 = arith.constant 64 : i32
        %mul3A_374 = arith.muli %mul3A_373, %scan3A_125 : i32
        %add3A_375 = arith.constant 48 : i32
        %add3A_376 = arith.addi %mul3A_374, %add3A_375 : i32
        %get3A_377 = arith.constant 4 : i32
        %get3A_378 = arith.index_cast %get3A_377 : i32 to index
        %get3A_379 = arith.index_cast %add3A_376 : i32 to index
        %get3A_380 = tpu.vector_load %arg5[%get3A_378, %get3A_379] {strides = array<i32>} : memref<8x1280xf32, #tpu.memory_space<vmem>>, vector<16xf32>,
        %mul3A_381 = arith.constant 64 : i32
        %mul3A_382 = arith.muli %mul3A_381, %scan3A_125 : i32
        %add3A_383 = arith.constant 48 : i32
        %add3A_384 = arith.addi %mul3A_382, %add3A_383 : i32
        %get3A_385 = arith.constant 5 : i32
        %get3A_386 = arith.index_cast %get3A_385 : i32 to index
        %get3A_387 = arith.index_cast %add3A_384 : i32 to index
        %get3A_388 = tpu.vector_load %arg5[%get3A_386, %get3A_387] {strides = array<i32>} : memref<8x1280xf32, #tpu.memory_space<vmem>>, vector<16xf32>,
        %mul3A_389 = arith.constant 64 : i32
        %mul3A_390 = arith.muli %mul3A_389, %scan3A_125 : i32
        %add3A_391 = arith.constant 48 : i32
        %add3A_392 = arith.addi %mul3A_390, %add3A_391 : i32
        %get3A_393 = arith.constant 6 : i32
        %get3A_394 = arith.index_cast %get3A_393 : i32 to index
        %get3A_395 = arith.index_cast %add3A_392 : i32 to index
        %get3A_396 = tpu.vector_load %arg5[%get3A_394, %get3A_395] {strides = array<i32>} : memref<8x1280xf32, #tpu.memory_space<vmem>>, vector<16xf32>,
        %mul3A_397 = arith.constant 64 : i32
        %mul3A_398 = arith.muli %mul3A_397, %scan3A_125 : i32
        %add3A_399 = arith.constant 48 : i32
        %add3A_400 = arith.addi %mul3A_398, %add3A_399 : i32
        %get3A_401 = arith.constant 7 : i32
        %get3A_402 = arith.index_cast %get3A_401 : i32 to index
        %get3A_403 = arith.index_cast %add3A_400 : i32 to index
        %get3A_404 = tpu.vector_load %arg5[%get3A_402, %get3A_403] {strides = array<i32>} : memref<8x1280xf32, #tpu.memory_space<vmem>>, vector<16xf32>,
        tpu.vector_store_idx %arg11[%broadcast_in_dim3A_3, %get3A_130], %get3A_156 {add = true} : memref<8x10257xf32, #tpu.memory_space<vmem>>[vector<16xi32>, vector<16xi32>], vector<16xf32>,
        tpu.vector_store_idx %arg11[%broadcast_in_dim3A_5, %get3A_130], %get3A_164 {add = true} : memref<8x10257xf32, #tpu.memory_space<vmem>>[vector<16xi32>, vector<16xi32>], vector<16xf32>,
        tpu.vector_store_idx %arg11[%broadcast_in_dim3A_7, %get3A_130], %get3A_172 {add = true} : memref<8x10257xf32, #tpu.memory_space<vmem>>[vector<16xi32>, vector<16xi32>], vector<16xf32>,
        tpu.vector_store_idx %arg11[%broadcast_in_dim3A_9, %get3A_130], %get3A_180 {add = true} : memref<8x10257xf32, #tpu.memory_space<vmem>>[vector<16xi32>, vector<16xi32>], vector<16xf32>,
        tpu.vector_store_idx %arg11[%broadcast_in_dim3A_11, %get3A_130], %get3A_188 {add = true} : memref<8x10257xf32, #tpu.memory_space<vmem>>[vector<16xi32>, vector<16xi32>], vector<16xf32>,
        tpu.vector_store_idx %arg11[%broadcast_in_dim3A_13, %get3A_130], %get3A_196 {add = true} : memref<8x10257xf32, #tpu.memory_space<vmem>>[vector<16xi32>, vector<16xi32>], vector<16xf32>,
        tpu.vector_store_idx %arg11[%broadcast_in_dim3A_15, %get3A_130], %get3A_204 {add = true} : memref<8x10257xf32, #tpu.memory_space<vmem>>[vector<16xi32>, vector<16xi32>], vector<16xf32>,
        tpu.vector_store_idx %arg11[%broadcast_in_dim3A_17, %get3A_130], %get3A_212 {add = true} : memref<8x10257xf32, #tpu.memory_space<vmem>>[vector<16xi32>, vector<16xi32>], vector<16xf32>,
        tpu.vector_store_idx %arg11[%broadcast_in_dim3A_3, %get3A_136], %get3A_220 {add = true} : memref<8x10257xf32, #tpu.memory_space<vmem>>[vector<16xi32>, vector<16xi32>], vector<16xf32>,
        tpu.vector_store_idx %arg11[%broadcast_in_dim3A_5, %get3A_136], %get3A_228 {add = true} : memref<8x10257xf32, #tpu.memory_space<vmem>>[vector<16xi32>, vector<16xi32>], vector<16xf32>,
        tpu.vector_store_idx %arg11[%broadcast_in_dim3A_7, %get3A_136], %get3A_236 {add = true} : memref<8x10257xf32, #tpu.memory_space<vmem>>[vector<16xi32>, vector<16xi32>], vector<16xf32>,
        tpu.vector_store_idx %arg11[%broadcast_in_dim3A_9, %get3A_136], %get3A_244 {add = true} : memref<8x10257xf32, #tpu.memory_space<vmem>>[vector<16xi32>, vector<16xi32>], vector<16xf32>,
        tpu.vector_store_idx %arg11[%broadcast_in_dim3A_11, %get3A_136], %get3A_252 {add = true} : memref<8x10257xf32, #tpu.memory_space<vmem>>[vector<16xi32>, vector<16xi32>], vector<16xf32>,
        tpu.vector_store_idx %arg11[%broadcast_in_dim3A_13, %get3A_136], %get3A_260 {add = true} : memref<8x10257xf32, #tpu.memory_space<vmem>>[vector<16xi32>, vector<16xi32>], vector<16xf32>,
        tpu.vector_store_idx %arg11[%broadcast_in_dim3A_15, %get3A_136], %get3A_268 {add = true} : memref<8x10257xf32, #tpu.memory_space<vmem>>[vector<16xi32>, vector<16xi32>], vector<16xf32>,
        tpu.vector_store_idx %arg11[%broadcast_in_dim3A_17, %get3A_136], %get3A_276 {add = true} : memref<8x10257xf32, #tpu.memory_space<vmem>>[vector<16xi32>, vector<16xi32>], vector<16xf32>,
        tpu.vector_store_idx %arg11[%broadcast_in_dim3A_3, %get3A_142], %get3A_284 {add = true} : memref<8x10257xf32, #tpu.memory_space<vmem>>[vector<16xi32>, vector<16xi32>], vector<16xf32>,
        tpu.vector_store_idx %arg11[%broadcast_in_dim3A_5, %get3A_142], %get3A_292 {add = true} : memref<8x10257xf32, #tpu.memory_space<vmem>>[vector<16xi32>, vector<16xi32>], vector<16xf32>,
        tpu.vector_store_idx %arg11[%broadcast_in_dim3A_7, %get3A_142], %get3A_300 {add = true} : memref<8x10257xf32, #tpu.memory_space<vmem>>[vector<16xi32>, vector<16xi32>], vector<16xf32>,
        tpu.vector_store_idx %arg11[%broadcast_in_dim3A_9, %get3A_142], %get3A_308 {add = true} : memref<8x10257xf32, #tpu.memory_space<vmem>>[vector<16xi32>, vector<16xi32>], vector<16xf32>,
        tpu.vector_store_idx %arg11[%broadcast_in_dim3A_11, %get3A_142], %get3A_316 {add = true} : memref<8x10257xf32, #tpu.memory_space<vmem>>[vector<16xi32>, vector<16xi32>], vector<16xf32>,
        tpu.vector_store_idx %arg11[%broadcast_in_dim3A_13, %get3A_142], %get3A_324 {add = true} : memref<8x10257xf32, #tpu.memory_space<vmem>>[vector<16xi32>, vector<16xi32>], vector<16xf32>,
        tpu.vector_store_idx %arg11[%broadcast_in_dim3A_15, %get3A_142], %get3A_332 {add = true} : memref<8x10257xf32, #tpu.memory_space<vmem>>[vector<16xi32>, vector<16xi32>], vector<16xf32>,
        tpu.vector_store_idx %arg11[%broadcast_in_dim3A_17, %get3A_142], %get3A_340 {add = true} : memref<8x10257xf32, #tpu.memory_space<vmem>>[vector<16xi32>, vector<16xi32>], vector<16xf32>,
        tpu.vector_store_idx %arg11[%broadcast_in_dim3A_3, %get3A_148], %get3A_348 {add = true} : memref<8x10257xf32, #tpu.memory_space<vmem>>[vector<16xi32>, vector<16xi32>], vector<16xf32>,
        tpu.vector_store_idx %arg11[%broadcast_in_dim3A_5, %get3A_148], %get3A_356 {add = true} : memref<8x10257xf32, #tpu.memory_space<vmem>>[vector<16xi32>, vector<16xi32>], vector<16xf32>,
        tpu.vector_store_idx %arg11[%broadcast_in_dim3A_7, %get3A_148], %get3A_364 {add = true} : memref<8x10257xf32, #tpu.memory_space<vmem>>[vector<16xi32>, vector<16xi32>], vector<16xf32>,
        tpu.vector_store_idx %arg11[%broadcast_in_dim3A_9, %get3A_148], %get3A_372 {add = true} : memref<8x10257xf32, #tpu.memory_space<vmem>>[vector<16xi32>, vector<16xi32>], vector<16xf32>,
        tpu.vector_store_idx %arg11[%broadcast_in_dim3A_11, %get3A_148], %get3A_380 {add = true} : memref<8x10257xf32, #tpu.memory_space<vmem>>[vector<16xi32>, vector<16xi32>], vector<16xf32>,
        tpu.vector_store_idx %arg11[%broadcast_in_dim3A_13, %get3A_148], %get3A_388 {add = true} : memref<8x10257xf32, #tpu.memory_space<vmem>>[vector<16xi32>, vector<16xi32>], vector<16xf32>,
        tpu.vector_store_idx %arg11[%broadcast_in_dim3A_15, %get3A_148], %get3A_396 {add = true} : memref<8x10257xf32, #tpu.memory_space<vmem>>[vector<16xi32>, vector<16xi32>], vector<16xf32>,
        tpu.vector_store_idx %arg11[%broadcast_in_dim3A_17, %get3A_148], %get3A_404 {add = true} : memref<8x10257xf32, #tpu.memory_space<vmem>>[vector<16xi32>, vector<16xi32>], vector<16xf32>,
      }
      %scan3A_74 = arith.constant 20 : i32
      %add3A_75 = arith.constant 2 : i32
      %add3A_76 = arith.addi %add3A_62, %add3A_75 : i32
      %lt3A = arith.constant 250 : i32
      %lt3A_77 = arith.cmpi slt, %add3A_76, %lt3A : i32
      %convert_element_type3A = arith.extui %lt3A_77 : i1 to i32
      %cond3A = arith.constant 0 : i32
      %cond3A_78 = arith.cmpi ne, %convert_element_type3A, %cond3A : i32
      scf.if %cond3A_78 {
        %mul3A_125 = arith.constant 1280 : i32
        %mul3A_126 = arith.muli %add3A_76, %mul3A_125 : i32
        %add3A_127 = arith.addi %mul3A_19, %mul3A_126 : i32
        %dma_start3A_128 = tpu.memref_slice %arg3[%add3A_127] : memref<640000xi32, #tpu.memory_space<hbm>> -> memref<1280xi32, #tpu.memory_space<hbm>>
        %dma_start3A_129 = tpu.memref_slice %arg3[%add3A_127] : memref<640000xi32, #tpu.memory_space<hbm>> -> memref<1280xi32, #tpu.memory_space<hbm>>
        tpu.enqueue_dma source(%dma_start3A_129 : memref<1280xi32, #tpu.memory_space<hbm>>) target(%arg10 : memref<1280xi32, #tpu.memory_space<vmem>>) target_semaphore(%arg14 : memref<!tpu.dma_semaphore, #tpu.memory_space<semaphore_mem>>)
        %dma_start3A_130 = tpu.memref_slice %arg2[%add3A, %mul3A_126] : memref<272x320000xf32, #tpu.memory_space<hbm>> -> memref<8x1280xf32, #tpu.memory_space<hbm>>
        %dma_start3A_131 = tpu.memref_slice %arg2[%add3A, %mul3A_126] : memref<272x320000xf32, #tpu.memory_space<hbm>> -> memref<8x1280xf32, #tpu.memory_space<hbm>>
        tpu.enqueue_dma source(%dma_start3A_131 : memref<8x1280xf32, #tpu.memory_space<hbm>>) target(%arg7 : memref<8x1280xf32, #tpu.memory_space<vmem>>) target_semaphore(%arg14 : memref<!tpu.dma_semaphore, #tpu.memory_space<semaphore_mem>>)
      } else {
      }
      %mul3A_79 = arith.constant 3 : i32
      %mul3A_80 = arith.muli %mul3A_79, %scan3A_58 : i32
      %add3A_81 = arith.constant 1 : i32
      %add3A_82 = arith.addi %mul3A_80, %add3A_81 : i32
      %mul3A_83 = arith.constant 1280 : i32
      %mul3A_84 = arith.muli %add3A_82, %mul3A_83 : i32
      %add3A_85 = arith.addi %mul3A_19, %mul3A_84 : i32
      %dma_wait3A_86 = tpu.memref_slice %arg3[%add3A_85] : memref<640000xi32, #tpu.memory_space<hbm>> -> memref<1280xi32, #tpu.memory_space<hbm>>
      %dma_wait3A_87 = tpu.memref_slice %arg3[%add3A_85] : memref<640000xi32, #tpu.memory_space<hbm>> -> memref<1280xi32, #tpu.memory_space<hbm>>
      tpu.wait_dma2 semaphore(%arg13 : memref<!tpu.dma_semaphore, #tpu.memory_space<semaphore_mem>>) src(%dma_wait3A_87 : memref<1280xi32, #tpu.memory_space<hbm>>) dst(%arg9 : memref<1280xi32, #tpu.memory_space<vmem>>)
      %dma_wait3A_88 = tpu.memref_slice %arg2[%add3A, %mul3A_84] : memref<272x320000xf32, #tpu.memory_space<hbm>> -> memref<8x1280xf32, #tpu.memory_space<hbm>>
      %dma_wait3A_89 = tpu.memref_slice %arg2[%add3A, %mul3A_84] : memref<272x320000xf32, #tpu.memory_space<hbm>> -> memref<8x1280xf32, #tpu.memory_space<hbm>>
      tpu.wait_dma2 semaphore(%arg13 : memref<!tpu.dma_semaphore, #tpu.memory_space<semaphore_mem>>) src(%dma_wait3A_89 : memref<8x1280xf32, #tpu.memory_space<hbm>>) dst(%arg6 : memref<8x1280xf32, #tpu.memory_space<vmem>>)
      %scan3A_90 = arith.constant 0 : i32
      %scan3A_91 = arith.constant 20 : i32
      %scan3A_92 = arith.addi %scan3A_90, %scan3A_91 : i32
      %scan3A_93 = arith.constant 1 : i32
      scf.for %scan3A_125 = %scan3A_90 to %scan3A_92 step %scan3A_93  : i32 {
        %mul3A_126 = arith.constant 64 : i32
        %mul3A_127 = arith.muli %mul3A_126, %scan3A_125 : i32
        %add3A_128 = arith.constant 0 : i32
        %add3A_129 = arith.addi %mul3A_127, %add3A_128 : i32
        %get3A = arith.index_cast %add3A_129 : i32 to index
        %get3A_130 = tpu.vector_load %arg9[%get3A] {strides = array<i32>} : memref<1280xi32, #tpu.memory_space<vmem>>, vector<16xi32>,
        %mul3A_131 = arith.constant 64 : i32
        %mul3A_132 = arith.muli %mul3A_131, %scan3A_125 : i32
        %add3A_133 = arith.constant 16 : i32
        %add3A_134 = arith.addi %mul3A_132, %add3A_133 : i32
        %get3A_135 = arith.index_cast %add3A_134 : i32 to index
        %get3A_136 = tpu.vector_load %arg9[%get3A_135] {strides = array<i32>} : memref<1280xi32, #tpu.memory_space<vmem>>, vector<16xi32>,
        %mul3A_137 = arith.constant 64 : i32
        %mul3A_138 = arith.muli %mul3A_137, %scan3A_125 : i32
        %add3A_139 = arith.constant 32 : i32
        %add3A_140 = arith.addi %mul3A_138, %add3A_139 : i32
        %get3A_141 = arith.index_cast %add3A_140 : i32 to index
        %get3A_142 = tpu.vector_load %arg9[%get3A_141] {strides = array<i32>} : memref<1280xi32, #tpu.memory_space<vmem>>, vector<16xi32>,
        %mul3A_143 = arith.constant 64 : i32
        %mul3A_144 = arith.muli %mul3A_143, %scan3A_125 : i32
        %add3A_145 = arith.constant 48 : i32
        %add3A_146 = arith.addi %mul3A_144, %add3A_145 : i32
        %get3A_147 = arith.index_cast %add3A_146 : i32 to index
        %get3A_148 = tpu.vector_load %arg9[%get3A_147] {strides = array<i32>} : memref<1280xi32, #tpu.memory_space<vmem>>, vector<16xi32>,
        %mul3A_149 = arith.constant 64 : i32
        %mul3A_150 = arith.muli %mul3A_149, %scan3A_125 : i32
        %add3A_151 = arith.constant 0 : i32
        %add3A_152 = arith.addi %mul3A_150, %add3A_151 : i32
        %get3A_153 = arith.constant 0 : i32
        %get3A_154 = arith.index_cast %get3A_153 : i32 to index
        %get3A_155 = arith.index_cast %add3A_152 : i32 to index
        %get3A_156 = tpu.vector_load %arg6[%get3A_154, %get3A_155] {strides = array<i32>} : memref<8x1280xf32, #tpu.memory_space<vmem>>, vector<16xf32>,
        %mul3A_157 = arith.constant 64 : i32
        %mul3A_158 = arith.muli %mul3A_157, %scan3A_125 : i32
        %add3A_159 = arith.constant 0 : i32
        %add3A_160 = arith.addi %mul3A_158, %add3A_159 : i32
        %get3A_161 = arith.constant 1 : i32
        %get3A_162 = arith.index_cast %get3A_161 : i32 to index
        %get3A_163 = arith.index_cast %add3A_160 : i32 to index
        %get3A_164 = tpu.vector_load %arg6[%get3A_162, %get3A_163] {strides = array<i32>} : memref<8x1280xf32, #tpu.memory_space<vmem>>, vector<16xf32>,
        %mul3A_165 = arith.constant 64 : i32
        %mul3A_166 = arith.muli %mul3A_165, %scan3A_125 : i32
        %add3A_167 = arith.constant 0 : i32
        %add3A_168 = arith.addi %mul3A_166, %add3A_167 : i32
        %get3A_169 = arith.constant 2 : i32
        %get3A_170 = arith.index_cast %get3A_169 : i32 to index
        %get3A_171 = arith.index_cast %add3A_168 : i32 to index
        %get3A_172 = tpu.vector_load %arg6[%get3A_170, %get3A_171] {strides = array<i32>} : memref<8x1280xf32, #tpu.memory_space<vmem>>, vector<16xf32>,
        %mul3A_173 = arith.constant 64 : i32
        %mul3A_174 = arith.muli %mul3A_173, %scan3A_125 : i32
        %add3A_175 = arith.constant 0 : i32
        %add3A_176 = arith.addi %mul3A_174, %add3A_175 : i32
        %get3A_177 = arith.constant 3 : i32
        %get3A_178 = arith.index_cast %get3A_177 : i32 to index
        %get3A_179 = arith.index_cast %add3A_176 : i32 to index
        %get3A_180 = tpu.vector_load %arg6[%get3A_178, %get3A_179] {strides = array<i32>} : memref<8x1280xf32, #tpu.memory_space<vmem>>, vector<16xf32>,
        %mul3A_181 = arith.constant 64 : i32
        %mul3A_182 = arith.muli %mul3A_181, %scan3A_125 : i32
        %add3A_183 = arith.constant 0 : i32
        %add3A_184 = arith.addi %mul3A_182, %add3A_183 : i32
        %get3A_185 = arith.constant 4 : i32
        %get3A_186 = arith.index_cast %get3A_185 : i32 to index
        %get3A_187 = arith.index_cast %add3A_184 : i32 to index
        %get3A_188 = tpu.vector_load %arg6[%get3A_186, %get3A_187] {strides = array<i32>} : memref<8x1280xf32, #tpu.memory_space<vmem>>, vector<16xf32>,
        %mul3A_189 = arith.constant 64 : i32
        %mul3A_190 = arith.muli %mul3A_189, %scan3A_125 : i32
        %add3A_191 = arith.constant 0 : i32
        %add3A_192 = arith.addi %mul3A_190, %add3A_191 : i32
        %get3A_193 = arith.constant 5 : i32
        %get3A_194 = arith.index_cast %get3A_193 : i32 to index
        %get3A_195 = arith.index_cast %add3A_192 : i32 to index
        %get3A_196 = tpu.vector_load %arg6[%get3A_194, %get3A_195] {strides = array<i32>} : memref<8x1280xf32, #tpu.memory_space<vmem>>, vector<16xf32>,
        %mul3A_197 = arith.constant 64 : i32
        %mul3A_198 = arith.muli %mul3A_197, %scan3A_125 : i32
        %add3A_199 = arith.constant 0 : i32
        %add3A_200 = arith.addi %mul3A_198, %add3A_199 : i32
        %get3A_201 = arith.constant 6 : i32
        %get3A_202 = arith.index_cast %get3A_201 : i32 to index
        %get3A_203 = arith.index_cast %add3A_200 : i32 to index
        %get3A_204 = tpu.vector_load %arg6[%get3A_202, %get3A_203] {strides = array<i32>} : memref<8x1280xf32, #tpu.memory_space<vmem>>, vector<16xf32>,
        %mul3A_205 = arith.constant 64 : i32
        %mul3A_206 = arith.muli %mul3A_205, %scan3A_125 : i32
        %add3A_207 = arith.constant 0 : i32
        %add3A_208 = arith.addi %mul3A_206, %add3A_207 : i32
        %get3A_209 = arith.constant 7 : i32
        %get3A_210 = arith.index_cast %get3A_209 : i32 to index
        %get3A_211 = arith.index_cast %add3A_208 : i32 to index
        %get3A_212 = tpu.vector_load %arg6[%get3A_210, %get3A_211] {strides = array<i32>} : memref<8x1280xf32, #tpu.memory_space<vmem>>, vector<16xf32>,
        %mul3A_213 = arith.constant 64 : i32
        %mul3A_214 = arith.muli %mul3A_213, %scan3A_125 : i32
        %add3A_215 = arith.constant 16 : i32
        %add3A_216 = arith.addi %mul3A_214, %add3A_215 : i32
        %get3A_217 = arith.constant 0 : i32
        %get3A_218 = arith.index_cast %get3A_217 : i32 to index
        %get3A_219 = arith.index_cast %add3A_216 : i32 to index
        %get3A_220 = tpu.vector_load %arg6[%get3A_218, %get3A_219] {strides = array<i32>} : memref<8x1280xf32, #tpu.memory_space<vmem>>, vector<16xf32>,
        %mul3A_221 = arith.constant 64 : i32
        %mul3A_222 = arith.muli %mul3A_221, %scan3A_125 : i32
        %add3A_223 = arith.constant 16 : i32
        %add3A_224 = arith.addi %mul3A_222, %add3A_223 : i32
        %get3A_225 = arith.constant 1 : i32
        %get3A_226 = arith.index_cast %get3A_225 : i32 to index
        %get3A_227 = arith.index_cast %add3A_224 : i32 to index
        %get3A_228 = tpu.vector_load %arg6[%get3A_226, %get3A_227] {strides = array<i32>} : memref<8x1280xf32, #tpu.memory_space<vmem>>, vector<16xf32>,
        %mul3A_229 = arith.constant 64 : i32
        %mul3A_230 = arith.muli %mul3A_229, %scan3A_125 : i32
        %add3A_231 = arith.constant 16 : i32
        %add3A_232 = arith.addi %mul3A_230, %add3A_231 : i32
        %get3A_233 = arith.constant 2 : i32
        %get3A_234 = arith.index_cast %get3A_233 : i32 to index
        %get3A_235 = arith.index_cast %add3A_232 : i32 to index
        %get3A_236 = tpu.vector_load %arg6[%get3A_234, %get3A_235] {strides = array<i32>} : memref<8x1280xf32, #tpu.memory_space<vmem>>, vector<16xf32>,
        %mul3A_237 = arith.constant 64 : i32
        %mul3A_238 = arith.muli %mul3A_237, %scan3A_125 : i32
        %add3A_239 = arith.constant 16 : i32
        %add3A_240 = arith.addi %mul3A_238, %add3A_239 : i32
        %get3A_241 = arith.constant 3 : i32
        %get3A_242 = arith.index_cast %get3A_241 : i32 to index
        %get3A_243 = arith.index_cast %add3A_240 : i32 to index
        %get3A_244 = tpu.vector_load %arg6[%get3A_242, %get3A_243] {strides = array<i32>} : memref<8x1280xf32, #tpu.memory_space<vmem>>, vector<16xf32>,
        %mul3A_245 = arith.constant 64 : i32
        %mul3A_246 = arith.muli %mul3A_245, %scan3A_125 : i32
        %add3A_247 = arith.constant 16 : i32
        %add3A_248 = arith.addi %mul3A_246, %add3A_247 : i32
        %get3A_249 = arith.constant 4 : i32
        %get3A_250 = arith.index_cast %get3A_249 : i32 to index
        %get3A_251 = arith.index_cast %add3A_248 : i32 to index
        %get3A_252 = tpu.vector_load %arg6[%get3A_250, %get3A_251] {strides = array<i32>} : memref<8x1280xf32, #tpu.memory_space<vmem>>, vector<16xf32>,
        %mul3A_253 = arith.constant 64 : i32
        %mul3A_254 = arith.muli %mul3A_253, %scan3A_125 : i32
        %add3A_255 = arith.constant 16 : i32
        %add3A_256 = arith.addi %mul3A_254, %add3A_255 : i32
        %get3A_257 = arith.constant 5 : i32
        %get3A_258 = arith.index_cast %get3A_257 : i32 to index
        %get3A_259 = arith.index_cast %add3A_256 : i32 to index
        %get3A_260 = tpu.vector_load %arg6[%get3A_258, %get3A_259] {strides = array<i32>} : memref<8x1280xf32, #tpu.memory_space<vmem>>, vector<16xf32>,
        %mul3A_261 = arith.constant 64 : i32
        %mul3A_262 = arith.muli %mul3A_261, %scan3A_125 : i32
        %add3A_263 = arith.constant 16 : i32
        %add3A_264 = arith.addi %mul3A_262, %add3A_263 : i32
        %get3A_265 = arith.constant 6 : i32
        %get3A_266 = arith.index_cast %get3A_265 : i32 to index
        %get3A_267 = arith.index_cast %add3A_264 : i32 to index
        %get3A_268 = tpu.vector_load %arg6[%get3A_266, %get3A_267] {strides = array<i32>} : memref<8x1280xf32, #tpu.memory_space<vmem>>, vector<16xf32>,
        %mul3A_269 = arith.constant 64 : i32
        %mul3A_270 = arith.muli %mul3A_269, %scan3A_125 : i32
        %add3A_271 = arith.constant 16 : i32
        %add3A_272 = arith.addi %mul3A_270, %add3A_271 : i32
        %get3A_273 = arith.constant 7 : i32
        %get3A_274 = arith.index_cast %get3A_273 : i32 to index
        %get3A_275 = arith.index_cast %add3A_272 : i32 to index
        %get3A_276 = tpu.vector_load %arg6[%get3A_274, %get3A_275] {strides = array<i32>} : memref<8x1280xf32, #tpu.memory_space<vmem>>, vector<16xf32>,
        %mul3A_277 = arith.constant 64 : i32
        %mul3A_278 = arith.muli %mul3A_277, %scan3A_125 : i32
        %add3A_279 = arith.constant 32 : i32
        %add3A_280 = arith.addi %mul3A_278, %add3A_279 : i32
        %get3A_281 = arith.constant 0 : i32
        %get3A_282 = arith.index_cast %get3A_281 : i32 to index
        %get3A_283 = arith.index_cast %add3A_280 : i32 to index
        %get3A_284 = tpu.vector_load %arg6[%get3A_282, %get3A_283] {strides = array<i32>} : memref<8x1280xf32, #tpu.memory_space<vmem>>, vector<16xf32>,
        %mul3A_285 = arith.constant 64 : i32
        %mul3A_286 = arith.muli %mul3A_285, %scan3A_125 : i32
        %add3A_287 = arith.constant 32 : i32
        %add3A_288 = arith.addi %mul3A_286, %add3A_287 : i32
        %get3A_289 = arith.constant 1 : i32
        %get3A_290 = arith.index_cast %get3A_289 : i32 to index
        %get3A_291 = arith.index_cast %add3A_288 : i32 to index
        %get3A_292 = tpu.vector_load %arg6[%get3A_290, %get3A_291] {strides = array<i32>} : memref<8x1280xf32, #tpu.memory_space<vmem>>, vector<16xf32>,
        %mul3A_293 = arith.constant 64 : i32
        %mul3A_294 = arith.muli %mul3A_293, %scan3A_125 : i32
        %add3A_295 = arith.constant 32 : i32
        %add3A_296 = arith.addi %mul3A_294, %add3A_295 : i32
        %get3A_297 = arith.constant 2 : i32
        %get3A_298 = arith.index_cast %get3A_297 : i32 to index
        %get3A_299 = arith.index_cast %add3A_296 : i32 to index
        %get3A_300 = tpu.vector_load %arg6[%get3A_298, %get3A_299] {strides = array<i32>} : memref<8x1280xf32, #tpu.memory_space<vmem>>, vector<16xf32>,
        %mul3A_301 = arith.constant 64 : i32
        %mul3A_302 = arith.muli %mul3A_301, %scan3A_125 : i32
        %add3A_303 = arith.constant 32 : i32
        %add3A_304 = arith.addi %mul3A_302, %add3A_303 : i32
        %get3A_305 = arith.constant 3 : i32
        %get3A_306 = arith.index_cast %get3A_305 : i32 to index
        %get3A_307 = arith.index_cast %add3A_304 : i32 to index
        %get3A_308 = tpu.vector_load %arg6[%get3A_306, %get3A_307] {strides = array<i32>} : memref<8x1280xf32, #tpu.memory_space<vmem>>, vector<16xf32>,
        %mul3A_309 = arith.constant 64 : i32
        %mul3A_310 = arith.muli %mul3A_309, %scan3A_125 : i32
        %add3A_311 = arith.constant 32 : i32
        %add3A_312 = arith.addi %mul3A_310, %add3A_311 : i32
        %get3A_313 = arith.constant 4 : i32
        %get3A_314 = arith.index_cast %get3A_313 : i32 to index
        %get3A_315 = arith.index_cast %add3A_312 : i32 to index
        %get3A_316 = tpu.vector_load %arg6[%get3A_314, %get3A_315] {strides = array<i32>} : memref<8x1280xf32, #tpu.memory_space<vmem>>, vector<16xf32>,
        %mul3A_317 = arith.constant 64 : i32
        %mul3A_318 = arith.muli %mul3A_317, %scan3A_125 : i32
        %add3A_319 = arith.constant 32 : i32
        %add3A_320 = arith.addi %mul3A_318, %add3A_319 : i32
        %get3A_321 = arith.constant 5 : i32
        %get3A_322 = arith.index_cast %get3A_321 : i32 to index
        %get3A_323 = arith.index_cast %add3A_320 : i32 to index
        %get3A_324 = tpu.vector_load %arg6[%get3A_322, %get3A_323] {strides = array<i32>} : memref<8x1280xf32, #tpu.memory_space<vmem>>, vector<16xf32>,
        %mul3A_325 = arith.constant 64 : i32
        %mul3A_326 = arith.muli %mul3A_325, %scan3A_125 : i32
        %add3A_327 = arith.constant 32 : i32
        %add3A_328 = arith.addi %mul3A_326, %add3A_327 : i32
        %get3A_329 = arith.constant 6 : i32
        %get3A_330 = arith.index_cast %get3A_329 : i32 to index
        %get3A_331 = arith.index_cast %add3A_328 : i32 to index
        %get3A_332 = tpu.vector_load %arg6[%get3A_330, %get3A_331] {strides = array<i32>} : memref<8x1280xf32, #tpu.memory_space<vmem>>, vector<16xf32>,
        %mul3A_333 = arith.constant 64 : i32
        %mul3A_334 = arith.muli %mul3A_333, %scan3A_125 : i32
        %add3A_335 = arith.constant 32 : i32
        %add3A_336 = arith.addi %mul3A_334, %add3A_335 : i32
        %get3A_337 = arith.constant 7 : i32
        %get3A_338 = arith.index_cast %get3A_337 : i32 to index
        %get3A_339 = arith.index_cast %add3A_336 : i32 to index
        %get3A_340 = tpu.vector_load %arg6[%get3A_338, %get3A_339] {strides = array<i32>} : memref<8x1280xf32, #tpu.memory_space<vmem>>, vector<16xf32>,
        %mul3A_341 = arith.constant 64 : i32
        %mul3A_342 = arith.muli %mul3A_341, %scan3A_125 : i32
        %add3A_343 = arith.constant 48 : i32
        %add3A_344 = arith.addi %mul3A_342, %add3A_343 : i32
        %get3A_345 = arith.constant 0 : i32
        %get3A_346 = arith.index_cast %get3A_345 : i32 to index
        %get3A_347 = arith.index_cast %add3A_344 : i32 to index
        %get3A_348 = tpu.vector_load %arg6[%get3A_346, %get3A_347] {strides = array<i32>} : memref<8x1280xf32, #tpu.memory_space<vmem>>, vector<16xf32>,
        %mul3A_349 = arith.constant 64 : i32
        %mul3A_350 = arith.muli %mul3A_349, %scan3A_125 : i32
        %add3A_351 = arith.constant 48 : i32
        %add3A_352 = arith.addi %mul3A_350, %add3A_351 : i32
        %get3A_353 = arith.constant 1 : i32
        %get3A_354 = arith.index_cast %get3A_353 : i32 to index
        %get3A_355 = arith.index_cast %add3A_352 : i32 to index
        %get3A_356 = tpu.vector_load %arg6[%get3A_354, %get3A_355] {strides = array<i32>} : memref<8x1280xf32, #tpu.memory_space<vmem>>, vector<16xf32>,
        %mul3A_357 = arith.constant 64 : i32
        %mul3A_358 = arith.muli %mul3A_357, %scan3A_125 : i32
        %add3A_359 = arith.constant 48 : i32
        %add3A_360 = arith.addi %mul3A_358, %add3A_359 : i32
        %get3A_361 = arith.constant 2 : i32
        %get3A_362 = arith.index_cast %get3A_361 : i32 to index
        %get3A_363 = arith.index_cast %add3A_360 : i32 to index
        %get3A_364 = tpu.vector_load %arg6[%get3A_362, %get3A_363] {strides = array<i32>} : memref<8x1280xf32, #tpu.memory_space<vmem>>, vector<16xf32>,
        %mul3A_365 = arith.constant 64 : i32
        %mul3A_366 = arith.muli %mul3A_365, %scan3A_125 : i32
        %add3A_367 = arith.constant 48 : i32
        %add3A_368 = arith.addi %mul3A_366, %add3A_367 : i32
        %get3A_369 = arith.constant 3 : i32
        %get3A_370 = arith.index_cast %get3A_369 : i32 to index
        %get3A_371 = arith.index_cast %add3A_368 : i32 to index
        %get3A_372 = tpu.vector_load %arg6[%get3A_370, %get3A_371] {strides = array<i32>} : memref<8x1280xf32, #tpu.memory_space<vmem>>, vector<16xf32>,
        %mul3A_373 = arith.constant 64 : i32
        %mul3A_374 = arith.muli %mul3A_373, %scan3A_125 : i32
        %add3A_375 = arith.constant 48 : i32
        %add3A_376 = arith.addi %mul3A_374, %add3A_375 : i32
        %get3A_377 = arith.constant 4 : i32
        %get3A_378 = arith.index_cast %get3A_377 : i32 to index
        %get3A_379 = arith.index_cast %add3A_376 : i32 to index
        %get3A_380 = tpu.vector_load %arg6[%get3A_378, %get3A_379] {strides = array<i32>} : memref<8x1280xf32, #tpu.memory_space<vmem>>, vector<16xf32>,
        %mul3A_381 = arith.constant 64 : i32
        %mul3A_382 = arith.muli %mul3A_381, %scan3A_125 : i32
        %add3A_383 = arith.constant 48 : i32
        %add3A_384 = arith.addi %mul3A_382, %add3A_383 : i32
        %get3A_385 = arith.constant 5 : i32
        %get3A_386 = arith.index_cast %get3A_385 : i32 to index
        %get3A_387 = arith.index_cast %add3A_384 : i32 to index
        %get3A_388 = tpu.vector_load %arg6[%get3A_386, %get3A_387] {strides = array<i32>} : memref<8x1280xf32, #tpu.memory_space<vmem>>, vector<16xf32>,
        %mul3A_389 = arith.constant 64 : i32
        %mul3A_390 = arith.muli %mul3A_389, %scan3A_125 : i32
        %add3A_391 = arith.constant 48 : i32
        %add3A_392 = arith.addi %mul3A_390, %add3A_391 : i32
        %get3A_393 = arith.constant 6 : i32
        %get3A_394 = arith.index_cast %get3A_393 : i32 to index
        %get3A_395 = arith.index_cast %add3A_392 : i32 to index
        %get3A_396 = tpu.vector_load %arg6[%get3A_394, %get3A_395] {strides = array<i32>} : memref<8x1280xf32, #tpu.memory_space<vmem>>, vector<16xf32>,
        %mul3A_397 = arith.constant 64 : i32
        %mul3A_398 = arith.muli %mul3A_397, %scan3A_125 : i32
        %add3A_399 = arith.constant 48 : i32
        %add3A_400 = arith.addi %mul3A_398, %add3A_399 : i32
        %get3A_401 = arith.constant 7 : i32
        %get3A_402 = arith.index_cast %get3A_401 : i32 to index
        %get3A_403 = arith.index_cast %add3A_400 : i32 to index
        %get3A_404 = tpu.vector_load %arg6[%get3A_402, %get3A_403] {strides = array<i32>} : memref<8x1280xf32, #tpu.memory_space<vmem>>, vector<16xf32>,
        tpu.vector_store_idx %arg11[%broadcast_in_dim3A_3, %get3A_130], %get3A_156 {add = true} : memref<8x10257xf32, #tpu.memory_space<vmem>>[vector<16xi32>, vector<16xi32>], vector<16xf32>,
        tpu.vector_store_idx %arg11[%broadcast_in_dim3A_5, %get3A_130], %get3A_164 {add = true} : memref<8x10257xf32, #tpu.memory_space<vmem>>[vector<16xi32>, vector<16xi32>], vector<16xf32>,
        tpu.vector_store_idx %arg11[%broadcast_in_dim3A_7, %get3A_130], %get3A_172 {add = true} : memref<8x10257xf32, #tpu.memory_space<vmem>>[vector<16xi32>, vector<16xi32>], vector<16xf32>,
        tpu.vector_store_idx %arg11[%broadcast_in_dim3A_9, %get3A_130], %get3A_180 {add = true} : memref<8x10257xf32, #tpu.memory_space<vmem>>[vector<16xi32>, vector<16xi32>], vector<16xf32>,
        tpu.vector_store_idx %arg11[%broadcast_in_dim3A_11, %get3A_130], %get3A_188 {add = true} : memref<8x10257xf32, #tpu.memory_space<vmem>>[vector<16xi32>, vector<16xi32>], vector<16xf32>,
        tpu.vector_store_idx %arg11[%broadcast_in_dim3A_13, %get3A_130], %get3A_196 {add = true} : memref<8x10257xf32, #tpu.memory_space<vmem>>[vector<16xi32>, vector<16xi32>], vector<16xf32>,
        tpu.vector_store_idx %arg11[%broadcast_in_dim3A_15, %get3A_130], %get3A_204 {add = true} : memref<8x10257xf32, #tpu.memory_space<vmem>>[vector<16xi32>, vector<16xi32>], vector<16xf32>,
        tpu.vector_store_idx %arg11[%broadcast_in_dim3A_17, %get3A_130], %get3A_212 {add = true} : memref<8x10257xf32, #tpu.memory_space<vmem>>[vector<16xi32>, vector<16xi32>], vector<16xf32>,
        tpu.vector_store_idx %arg11[%broadcast_in_dim3A_3, %get3A_136], %get3A_220 {add = true} : memref<8x10257xf32, #tpu.memory_space<vmem>>[vector<16xi32>, vector<16xi32>], vector<16xf32>,
        tpu.vector_store_idx %arg11[%broadcast_in_dim3A_5, %get3A_136], %get3A_228 {add = true} : memref<8x10257xf32, #tpu.memory_space<vmem>>[vector<16xi32>, vector<16xi32>], vector<16xf32>,
        tpu.vector_store_idx %arg11[%broadcast_in_dim3A_7, %get3A_136], %get3A_236 {add = true} : memref<8x10257xf32, #tpu.memory_space<vmem>>[vector<16xi32>, vector<16xi32>], vector<16xf32>,
        tpu.vector_store_idx %arg11[%broadcast_in_dim3A_9, %get3A_136], %get3A_244 {add = true} : memref<8x10257xf32, #tpu.memory_space<vmem>>[vector<16xi32>, vector<16xi32>], vector<16xf32>,
        tpu.vector_store_idx %arg11[%broadcast_in_dim3A_11, %get3A_136], %get3A_252 {add = true} : memref<8x10257xf32, #tpu.memory_space<vmem>>[vector<16xi32>, vector<16xi32>], vector<16xf32>,
        tpu.vector_store_idx %arg11[%broadcast_in_dim3A_13, %get3A_136], %get3A_260 {add = true} : memref<8x10257xf32, #tpu.memory_space<vmem>>[vector<16xi32>, vector<16xi32>], vector<16xf32>,
        tpu.vector_store_idx %arg11[%broadcast_in_dim3A_15, %get3A_136], %get3A_268 {add = true} : memref<8x10257xf32, #tpu.memory_space<vmem>>[vector<16xi32>, vector<16xi32>], vector<16xf32>,
        tpu.vector_store_idx %arg11[%broadcast_in_dim3A_17, %get3A_136], %get3A_276 {add = true} : memref<8x10257xf32, #tpu.memory_space<vmem>>[vector<16xi32>, vector<16xi32>], vector<16xf32>,
        tpu.vector_store_idx %arg11[%broadcast_in_dim3A_3, %get3A_142], %get3A_284 {add = true} : memref<8x10257xf32, #tpu.memory_space<vmem>>[vector<16xi32>, vector<16xi32>], vector<16xf32>,
        tpu.vector_store_idx %arg11[%broadcast_in_dim3A_5, %get3A_142], %get3A_292 {add = true} : memref<8x10257xf32, #tpu.memory_space<vmem>>[vector<16xi32>, vector<16xi32>], vector<16xf32>,
        tpu.vector_store_idx %arg11[%broadcast_in_dim3A_7, %get3A_142], %get3A_300 {add = true} : memref<8x10257xf32, #tpu.memory_space<vmem>>[vector<16xi32>, vector<16xi32>], vector<16xf32>,
        tpu.vector_store_idx %arg11[%broadcast_in_dim3A_9, %get3A_142], %get3A_308 {add = true} : memref<8x10257xf32, #tpu.memory_space<vmem>>[vector<16xi32>, vector<16xi32>], vector<16xf32>,
        tpu.vector_store_idx %arg11[%broadcast_in_dim3A_11, %get3A_142], %get3A_316 {add = true} : memref<8x10257xf32, #tpu.memory_space<vmem>>[vector<16xi32>, vector<16xi32>], vector<16xf32>,
        tpu.vector_store_idx %arg11[%broadcast_in_dim3A_13, %get3A_142], %get3A_324 {add = true} : memref<8x10257xf32, #tpu.memory_space<vmem>>[vector<16xi32>, vector<16xi32>], vector<16xf32>,
        tpu.vector_store_idx %arg11[%broadcast_in_dim3A_15, %get3A_142], %get3A_332 {add = true} : memref<8x10257xf32, #tpu.memory_space<vmem>>[vector<16xi32>, vector<16xi32>], vector<16xf32>,
        tpu.vector_store_idx %arg11[%broadcast_in_dim3A_17, %get3A_142], %get3A_340 {add = true} : memref<8x10257xf32, #tpu.memory_space<vmem>>[vector<16xi32>, vector<16xi32>], vector<16xf32>,
        tpu.vector_store_idx %arg11[%broadcast_in_dim3A_3, %get3A_148], %get3A_348 {add = true} : memref<8x10257xf32, #tpu.memory_space<vmem>>[vector<16xi32>, vector<16xi32>], vector<16xf32>,
        tpu.vector_store_idx %arg11[%broadcast_in_dim3A_5, %get3A_148], %get3A_356 {add = true} : memref<8x10257xf32, #tpu.memory_space<vmem>>[vector<16xi32>, vector<16xi32>], vector<16xf32>,
        tpu.vector_store_idx %arg11[%broadcast_in_dim3A_7, %get3A_148], %get3A_364 {add = true} : memref<8x10257xf32, #tpu.memory_space<vmem>>[vector<16xi32>, vector<16xi32>], vector<16xf32>,
        tpu.vector_store_idx %arg11[%broadcast_in_dim3A_9, %get3A_148], %get3A_372 {add = true} : memref<8x10257xf32, #tpu.memory_space<vmem>>[vector<16xi32>, vector<16xi32>], vector<16xf32>,
        tpu.vector_store_idx %arg11[%broadcast_in_dim3A_11, %get3A_148], %get3A_380 {add = true} : memref<8x10257xf32, #tpu.memory_space<vmem>>[vector<16xi32>, vector<16xi32>], vector<16xf32>,
        tpu.vector_store_idx %arg11[%broadcast_in_dim3A_13, %get3A_148], %get3A_388 {add = true} : memref<8x10257xf32, #tpu.memory_space<vmem>>[vector<16xi32>, vector<16xi32>], vector<16xf32>,
        tpu.vector_store_idx %arg11[%broadcast_in_dim3A_15, %get3A_148], %get3A_396 {add = true} : memref<8x10257xf32, #tpu.memory_space<vmem>>[vector<16xi32>, vector<16xi32>], vector<16xf32>,
        tpu.vector_store_idx %arg11[%broadcast_in_dim3A_17, %get3A_148], %get3A_404 {add = true} : memref<8x10257xf32, #tpu.memory_space<vmem>>[vector<16xi32>, vector<16xi32>], vector<16xf32>,
      }
      %scan3A_94 = arith.constant 20 : i32
      %add3A_95 = arith.constant 2 : i32
      %add3A_96 = arith.addi %add3A_82, %add3A_95 : i32
      %lt3A_97 = arith.constant 250 : i32
      %lt3A_98 = arith.cmpi slt, %add3A_96, %lt3A_97 : i32
      %convert_element_type3A_99 = arith.extui %lt3A_98 : i1 to i32
      %cond3A_100 = arith.constant 0 : i32
      %cond3A_101 = arith.cmpi ne, %convert_element_type3A_99, %cond3A_100 : i32
      scf.if %cond3A_101 {
        %mul3A_125 = arith.constant 1280 : i32
        %mul3A_126 = arith.muli %add3A_96, %mul3A_125 : i32
        %add3A_127 = arith.addi %mul3A_19, %mul3A_126 : i32
        %dma_start3A_128 = tpu.memref_slice %arg3[%add3A_127] : memref<640000xi32, #tpu.memory_space<hbm>> -> memref<1280xi32, #tpu.memory_space<hbm>>
        %dma_start3A_129 = tpu.memref_slice %arg3[%add3A_127] : memref<640000xi32, #tpu.memory_space<hbm>> -> memref<1280xi32, #tpu.memory_space<hbm>>
        tpu.enqueue_dma source(%dma_start3A_129 : memref<1280xi32, #tpu.memory_space<hbm>>) target(%arg8 : memref<1280xi32, #tpu.memory_space<vmem>>) target_semaphore(%arg12 : memref<!tpu.dma_semaphore, #tpu.memory_space<semaphore_mem>>)
        %dma_start3A_130 = tpu.memref_slice %arg2[%add3A, %mul3A_126] : memref<272x320000xf32, #tpu.memory_space<hbm>> -> memref<8x1280xf32, #tpu.memory_space<hbm>>
        %dma_start3A_131 = tpu.memref_slice %arg2[%add3A, %mul3A_126] : memref<272x320000xf32, #tpu.memory_space<hbm>> -> memref<8x1280xf32, #tpu.memory_space<hbm>>
        tpu.enqueue_dma source(%dma_start3A_131 : memref<8x1280xf32, #tpu.memory_space<hbm>>) target(%arg5 : memref<8x1280xf32, #tpu.memory_space<vmem>>) target_semaphore(%arg12 : memref<!tpu.dma_semaphore, #tpu.memory_space<semaphore_mem>>)
      } else {
      }
      %mul3A_102 = arith.constant 3 : i32
      %mul3A_103 = arith.muli %mul3A_102, %scan3A_58 : i32
      %add3A_104 = arith.constant 2 : i32
      %add3A_105 = arith.addi %mul3A_103, %add3A_104 : i32
      %mul3A_106 = arith.constant 1280 : i32
      %mul3A_107 = arith.muli %add3A_105, %mul3A_106 : i32
      %add3A_108 = arith.addi %mul3A_19, %mul3A_107 : i32
      %dma_wait3A_109 = tpu.memref_slice %arg3[%add3A_108] : memref<640000xi32, #tpu.memory_space<hbm>> -> memref<1280xi32, #tpu.memory_space<hbm>>
      %dma_wait3A_110 = tpu.memref_slice %arg3[%add3A_108] : memref<640000xi32, #tpu.memory_space<hbm>> -> memref<1280xi32, #tpu.memory_space<hbm>>
      tpu.wait_dma2 semaphore(%arg14 : memref<!tpu.dma_semaphore, #tpu.memory_space<semaphore_mem>>) src(%dma_wait3A_110 : memref<1280xi32, #tpu.memory_space<hbm>>) dst(%arg10 : memref<1280xi32, #tpu.memory_space<vmem>>)
      %dma_wait3A_111 = tpu.memref_slice %arg2[%add3A, %mul3A_107] : memref<272x320000xf32, #tpu.memory_space<hbm>> -> memref<8x1280xf32, #tpu.memory_space<hbm>>
      %dma_wait3A_112 = tpu.memref_slice %arg2[%add3A, %mul3A_107] : memref<272x320000xf32, #tpu.memory_space<hbm>> -> memref<8x1280xf32, #tpu.memory_space<hbm>>
      tpu.wait_dma2 semaphore(%arg14 : memref<!tpu.dma_semaphore, #tpu.memory_space<semaphore_mem>>) src(%dma_wait3A_112 : memref<8x1280xf32, #tpu.memory_space<hbm>>) dst(%arg7 : memref<8x1280xf32, #tpu.memory_space<vmem>>)
      %scan3A_113 = arith.constant 0 : i32
      %scan3A_114 = arith.constant 20 : i32
      %scan3A_115 = arith.addi %scan3A_113, %scan3A_114 : i32
      %scan3A_116 = arith.constant 1 : i32
      scf.for %scan3A_125 = %scan3A_113 to %scan3A_115 step %scan3A_116  : i32 {
        %mul3A_126 = arith.constant 64 : i32
        %mul3A_127 = arith.muli %mul3A_126, %scan3A_125 : i32
        %add3A_128 = arith.constant 0 : i32
        %add3A_129 = arith.addi %mul3A_127, %add3A_128 : i32
        %get3A = arith.index_cast %add3A_129 : i32 to index
        %get3A_130 = tpu.vector_load %arg10[%get3A] {strides = array<i32>} : memref<1280xi32, #tpu.memory_space<vmem>>, vector<16xi32>,
        %mul3A_131 = arith.constant 64 : i32
        %mul3A_132 = arith.muli %mul3A_131, %scan3A_125 : i32
        %add3A_133 = arith.constant 16 : i32
        %add3A_134 = arith.addi %mul3A_132, %add3A_133 : i32
        %get3A_135 = arith.index_cast %add3A_134 : i32 to index
        %get3A_136 = tpu.vector_load %arg10[%get3A_135] {strides = array<i32>} : memref<1280xi32, #tpu.memory_space<vmem>>, vector<16xi32>,
        %mul3A_137 = arith.constant 64 : i32
        %mul3A_138 = arith.muli %mul3A_137, %scan3A_125 : i32
        %add3A_139 = arith.constant 32 : i32
        %add3A_140 = arith.addi %mul3A_138, %add3A_139 : i32
        %get3A_141 = arith.index_cast %add3A_140 : i32 to index
        %get3A_142 = tpu.vector_load %arg10[%get3A_141] {strides = array<i32>} : memref<1280xi32, #tpu.memory_space<vmem>>, vector<16xi32>,
        %mul3A_143 = arith.constant 64 : i32
        %mul3A_144 = arith.muli %mul3A_143, %scan3A_125 : i32
        %add3A_145 = arith.constant 48 : i32
        %add3A_146 = arith.addi %mul3A_144, %add3A_145 : i32
        %get3A_147 = arith.index_cast %add3A_146 : i32 to index
        %get3A_148 = tpu.vector_load %arg10[%get3A_147] {strides = array<i32>} : memref<1280xi32, #tpu.memory_space<vmem>>, vector<16xi32>,
        %mul3A_149 = arith.constant 64 : i32
        %mul3A_150 = arith.muli %mul3A_149, %scan3A_125 : i32
        %add3A_151 = arith.constant 0 : i32
        %add3A_152 = arith.addi %mul3A_150, %add3A_151 : i32
        %get3A_153 = arith.constant 0 : i32
        %get3A_154 = arith.index_cast %get3A_153 : i32 to index
        %get3A_155 = arith.index_cast %add3A_152 : i32 to index
        %get3A_156 = tpu.vector_load %arg7[%get3A_154, %get3A_155] {strides = array<i32>} : memref<8x1280xf32, #tpu.memory_space<vmem>>, vector<16xf32>,
        %mul3A_157 = arith.constant 64 : i32
        %mul3A_158 = arith.muli %mul3A_157, %scan3A_125 : i32
        %add3A_159 = arith.constant 0 : i32
        %add3A_160 = arith.addi %mul3A_158, %add3A_159 : i32
        %get3A_161 = arith.constant 1 : i32
        %get3A_162 = arith.index_cast %get3A_161 : i32 to index
        %get3A_163 = arith.index_cast %add3A_160 : i32 to index
        %get3A_164 = tpu.vector_load %arg7[%get3A_162, %get3A_163] {strides = array<i32>} : memref<8x1280xf32, #tpu.memory_space<vmem>>, vector<16xf32>,
        %mul3A_165 = arith.constant 64 : i32
        %mul3A_166 = arith.muli %mul3A_165, %scan3A_125 : i32
        %add3A_167 = arith.constant 0 : i32
        %add3A_168 = arith.addi %mul3A_166, %add3A_167 : i32
        %get3A_169 = arith.constant 2 : i32
        %get3A_170 = arith.index_cast %get3A_169 : i32 to index
        %get3A_171 = arith.index_cast %add3A_168 : i32 to index
        %get3A_172 = tpu.vector_load %arg7[%get3A_170, %get3A_171] {strides = array<i32>} : memref<8x1280xf32, #tpu.memory_space<vmem>>, vector<16xf32>,
        %mul3A_173 = arith.constant 64 : i32
        %mul3A_174 = arith.muli %mul3A_173, %scan3A_125 : i32
        %add3A_175 = arith.constant 0 : i32
        %add3A_176 = arith.addi %mul3A_174, %add3A_175 : i32
        %get3A_177 = arith.constant 3 : i32
        %get3A_178 = arith.index_cast %get3A_177 : i32 to index
        %get3A_179 = arith.index_cast %add3A_176 : i32 to index
        %get3A_180 = tpu.vector_load %arg7[%get3A_178, %get3A_179] {strides = array<i32>} : memref<8x1280xf32, #tpu.memory_space<vmem>>, vector<16xf32>,
        %mul3A_181 = arith.constant 64 : i32
        %mul3A_182 = arith.muli %mul3A_181, %scan3A_125 : i32
        %add3A_183 = arith.constant 0 : i32
        %add3A_184 = arith.addi %mul3A_182, %add3A_183 : i32
        %get3A_185 = arith.constant 4 : i32
        %get3A_186 = arith.index_cast %get3A_185 : i32 to index
        %get3A_187 = arith.index_cast %add3A_184 : i32 to index
        %get3A_188 = tpu.vector_load %arg7[%get3A_186, %get3A_187] {strides = array<i32>} : memref<8x1280xf32, #tpu.memory_space<vmem>>, vector<16xf32>,
        %mul3A_189 = arith.constant 64 : i32
        %mul3A_190 = arith.muli %mul3A_189, %scan3A_125 : i32
        %add3A_191 = arith.constant 0 : i32
        %add3A_192 = arith.addi %mul3A_190, %add3A_191 : i32
        %get3A_193 = arith.constant 5 : i32
        %get3A_194 = arith.index_cast %get3A_193 : i32 to index
        %get3A_195 = arith.index_cast %add3A_192 : i32 to index
        %get3A_196 = tpu.vector_load %arg7[%get3A_194, %get3A_195] {strides = array<i32>} : memref<8x1280xf32, #tpu.memory_space<vmem>>, vector<16xf32>,
        %mul3A_197 = arith.constant 64 : i32
        %mul3A_198 = arith.muli %mul3A_197, %scan3A_125 : i32
        %add3A_199 = arith.constant 0 : i32
        %add3A_200 = arith.addi %mul3A_198, %add3A_199 : i32
        %get3A_201 = arith.constant 6 : i32
        %get3A_202 = arith.index_cast %get3A_201 : i32 to index
        %get3A_203 = arith.index_cast %add3A_200 : i32 to index
        %get3A_204 = tpu.vector_load %arg7[%get3A_202, %get3A_203] {strides = array<i32>} : memref<8x1280xf32, #tpu.memory_space<vmem>>, vector<16xf32>,
        %mul3A_205 = arith.constant 64 : i32
        %mul3A_206 = arith.muli %mul3A_205, %scan3A_125 : i32
        %add3A_207 = arith.constant 0 : i32
        %add3A_208 = arith.addi %mul3A_206, %add3A_207 : i32
        %get3A_209 = arith.constant 7 : i32
        %get3A_210 = arith.index_cast %get3A_209 : i32 to index
        %get3A_211 = arith.index_cast %add3A_208 : i32 to index
        %get3A_212 = tpu.vector_load %arg7[%get3A_210, %get3A_211] {strides = array<i32>} : memref<8x1280xf32, #tpu.memory_space<vmem>>, vector<16xf32>,
        %mul3A_213 = arith.constant 64 : i32
        %mul3A_214 = arith.muli %mul3A_213, %scan3A_125 : i32
        %add3A_215 = arith.constant 16 : i32
        %add3A_216 = arith.addi %mul3A_214, %add3A_215 : i32
        %get3A_217 = arith.constant 0 : i32
        %get3A_218 = arith.index_cast %get3A_217 : i32 to index
        %get3A_219 = arith.index_cast %add3A_216 : i32 to index
        %get3A_220 = tpu.vector_load %arg7[%get3A_218, %get3A_219] {strides = array<i32>} : memref<8x1280xf32, #tpu.memory_space<vmem>>, vector<16xf32>,
        %mul3A_221 = arith.constant 64 : i32
        %mul3A_222 = arith.muli %mul3A_221, %scan3A_125 : i32
        %add3A_223 = arith.constant 16 : i32
        %add3A_224 = arith.addi %mul3A_222, %add3A_223 : i32
        %get3A_225 = arith.constant 1 : i32
        %get3A_226 = arith.index_cast %get3A_225 : i32 to index
        %get3A_227 = arith.index_cast %add3A_224 : i32 to index
        %get3A_228 = tpu.vector_load %arg7[%get3A_226, %get3A_227] {strides = array<i32>} : memref<8x1280xf32, #tpu.memory_space<vmem>>, vector<16xf32>,
        %mul3A_229 = arith.constant 64 : i32
        %mul3A_230 = arith.muli %mul3A_229, %scan3A_125 : i32
        %add3A_231 = arith.constant 16 : i32
        %add3A_232 = arith.addi %mul3A_230, %add3A_231 : i32
        %get3A_233 = arith.constant 2 : i32
        %get3A_234 = arith.index_cast %get3A_233 : i32 to index
        %get3A_235 = arith.index_cast %add3A_232 : i32 to index
        %get3A_236 = tpu.vector_load %arg7[%get3A_234, %get3A_235] {strides = array<i32>} : memref<8x1280xf32, #tpu.memory_space<vmem>>, vector<16xf32>,
        %mul3A_237 = arith.constant 64 : i32
        %mul3A_238 = arith.muli %mul3A_237, %scan3A_125 : i32
        %add3A_239 = arith.constant 16 : i32
        %add3A_240 = arith.addi %mul3A_238, %add3A_239 : i32
        %get3A_241 = arith.constant 3 : i32
        %get3A_242 = arith.index_cast %get3A_241 : i32 to index
        %get3A_243 = arith.index_cast %add3A_240 : i32 to index
        %get3A_244 = tpu.vector_load %arg7[%get3A_242, %get3A_243] {strides = array<i32>} : memref<8x1280xf32, #tpu.memory_space<vmem>>, vector<16xf32>,
        %mul3A_245 = arith.constant 64 : i32
        %mul3A_246 = arith.muli %mul3A_245, %scan3A_125 : i32
        %add3A_247 = arith.constant 16 : i32
        %add3A_248 = arith.addi %mul3A_246, %add3A_247 : i32
        %get3A_249 = arith.constant 4 : i32
        %get3A_250 = arith.index_cast %get3A_249 : i32 to index
        %get3A_251 = arith.index_cast %add3A_248 : i32 to index
        %get3A_252 = tpu.vector_load %arg7[%get3A_250, %get3A_251] {strides = array<i32>} : memref<8x1280xf32, #tpu.memory_space<vmem>>, vector<16xf32>,
        %mul3A_253 = arith.constant 64 : i32
        %mul3A_254 = arith.muli %mul3A_253, %scan3A_125 : i32
        %add3A_255 = arith.constant 16 : i32
        %add3A_256 = arith.addi %mul3A_254, %add3A_255 : i32
        %get3A_257 = arith.constant 5 : i32
        %get3A_258 = arith.index_cast %get3A_257 : i32 to index
        %get3A_259 = arith.index_cast %add3A_256 : i32 to index
        %get3A_260 = tpu.vector_load %arg7[%get3A_258, %get3A_259] {strides = array<i32>} : memref<8x1280xf32, #tpu.memory_space<vmem>>, vector<16xf32>,
        %mul3A_261 = arith.constant 64 : i32
        %mul3A_262 = arith.muli %mul3A_261, %scan3A_125 : i32
        %add3A_263 = arith.constant 16 : i32
        %add3A_264 = arith.addi %mul3A_262, %add3A_263 : i32
        %get3A_265 = arith.constant 6 : i32
        %get3A_266 = arith.index_cast %get3A_265 : i32 to index
        %get3A_267 = arith.index_cast %add3A_264 : i32 to index
        %get3A_268 = tpu.vector_load %arg7[%get3A_266, %get3A_267] {strides = array<i32>} : memref<8x1280xf32, #tpu.memory_space<vmem>>, vector<16xf32>,
        %mul3A_269 = arith.constant 64 : i32
        %mul3A_270 = arith.muli %mul3A_269, %scan3A_125 : i32
        %add3A_271 = arith.constant 16 : i32
        %add3A_272 = arith.addi %mul3A_270, %add3A_271 : i32
        %get3A_273 = arith.constant 7 : i32
        %get3A_274 = arith.index_cast %get3A_273 : i32 to index
        %get3A_275 = arith.index_cast %add3A_272 : i32 to index
        %get3A_276 = tpu.vector_load %arg7[%get3A_274, %get3A_275] {strides = array<i32>} : memref<8x1280xf32, #tpu.memory_space<vmem>>, vector<16xf32>,
        %mul3A_277 = arith.constant 64 : i32
        %mul3A_278 = arith.muli %mul3A_277, %scan3A_125 : i32
        %add3A_279 = arith.constant 32 : i32
        %add3A_280 = arith.addi %mul3A_278, %add3A_279 : i32
        %get3A_281 = arith.constant 0 : i32
        %get3A_282 = arith.index_cast %get3A_281 : i32 to index
        %get3A_283 = arith.index_cast %add3A_280 : i32 to index
        %get3A_284 = tpu.vector_load %arg7[%get3A_282, %get3A_283] {strides = array<i32>} : memref<8x1280xf32, #tpu.memory_space<vmem>>, vector<16xf32>,
        %mul3A_285 = arith.constant 64 : i32
        %mul3A_286 = arith.muli %mul3A_285, %scan3A_125 : i32
        %add3A_287 = arith.constant 32 : i32
        %add3A_288 = arith.addi %mul3A_286, %add3A_287 : i32
        %get3A_289 = arith.constant 1 : i32
        %get3A_290 = arith.index_cast %get3A_289 : i32 to index
        %get3A_291 = arith.index_cast %add3A_288 : i32 to index
        %get3A_292 = tpu.vector_load %arg7[%get3A_290, %get3A_291] {strides = array<i32>} : memref<8x1280xf32, #tpu.memory_space<vmem>>, vector<16xf32>,
        %mul3A_293 = arith.constant 64 : i32
        %mul3A_294 = arith.muli %mul3A_293, %scan3A_125 : i32
        %add3A_295 = arith.constant 32 : i32
        %add3A_296 = arith.addi %mul3A_294, %add3A_295 : i32
        %get3A_297 = arith.constant 2 : i32
        %get3A_298 = arith.index_cast %get3A_297 : i32 to index
        %get3A_299 = arith.index_cast %add3A_296 : i32 to index
        %get3A_300 = tpu.vector_load %arg7[%get3A_298, %get3A_299] {strides = array<i32>} : memref<8x1280xf32, #tpu.memory_space<vmem>>, vector<16xf32>,
        %mul3A_301 = arith.constant 64 : i32
        %mul3A_302 = arith.muli %mul3A_301, %scan3A_125 : i32
        %add3A_303 = arith.constant 32 : i32
        %add3A_304 = arith.addi %mul3A_302, %add3A_303 : i32
        %get3A_305 = arith.constant 3 : i32
        %get3A_306 = arith.index_cast %get3A_305 : i32 to index
        %get3A_307 = arith.index_cast %add3A_304 : i32 to index
        %get3A_308 = tpu.vector_load %arg7[%get3A_306, %get3A_307] {strides = array<i32>} : memref<8x1280xf32, #tpu.memory_space<vmem>>, vector<16xf32>,
        %mul3A_309 = arith.constant 64 : i32
        %mul3A_310 = arith.muli %mul3A_309, %scan3A_125 : i32
        %add3A_311 = arith.constant 32 : i32
        %add3A_312 = arith.addi %mul3A_310, %add3A_311 : i32
        %get3A_313 = arith.constant 4 : i32
        %get3A_314 = arith.index_cast %get3A_313 : i32 to index
        %get3A_315 = arith.index_cast %add3A_312 : i32 to index
        %get3A_316 = tpu.vector_load %arg7[%get3A_314, %get3A_315] {strides = array<i32>} : memref<8x1280xf32, #tpu.memory_space<vmem>>, vector<16xf32>,
        %mul3A_317 = arith.constant 64 : i32
        %mul3A_318 = arith.muli %mul3A_317, %scan3A_125 : i32
        %add3A_319 = arith.constant 32 : i32
        %add3A_320 = arith.addi %mul3A_318, %add3A_319 : i32
        %get3A_321 = arith.constant 5 : i32
        %get3A_322 = arith.index_cast %get3A_321 : i32 to index
        %get3A_323 = arith.index_cast %add3A_320 : i32 to index
        %get3A_324 = tpu.vector_load %arg7[%get3A_322, %get3A_323] {strides = array<i32>} : memref<8x1280xf32, #tpu.memory_space<vmem>>, vector<16xf32>,
        %mul3A_325 = arith.constant 64 : i32
        %mul3A_326 = arith.muli %mul3A_325, %scan3A_125 : i32
        %add3A_327 = arith.constant 32 : i32
        %add3A_328 = arith.addi %mul3A_326, %add3A_327 : i32
        %get3A_329 = arith.constant 6 : i32
        %get3A_330 = arith.index_cast %get3A_329 : i32 to index
        %get3A_331 = arith.index_cast %add3A_328 : i32 to index
        %get3A_332 = tpu.vector_load %arg7[%get3A_330, %get3A_331] {strides = array<i32>} : memref<8x1280xf32, #tpu.memory_space<vmem>>, vector<16xf32>,
        %mul3A_333 = arith.constant 64 : i32
        %mul3A_334 = arith.muli %mul3A_333, %scan3A_125 : i32
        %add3A_335 = arith.constant 32 : i32
        %add3A_336 = arith.addi %mul3A_334, %add3A_335 : i32
        %get3A_337 = arith.constant 7 : i32
        %get3A_338 = arith.index_cast %get3A_337 : i32 to index
        %get3A_339 = arith.index_cast %add3A_336 : i32 to index
        %get3A_340 = tpu.vector_load %arg7[%get3A_338, %get3A_339] {strides = array<i32>} : memref<8x1280xf32, #tpu.memory_space<vmem>>, vector<16xf32>,
        %mul3A_341 = arith.constant 64 : i32
        %mul3A_342 = arith.muli %mul3A_341, %scan3A_125 : i32
        %add3A_343 = arith.constant 48 : i32
        %add3A_344 = arith.addi %mul3A_342, %add3A_343 : i32
        %get3A_345 = arith.constant 0 : i32
        %get3A_346 = arith.index_cast %get3A_345 : i32 to index
        %get3A_347 = arith.index_cast %add3A_344 : i32 to index
        %get3A_348 = tpu.vector_load %arg7[%get3A_346, %get3A_347] {strides = array<i32>} : memref<8x1280xf32, #tpu.memory_space<vmem>>, vector<16xf32>,
        %mul3A_349 = arith.constant 64 : i32
        %mul3A_350 = arith.muli %mul3A_349, %scan3A_125 : i32
        %add3A_351 = arith.constant 48 : i32
        %add3A_352 = arith.addi %mul3A_350, %add3A_351 : i32
        %get3A_353 = arith.constant 1 : i32
        %get3A_354 = arith.index_cast %get3A_353 : i32 to index
        %get3A_355 = arith.index_cast %add3A_352 : i32 to index
        %get3A_356 = tpu.vector_load %arg7[%get3A_354, %get3A_355] {strides = array<i32>} : memref<8x1280xf32, #tpu.memory_space<vmem>>, vector<16xf32>,
        %mul3A_357 = arith.constant 64 : i32
        %mul3A_358 = arith.muli %mul3A_357, %scan3A_125 : i32
        %add3A_359 = arith.constant 48 : i32
        %add3A_360 = arith.addi %mul3A_358, %add3A_359 : i32
        %get3A_361 = arith.constant 2 : i32
        %get3A_362 = arith.index_cast %get3A_361 : i32 to index
        %get3A_363 = arith.index_cast %add3A_360 : i32 to index
        %get3A_364 = tpu.vector_load %arg7[%get3A_362, %get3A_363] {strides = array<i32>} : memref<8x1280xf32, #tpu.memory_space<vmem>>, vector<16xf32>,
        %mul3A_365 = arith.constant 64 : i32
        %mul3A_366 = arith.muli %mul3A_365, %scan3A_125 : i32
        %add3A_367 = arith.constant 48 : i32
        %add3A_368 = arith.addi %mul3A_366, %add3A_367 : i32
        %get3A_369 = arith.constant 3 : i32
        %get3A_370 = arith.index_cast %get3A_369 : i32 to index
        %get3A_371 = arith.index_cast %add3A_368 : i32 to index
        %get3A_372 = tpu.vector_load %arg7[%get3A_370, %get3A_371] {strides = array<i32>} : memref<8x1280xf32, #tpu.memory_space<vmem>>, vector<16xf32>,
        %mul3A_373 = arith.constant 64 : i32
        %mul3A_374 = arith.muli %mul3A_373, %scan3A_125 : i32
        %add3A_375 = arith.constant 48 : i32
        %add3A_376 = arith.addi %mul3A_374, %add3A_375 : i32
        %get3A_377 = arith.constant 4 : i32
        %get3A_378 = arith.index_cast %get3A_377 : i32 to index
        %get3A_379 = arith.index_cast %add3A_376 : i32 to index
        %get3A_380 = tpu.vector_load %arg7[%get3A_378, %get3A_379] {strides = array<i32>} : memref<8x1280xf32, #tpu.memory_space<vmem>>, vector<16xf32>,
        %mul3A_381 = arith.constant 64 : i32
        %mul3A_382 = arith.muli %mul3A_381, %scan3A_125 : i32
        %add3A_383 = arith.constant 48 : i32
        %add3A_384 = arith.addi %mul3A_382, %add3A_383 : i32
        %get3A_385 = arith.constant 5 : i32
        %get3A_386 = arith.index_cast %get3A_385 : i32 to index
        %get3A_387 = arith.index_cast %add3A_384 : i32 to index
        %get3A_388 = tpu.vector_load %arg7[%get3A_386, %get3A_387] {strides = array<i32>} : memref<8x1280xf32, #tpu.memory_space<vmem>>, vector<16xf32>,
        %mul3A_389 = arith.constant 64 : i32
        %mul3A_390 = arith.muli %mul3A_389, %scan3A_125 : i32
        %add3A_391 = arith.constant 48 : i32
        %add3A_392 = arith.addi %mul3A_390, %add3A_391 : i32
        %get3A_393 = arith.constant 6 : i32
        %get3A_394 = arith.index_cast %get3A_393 : i32 to index
        %get3A_395 = arith.index_cast %add3A_392 : i32 to index
        %get3A_396 = tpu.vector_load %arg7[%get3A_394, %get3A_395] {strides = array<i32>} : memref<8x1280xf32, #tpu.memory_space<vmem>>, vector<16xf32>,
        %mul3A_397 = arith.constant 64 : i32
        %mul3A_398 = arith.muli %mul3A_397, %scan3A_125 : i32
        %add3A_399 = arith.constant 48 : i32
        %add3A_400 = arith.addi %mul3A_398, %add3A_399 : i32
        %get3A_401 = arith.constant 7 : i32
        %get3A_402 = arith.index_cast %get3A_401 : i32 to index
        %get3A_403 = arith.index_cast %add3A_400 : i32 to index
        %get3A_404 = tpu.vector_load %arg7[%get3A_402, %get3A_403] {strides = array<i32>} : memref<8x1280xf32, #tpu.memory_space<vmem>>, vector<16xf32>,
        tpu.vector_store_idx %arg11[%broadcast_in_dim3A_3, %get3A_130], %get3A_156 {add = true} : memref<8x10257xf32, #tpu.memory_space<vmem>>[vector<16xi32>, vector<16xi32>], vector<16xf32>,
        tpu.vector_store_idx %arg11[%broadcast_in_dim3A_5, %get3A_130], %get3A_164 {add = true} : memref<8x10257xf32, #tpu.memory_space<vmem>>[vector<16xi32>, vector<16xi32>], vector<16xf32>,
        tpu.vector_store_idx %arg11[%broadcast_in_dim3A_7, %get3A_130], %get3A_172 {add = true} : memref<8x10257xf32, #tpu.memory_space<vmem>>[vector<16xi32>, vector<16xi32>], vector<16xf32>,
        tpu.vector_store_idx %arg11[%broadcast_in_dim3A_9, %get3A_130], %get3A_180 {add = true} : memref<8x10257xf32, #tpu.memory_space<vmem>>[vector<16xi32>, vector<16xi32>], vector<16xf32>,
        tpu.vector_store_idx %arg11[%broadcast_in_dim3A_11, %get3A_130], %get3A_188 {add = true} : memref<8x10257xf32, #tpu.memory_space<vmem>>[vector<16xi32>, vector<16xi32>], vector<16xf32>,
        tpu.vector_store_idx %arg11[%broadcast_in_dim3A_13, %get3A_130], %get3A_196 {add = true} : memref<8x10257xf32, #tpu.memory_space<vmem>>[vector<16xi32>, vector<16xi32>], vector<16xf32>,
        tpu.vector_store_idx %arg11[%broadcast_in_dim3A_15, %get3A_130], %get3A_204 {add = true} : memref<8x10257xf32, #tpu.memory_space<vmem>>[vector<16xi32>, vector<16xi32>], vector<16xf32>,
        tpu.vector_store_idx %arg11[%broadcast_in_dim3A_17, %get3A_130], %get3A_212 {add = true} : memref<8x10257xf32, #tpu.memory_space<vmem>>[vector<16xi32>, vector<16xi32>], vector<16xf32>,
        tpu.vector_store_idx %arg11[%broadcast_in_dim3A_3, %get3A_136], %get3A_220 {add = true} : memref<8x10257xf32, #tpu.memory_space<vmem>>[vector<16xi32>, vector<16xi32>], vector<16xf32>,
        tpu.vector_store_idx %arg11[%broadcast_in_dim3A_5, %get3A_136], %get3A_228 {add = true} : memref<8x10257xf32, #tpu.memory_space<vmem>>[vector<16xi32>, vector<16xi32>], vector<16xf32>,
        tpu.vector_store_idx %arg11[%broadcast_in_dim3A_7, %get3A_136], %get3A_236 {add = true} : memref<8x10257xf32, #tpu.memory_space<vmem>>[vector<16xi32>, vector<16xi32>], vector<16xf32>,
        tpu.vector_store_idx %arg11[%broadcast_in_dim3A_9, %get3A_136], %get3A_244 {add = true} : memref<8x10257xf32, #tpu.memory_space<vmem>>[vector<16xi32>, vector<16xi32>], vector<16xf32>,
        tpu.vector_store_idx %arg11[%broadcast_in_dim3A_11, %get3A_136], %get3A_252 {add = true} : memref<8x10257xf32, #tpu.memory_space<vmem>>[vector<16xi32>, vector<16xi32>], vector<16xf32>,
        tpu.vector_store_idx %arg11[%broadcast_in_dim3A_13, %get3A_136], %get3A_260 {add = true} : memref<8x10257xf32, #tpu.memory_space<vmem>>[vector<16xi32>, vector<16xi32>], vector<16xf32>,
        tpu.vector_store_idx %arg11[%broadcast_in_dim3A_15, %get3A_136], %get3A_268 {add = true} : memref<8x10257xf32, #tpu.memory_space<vmem>>[vector<16xi32>, vector<16xi32>], vector<16xf32>,
        tpu.vector_store_idx %arg11[%broadcast_in_dim3A_17, %get3A_136], %get3A_276 {add = true} : memref<8x10257xf32, #tpu.memory_space<vmem>>[vector<16xi32>, vector<16xi32>], vector<16xf32>,
        tpu.vector_store_idx %arg11[%broadcast_in_dim3A_3, %get3A_142], %get3A_284 {add = true} : memref<8x10257xf32, #tpu.memory_space<vmem>>[vector<16xi32>, vector<16xi32>], vector<16xf32>,
        tpu.vector_store_idx %arg11[%broadcast_in_dim3A_5, %get3A_142], %get3A_292 {add = true} : memref<8x10257xf32, #tpu.memory_space<vmem>>[vector<16xi32>, vector<16xi32>], vector<16xf32>,
        tpu.vector_store_idx %arg11[%broadcast_in_dim3A_7, %get3A_142], %get3A_300 {add = true} : memref<8x10257xf32, #tpu.memory_space<vmem>>[vector<16xi32>, vector<16xi32>], vector<16xf32>,
        tpu.vector_store_idx %arg11[%broadcast_in_dim3A_9, %get3A_142], %get3A_308 {add = true} : memref<8x10257xf32, #tpu.memory_space<vmem>>[vector<16xi32>, vector<16xi32>], vector<16xf32>,
        tpu.vector_store_idx %arg11[%broadcast_in_dim3A_11, %get3A_142], %get3A_316 {add = true} : memref<8x10257xf32, #tpu.memory_space<vmem>>[vector<16xi32>, vector<16xi32>], vector<16xf32>,
        tpu.vector_store_idx %arg11[%broadcast_in_dim3A_13, %get3A_142], %get3A_324 {add = true} : memref<8x10257xf32, #tpu.memory_space<vmem>>[vector<16xi32>, vector<16xi32>], vector<16xf32>,
        tpu.vector_store_idx %arg11[%broadcast_in_dim3A_15, %get3A_142], %get3A_332 {add = true} : memref<8x10257xf32, #tpu.memory_space<vmem>>[vector<16xi32>, vector<16xi32>], vector<16xf32>,
        tpu.vector_store_idx %arg11[%broadcast_in_dim3A_17, %get3A_142], %get3A_340 {add = true} : memref<8x10257xf32, #tpu.memory_space<vmem>>[vector<16xi32>, vector<16xi32>], vector<16xf32>,
        tpu.vector_store_idx %arg11[%broadcast_in_dim3A_3, %get3A_148], %get3A_348 {add = true} : memref<8x10257xf32, #tpu.memory_space<vmem>>[vector<16xi32>, vector<16xi32>], vector<16xf32>,
        tpu.vector_store_idx %arg11[%broadcast_in_dim3A_5, %get3A_148], %get3A_356 {add = true} : memref<8x10257xf32, #tpu.memory_space<vmem>>[vector<16xi32>, vector<16xi32>], vector<16xf32>,
        tpu.vector_store_idx %arg11[%broadcast_in_dim3A_7, %get3A_148], %get3A_364 {add = true} : memref<8x10257xf32, #tpu.memory_space<vmem>>[vector<16xi32>, vector<16xi32>], vector<16xf32>,
        tpu.vector_store_idx %arg11[%broadcast_in_dim3A_9, %get3A_148], %get3A_372 {add = true} : memref<8x10257xf32, #tpu.memory_space<vmem>>[vector<16xi32>, vector<16xi32>], vector<16xf32>,
        tpu.vector_store_idx %arg11[%broadcast_in_dim3A_11, %get3A_148], %get3A_380 {add = true} : memref<8x10257xf32, #tpu.memory_space<vmem>>[vector<16xi32>, vector<16xi32>], vector<16xf32>,
        tpu.vector_store_idx %arg11[%broadcast_in_dim3A_13, %get3A_148], %get3A_388 {add = true} : memref<8x10257xf32, #tpu.memory_space<vmem>>[vector<16xi32>, vector<16xi32>], vector<16xf32>,
        tpu.vector_store_idx %arg11[%broadcast_in_dim3A_15, %get3A_148], %get3A_396 {add = true} : memref<8x10257xf32, #tpu.memory_space<vmem>>[vector<16xi32>, vector<16xi32>], vector<16xf32>,
        tpu.vector_store_idx %arg11[%broadcast_in_dim3A_17, %get3A_148], %get3A_404 {add = true} : memref<8x10257xf32, #tpu.memory_space<vmem>>[vector<16xi32>, vector<16xi32>], vector<16xf32>,
      }
      %scan3A_117 = arith.constant 20 : i32
      %add3A_118 = arith.constant 2 : i32
      %add3A_119 = arith.addi %add3A_105, %add3A_118 : i32
      %lt3A_120 = arith.constant 250 : i32
      %lt3A_121 = arith.cmpi slt, %add3A_119, %lt3A_120 : i32
      %convert_element_type3A_122 = arith.extui %lt3A_121 : i1 to i32
      %cond3A_123 = arith.constant 0 : i32
      %cond3A_124 = arith.cmpi ne, %convert_element_type3A_122, %cond3A_123 : i32
      scf.if %cond3A_124 {
        %mul3A_125 = arith.constant 1280 : i32
        %mul3A_126 = arith.muli %add3A_119, %mul3A_125 : i32
        %add3A_127 = arith.addi %mul3A_19, %mul3A_126 : i32
        %dma_start3A_128 = tpu.memref_slice %arg3[%add3A_127] : memref<640000xi32, #tpu.memory_space<hbm>> -> memref<1280xi32, #tpu.memory_space<hbm>>
        %dma_start3A_129 = tpu.memref_slice %arg3[%add3A_127] : memref<640000xi32, #tpu.memory_space<hbm>> -> memref<1280xi32, #tpu.memory_space<hbm>>
        tpu.enqueue_dma source(%dma_start3A_129 : memref<1280xi32, #tpu.memory_space<hbm>>) target(%arg9 : memref<1280xi32, #tpu.memory_space<vmem>>) target_semaphore(%arg13 : memref<!tpu.dma_semaphore, #tpu.memory_space<semaphore_mem>>)
        %dma_start3A_130 = tpu.memref_slice %arg2[%add3A, %mul3A_126] : memref<272x320000xf32, #tpu.memory_space<hbm>> -> memref<8x1280xf32, #tpu.memory_space<hbm>>
        %dma_start3A_131 = tpu.memref_slice %arg2[%add3A, %mul3A_126] : memref<272x320000xf32, #tpu.memory_space<hbm>> -> memref<8x1280xf32, #tpu.memory_space<hbm>>
        tpu.enqueue_dma source(%dma_start3A_131 : memref<8x1280xf32, #tpu.memory_space<hbm>>) target(%arg6 : memref<8x1280xf32, #tpu.memory_space<vmem>>) target_semaphore(%arg13 : memref<!tpu.dma_semaphore, #tpu.memory_space<semaphore_mem>>)
      } else {
      }
    }
    %scan3A_43 = arith.constant 83 : i32
    %add3A_44 = arith.constant 318720 : i32
    %add3A_45 = arith.addi %mul3A_19, %add3A_44 : i32
    %dma_wait3A = tpu.memref_slice %arg3[%add3A_45] : memref<640000xi32, #tpu.memory_space<hbm>> -> memref<1280xi32, #tpu.memory_space<hbm>>
    %dma_wait3A_46 = tpu.memref_slice %arg3[%add3A_45] : memref<640000xi32, #tpu.memory_space<hbm>> -> memref<1280xi32, #tpu.memory_space<hbm>>
    tpu.wait_dma2 semaphore(%arg12 : memref<!tpu.dma_semaphore, #tpu.memory_space<semaphore_mem>>) src(%dma_wait3A_46 : memref<1280xi32, #tpu.memory_space<hbm>>) dst(%arg8 : memref<1280xi32, #tpu.memory_space<vmem>>)
    %dma_wait3A_47 = arith.constant 318720 : i32
    %dma_wait3A_48 = tpu.memref_slice %arg2[%add3A, %dma_wait3A_47] : memref<272x320000xf32, #tpu.memory_space<hbm>> -> memref<8x1280xf32, #tpu.memory_space<hbm>>
    %dma_wait3A_49 = arith.constant 318720 : i32
    %dma_wait3A_50 = tpu.memref_slice %arg2[%add3A, %dma_wait3A_49] : memref<272x320000xf32, #tpu.memory_space<hbm>> -> memref<8x1280xf32, #tpu.memory_space<hbm>>
    tpu.wait_dma2 semaphore(%arg12 : memref<!tpu.dma_semaphore, #tpu.memory_space<semaphore_mem>>) src(%dma_wait3A_50 : memref<8x1280xf32, #tpu.memory_space<hbm>>) dst(%arg5 : memref<8x1280xf32, #tpu.memory_space<vmem>>)
    %scan3A_51 = arith.constant 0 : i32
    %scan3A_52 = arith.constant 20 : i32
    %scan3A_53 = arith.addi %scan3A_51, %scan3A_52 : i32
    %scan3A_54 = arith.constant 1 : i32
    scf.for %scan3A_58 = %scan3A_51 to %scan3A_53 step %scan3A_54  : i32 {
      %mul3A_59 = arith.constant 64 : i32
      %mul3A_60 = arith.muli %mul3A_59, %scan3A_58 : i32
      %add3A_61 = arith.constant 0 : i32
      %add3A_62 = arith.addi %mul3A_60, %add3A_61 : i32
      %get3A = arith.index_cast %add3A_62 : i32 to index
      %get3A_63 = tpu.vector_load %arg8[%get3A] {strides = array<i32>} : memref<1280xi32, #tpu.memory_space<vmem>>, vector<16xi32>,
      %mul3A_64 = arith.constant 64 : i32
      %mul3A_65 = arith.muli %mul3A_64, %scan3A_58 : i32
      %add3A_66 = arith.constant 16 : i32
      %add3A_67 = arith.addi %mul3A_65, %add3A_66 : i32
      %get3A_68 = arith.index_cast %add3A_67 : i32 to index
      %get3A_69 = tpu.vector_load %arg8[%get3A_68] {strides = array<i32>} : memref<1280xi32, #tpu.memory_space<vmem>>, vector<16xi32>,
      %mul3A_70 = arith.constant 64 : i32
      %mul3A_71 = arith.muli %mul3A_70, %scan3A_58 : i32
      %add3A_72 = arith.constant 32 : i32
      %add3A_73 = arith.addi %mul3A_71, %add3A_72 : i32
      %get3A_74 = arith.index_cast %add3A_73 : i32 to index
      %get3A_75 = tpu.vector_load %arg8[%get3A_74] {strides = array<i32>} : memref<1280xi32, #tpu.memory_space<vmem>>, vector<16xi32>,
      %mul3A_76 = arith.constant 64 : i32
      %mul3A_77 = arith.muli %mul3A_76, %scan3A_58 : i32
      %add3A_78 = arith.constant 48 : i32
      %add3A_79 = arith.addi %mul3A_77, %add3A_78 : i32
      %get3A_80 = arith.index_cast %add3A_79 : i32 to index
      %get3A_81 = tpu.vector_load %arg8[%get3A_80] {strides = array<i32>} : memref<1280xi32, #tpu.memory_space<vmem>>, vector<16xi32>,
      %mul3A_82 = arith.constant 64 : i32
      %mul3A_83 = arith.muli %mul3A_82, %scan3A_58 : i32
      %add3A_84 = arith.constant 0 : i32
      %add3A_85 = arith.addi %mul3A_83, %add3A_84 : i32
      %get3A_86 = arith.constant 0 : i32
      %get3A_87 = arith.index_cast %get3A_86 : i32 to index
      %get3A_88 = arith.index_cast %add3A_85 : i32 to index
      %get3A_89 = tpu.vector_load %arg5[%get3A_87, %get3A_88] {strides = array<i32>} : memref<8x1280xf32, #tpu.memory_space<vmem>>, vector<16xf32>,
      %mul3A_90 = arith.constant 64 : i32
      %mul3A_91 = arith.muli %mul3A_90, %scan3A_58 : i32
      %add3A_92 = arith.constant 0 : i32
      %add3A_93 = arith.addi %mul3A_91, %add3A_92 : i32
      %get3A_94 = arith.constant 1 : i32
      %get3A_95 = arith.index_cast %get3A_94 : i32 to index
      %get3A_96 = arith.index_cast %add3A_93 : i32 to index
      %get3A_97 = tpu.vector_load %arg5[%get3A_95, %get3A_96] {strides = array<i32>} : memref<8x1280xf32, #tpu.memory_space<vmem>>, vector<16xf32>,
      %mul3A_98 = arith.constant 64 : i32
      %mul3A_99 = arith.muli %mul3A_98, %scan3A_58 : i32
      %add3A_100 = arith.constant 0 : i32
      %add3A_101 = arith.addi %mul3A_99, %add3A_100 : i32
      %get3A_102 = arith.constant 2 : i32
      %get3A_103 = arith.index_cast %get3A_102 : i32 to index
      %get3A_104 = arith.index_cast %add3A_101 : i32 to index
      %get3A_105 = tpu.vector_load %arg5[%get3A_103, %get3A_104] {strides = array<i32>} : memref<8x1280xf32, #tpu.memory_space<vmem>>, vector<16xf32>,
      %mul3A_106 = arith.constant 64 : i32
      %mul3A_107 = arith.muli %mul3A_106, %scan3A_58 : i32
      %add3A_108 = arith.constant 0 : i32
      %add3A_109 = arith.addi %mul3A_107, %add3A_108 : i32
      %get3A_110 = arith.constant 3 : i32
      %get3A_111 = arith.index_cast %get3A_110 : i32 to index
      %get3A_112 = arith.index_cast %add3A_109 : i32 to index
      %get3A_113 = tpu.vector_load %arg5[%get3A_111, %get3A_112] {strides = array<i32>} : memref<8x1280xf32, #tpu.memory_space<vmem>>, vector<16xf32>,
      %mul3A_114 = arith.constant 64 : i32
      %mul3A_115 = arith.muli %mul3A_114, %scan3A_58 : i32
      %add3A_116 = arith.constant 0 : i32
      %add3A_117 = arith.addi %mul3A_115, %add3A_116 : i32
      %get3A_118 = arith.constant 4 : i32
      %get3A_119 = arith.index_cast %get3A_118 : i32 to index
      %get3A_120 = arith.index_cast %add3A_117 : i32 to index
      %get3A_121 = tpu.vector_load %arg5[%get3A_119, %get3A_120] {strides = array<i32>} : memref<8x1280xf32, #tpu.memory_space<vmem>>, vector<16xf32>,
      %mul3A_122 = arith.constant 64 : i32
      %mul3A_123 = arith.muli %mul3A_122, %scan3A_58 : i32
      %add3A_124 = arith.constant 0 : i32
      %add3A_125 = arith.addi %mul3A_123, %add3A_124 : i32
      %get3A_126 = arith.constant 5 : i32
      %get3A_127 = arith.index_cast %get3A_126 : i32 to index
      %get3A_128 = arith.index_cast %add3A_125 : i32 to index
      %get3A_129 = tpu.vector_load %arg5[%get3A_127, %get3A_128] {strides = array<i32>} : memref<8x1280xf32, #tpu.memory_space<vmem>>, vector<16xf32>,
      %mul3A_130 = arith.constant 64 : i32
      %mul3A_131 = arith.muli %mul3A_130, %scan3A_58 : i32
      %add3A_132 = arith.constant 0 : i32
      %add3A_133 = arith.addi %mul3A_131, %add3A_132 : i32
      %get3A_134 = arith.constant 6 : i32
      %get3A_135 = arith.index_cast %get3A_134 : i32 to index
      %get3A_136 = arith.index_cast %add3A_133 : i32 to index
      %get3A_137 = tpu.vector_load %arg5[%get3A_135, %get3A_136] {strides = array<i32>} : memref<8x1280xf32, #tpu.memory_space<vmem>>, vector<16xf32>,
      %mul3A_138 = arith.constant 64 : i32
      %mul3A_139 = arith.muli %mul3A_138, %scan3A_58 : i32
      %add3A_140 = arith.constant 0 : i32
      %add3A_141 = arith.addi %mul3A_139, %add3A_140 : i32
      %get3A_142 = arith.constant 7 : i32
      %get3A_143 = arith.index_cast %get3A_142 : i32 to index
      %get3A_144 = arith.index_cast %add3A_141 : i32 to index
      %get3A_145 = tpu.vector_load %arg5[%get3A_143, %get3A_144] {strides = array<i32>} : memref<8x1280xf32, #tpu.memory_space<vmem>>, vector<16xf32>,
      %mul3A_146 = arith.constant 64 : i32
      %mul3A_147 = arith.muli %mul3A_146, %scan3A_58 : i32
      %add3A_148 = arith.constant 16 : i32
      %add3A_149 = arith.addi %mul3A_147, %add3A_148 : i32
      %get3A_150 = arith.constant 0 : i32
      %get3A_151 = arith.index_cast %get3A_150 : i32 to index
      %get3A_152 = arith.index_cast %add3A_149 : i32 to index
      %get3A_153 = tpu.vector_load %arg5[%get3A_151, %get3A_152] {strides = array<i32>} : memref<8x1280xf32, #tpu.memory_space<vmem>>, vector<16xf32>,
      %mul3A_154 = arith.constant 64 : i32
      %mul3A_155 = arith.muli %mul3A_154, %scan3A_58 : i32
      %add3A_156 = arith.constant 16 : i32
      %add3A_157 = arith.addi %mul3A_155, %add3A_156 : i32
      %get3A_158 = arith.constant 1 : i32
      %get3A_159 = arith.index_cast %get3A_158 : i32 to index
      %get3A_160 = arith.index_cast %add3A_157 : i32 to index
      %get3A_161 = tpu.vector_load %arg5[%get3A_159, %get3A_160] {strides = array<i32>} : memref<8x1280xf32, #tpu.memory_space<vmem>>, vector<16xf32>,
      %mul3A_162 = arith.constant 64 : i32
      %mul3A_163 = arith.muli %mul3A_162, %scan3A_58 : i32
      %add3A_164 = arith.constant 16 : i32
      %add3A_165 = arith.addi %mul3A_163, %add3A_164 : i32
      %get3A_166 = arith.constant 2 : i32
      %get3A_167 = arith.index_cast %get3A_166 : i32 to index
      %get3A_168 = arith.index_cast %add3A_165 : i32 to index
      %get3A_169 = tpu.vector_load %arg5[%get3A_167, %get3A_168] {strides = array<i32>} : memref<8x1280xf32, #tpu.memory_space<vmem>>, vector<16xf32>,
      %mul3A_170 = arith.constant 64 : i32
      %mul3A_171 = arith.muli %mul3A_170, %scan3A_58 : i32
      %add3A_172 = arith.constant 16 : i32
      %add3A_173 = arith.addi %mul3A_171, %add3A_172 : i32
      %get3A_174 = arith.constant 3 : i32
      %get3A_175 = arith.index_cast %get3A_174 : i32 to index
      %get3A_176 = arith.index_cast %add3A_173 : i32 to index
      %get3A_177 = tpu.vector_load %arg5[%get3A_175, %get3A_176] {strides = array<i32>} : memref<8x1280xf32, #tpu.memory_space<vmem>>, vector<16xf32>,
      %mul3A_178 = arith.constant 64 : i32
      %mul3A_179 = arith.muli %mul3A_178, %scan3A_58 : i32
      %add3A_180 = arith.constant 16 : i32
      %add3A_181 = arith.addi %mul3A_179, %add3A_180 : i32
      %get3A_182 = arith.constant 4 : i32
      %get3A_183 = arith.index_cast %get3A_182 : i32 to index
      %get3A_184 = arith.index_cast %add3A_181 : i32 to index
      %get3A_185 = tpu.vector_load %arg5[%get3A_183, %get3A_184] {strides = array<i32>} : memref<8x1280xf32, #tpu.memory_space<vmem>>, vector<16xf32>,
      %mul3A_186 = arith.constant 64 : i32
      %mul3A_187 = arith.muli %mul3A_186, %scan3A_58 : i32
      %add3A_188 = arith.constant 16 : i32
      %add3A_189 = arith.addi %mul3A_187, %add3A_188 : i32
      %get3A_190 = arith.constant 5 : i32
      %get3A_191 = arith.index_cast %get3A_190 : i32 to index
      %get3A_192 = arith.index_cast %add3A_189 : i32 to index
      %get3A_193 = tpu.vector_load %arg5[%get3A_191, %get3A_192] {strides = array<i32>} : memref<8x1280xf32, #tpu.memory_space<vmem>>, vector<16xf32>,
      %mul3A_194 = arith.constant 64 : i32
      %mul3A_195 = arith.muli %mul3A_194, %scan3A_58 : i32
      %add3A_196 = arith.constant 16 : i32
      %add3A_197 = arith.addi %mul3A_195, %add3A_196 : i32
      %get3A_198 = arith.constant 6 : i32
      %get3A_199 = arith.index_cast %get3A_198 : i32 to index
      %get3A_200 = arith.index_cast %add3A_197 : i32 to index
      %get3A_201 = tpu.vector_load %arg5[%get3A_199, %get3A_200] {strides = array<i32>} : memref<8x1280xf32, #tpu.memory_space<vmem>>, vector<16xf32>,
      %mul3A_202 = arith.constant 64 : i32
      %mul3A_203 = arith.muli %mul3A_202, %scan3A_58 : i32
      %add3A_204 = arith.constant 16 : i32
      %add3A_205 = arith.addi %mul3A_203, %add3A_204 : i32
      %get3A_206 = arith.constant 7 : i32
      %get3A_207 = arith.index_cast %get3A_206 : i32 to index
      %get3A_208 = arith.index_cast %add3A_205 : i32 to index
      %get3A_209 = tpu.vector_load %arg5[%get3A_207, %get3A_208] {strides = array<i32>} : memref<8x1280xf32, #tpu.memory_space<vmem>>, vector<16xf32>,
      %mul3A_210 = arith.constant 64 : i32
      %mul3A_211 = arith.muli %mul3A_210, %scan3A_58 : i32
      %add3A_212 = arith.constant 32 : i32
      %add3A_213 = arith.addi %mul3A_211, %add3A_212 : i32
      %get3A_214 = arith.constant 0 : i32
      %get3A_215 = arith.index_cast %get3A_214 : i32 to index
      %get3A_216 = arith.index_cast %add3A_213 : i32 to index
      %get3A_217 = tpu.vector_load %arg5[%get3A_215, %get3A_216] {strides = array<i32>} : memref<8x1280xf32, #tpu.memory_space<vmem>>, vector<16xf32>,
      %mul3A_218 = arith.constant 64 : i32
      %mul3A_219 = arith.muli %mul3A_218, %scan3A_58 : i32
      %add3A_220 = arith.constant 32 : i32
      %add3A_221 = arith.addi %mul3A_219, %add3A_220 : i32
      %get3A_222 = arith.constant 1 : i32
      %get3A_223 = arith.index_cast %get3A_222 : i32 to index
      %get3A_224 = arith.index_cast %add3A_221 : i32 to index
      %get3A_225 = tpu.vector_load %arg5[%get3A_223, %get3A_224] {strides = array<i32>} : memref<8x1280xf32, #tpu.memory_space<vmem>>, vector<16xf32>,
      %mul3A_226 = arith.constant 64 : i32
      %mul3A_227 = arith.muli %mul3A_226, %scan3A_58 : i32
      %add3A_228 = arith.constant 32 : i32
      %add3A_229 = arith.addi %mul3A_227, %add3A_228 : i32
      %get3A_230 = arith.constant 2 : i32
      %get3A_231 = arith.index_cast %get3A_230 : i32 to index
      %get3A_232 = arith.index_cast %add3A_229 : i32 to index
      %get3A_233 = tpu.vector_load %arg5[%get3A_231, %get3A_232] {strides = array<i32>} : memref<8x1280xf32, #tpu.memory_space<vmem>>, vector<16xf32>,
      %mul3A_234 = arith.constant 64 : i32
      %mul3A_235 = arith.muli %mul3A_234, %scan3A_58 : i32
      %add3A_236 = arith.constant 32 : i32
      %add3A_237 = arith.addi %mul3A_235, %add3A_236 : i32
      %get3A_238 = arith.constant 3 : i32
      %get3A_239 = arith.index_cast %get3A_238 : i32 to index
      %get3A_240 = arith.index_cast %add3A_237 : i32 to index
      %get3A_241 = tpu.vector_load %arg5[%get3A_239, %get3A_240] {strides = array<i32>} : memref<8x1280xf32, #tpu.memory_space<vmem>>, vector<16xf32>,
      %mul3A_242 = arith.constant 64 : i32
      %mul3A_243 = arith.muli %mul3A_242, %scan3A_58 : i32
      %add3A_244 = arith.constant 32 : i32
      %add3A_245 = arith.addi %mul3A_243, %add3A_244 : i32
      %get3A_246 = arith.constant 4 : i32
      %get3A_247 = arith.index_cast %get3A_246 : i32 to index
      %get3A_248 = arith.index_cast %add3A_245 : i32 to index
      %get3A_249 = tpu.vector_load %arg5[%get3A_247, %get3A_248] {strides = array<i32>} : memref<8x1280xf32, #tpu.memory_space<vmem>>, vector<16xf32>,
      %mul3A_250 = arith.constant 64 : i32
      %mul3A_251 = arith.muli %mul3A_250, %scan3A_58 : i32
      %add3A_252 = arith.constant 32 : i32
      %add3A_253 = arith.addi %mul3A_251, %add3A_252 : i32
      %get3A_254 = arith.constant 5 : i32
      %get3A_255 = arith.index_cast %get3A_254 : i32 to index
      %get3A_256 = arith.index_cast %add3A_253 : i32 to index
      %get3A_257 = tpu.vector_load %arg5[%get3A_255, %get3A_256] {strides = array<i32>} : memref<8x1280xf32, #tpu.memory_space<vmem>>, vector<16xf32>,
      %mul3A_258 = arith.constant 64 : i32
      %mul3A_259 = arith.muli %mul3A_258, %scan3A_58 : i32
      %add3A_260 = arith.constant 32 : i32
      %add3A_261 = arith.addi %mul3A_259, %add3A_260 : i32
      %get3A_262 = arith.constant 6 : i32
      %get3A_263 = arith.index_cast %get3A_262 : i32 to index
      %get3A_264 = arith.index_cast %add3A_261 : i32 to index
      %get3A_265 = tpu.vector_load %arg5[%get3A_263, %get3A_264] {strides = array<i32>} : memref<8x1280xf32, #tpu.memory_space<vmem>>, vector<16xf32>,
      %mul3A_266 = arith.constant 64 : i32
      %mul3A_267 = arith.muli %mul3A_266, %scan3A_58 : i32
      %add3A_268 = arith.constant 32 : i32
      %add3A_269 = arith.addi %mul3A_267, %add3A_268 : i32
      %get3A_270 = arith.constant 7 : i32
      %get3A_271 = arith.index_cast %get3A_270 : i32 to index
      %get3A_272 = arith.index_cast %add3A_269 : i32 to index
      %get3A_273 = tpu.vector_load %arg5[%get3A_271, %get3A_272] {strides = array<i32>} : memref<8x1280xf32, #tpu.memory_space<vmem>>, vector<16xf32>,
      %mul3A_274 = arith.constant 64 : i32
      %mul3A_275 = arith.muli %mul3A_274, %scan3A_58 : i32
      %add3A_276 = arith.constant 48 : i32
      %add3A_277 = arith.addi %mul3A_275, %add3A_276 : i32
      %get3A_278 = arith.constant 0 : i32
      %get3A_279 = arith.index_cast %get3A_278 : i32 to index
      %get3A_280 = arith.index_cast %add3A_277 : i32 to index
      %get3A_281 = tpu.vector_load %arg5[%get3A_279, %get3A_280] {strides = array<i32>} : memref<8x1280xf32, #tpu.memory_space<vmem>>, vector<16xf32>,
      %mul3A_282 = arith.constant 64 : i32
      %mul3A_283 = arith.muli %mul3A_282, %scan3A_58 : i32
      %add3A_284 = arith.constant 48 : i32
      %add3A_285 = arith.addi %mul3A_283, %add3A_284 : i32
      %get3A_286 = arith.constant 1 : i32
      %get3A_287 = arith.index_cast %get3A_286 : i32 to index
      %get3A_288 = arith.index_cast %add3A_285 : i32 to index
      %get3A_289 = tpu.vector_load %arg5[%get3A_287, %get3A_288] {strides = array<i32>} : memref<8x1280xf32, #tpu.memory_space<vmem>>, vector<16xf32>,
      %mul3A_290 = arith.constant 64 : i32
      %mul3A_291 = arith.muli %mul3A_290, %scan3A_58 : i32
      %add3A_292 = arith.constant 48 : i32
      %add3A_293 = arith.addi %mul3A_291, %add3A_292 : i32
      %get3A_294 = arith.constant 2 : i32
      %get3A_295 = arith.index_cast %get3A_294 : i32 to index
      %get3A_296 = arith.index_cast %add3A_293 : i32 to index
      %get3A_297 = tpu.vector_load %arg5[%get3A_295, %get3A_296] {strides = array<i32>} : memref<8x1280xf32, #tpu.memory_space<vmem>>, vector<16xf32>,
      %mul3A_298 = arith.constant 64 : i32
      %mul3A_299 = arith.muli %mul3A_298, %scan3A_58 : i32
      %add3A_300 = arith.constant 48 : i32
      %add3A_301 = arith.addi %mul3A_299, %add3A_300 : i32
      %get3A_302 = arith.constant 3 : i32
      %get3A_303 = arith.index_cast %get3A_302 : i32 to index
      %get3A_304 = arith.index_cast %add3A_301 : i32 to index
      %get3A_305 = tpu.vector_load %arg5[%get3A_303, %get3A_304] {strides = array<i32>} : memref<8x1280xf32, #tpu.memory_space<vmem>>, vector<16xf32>,
      %mul3A_306 = arith.constant 64 : i32
      %mul3A_307 = arith.muli %mul3A_306, %scan3A_58 : i32
      %add3A_308 = arith.constant 48 : i32
      %add3A_309 = arith.addi %mul3A_307, %add3A_308 : i32
      %get3A_310 = arith.constant 4 : i32
      %get3A_311 = arith.index_cast %get3A_310 : i32 to index
      %get3A_312 = arith.index_cast %add3A_309 : i32 to index
      %get3A_313 = tpu.vector_load %arg5[%get3A_311, %get3A_312] {strides = array<i32>} : memref<8x1280xf32, #tpu.memory_space<vmem>>, vector<16xf32>,
      %mul3A_314 = arith.constant 64 : i32
      %mul3A_315 = arith.muli %mul3A_314, %scan3A_58 : i32
      %add3A_316 = arith.constant 48 : i32
      %add3A_317 = arith.addi %mul3A_315, %add3A_316 : i32
      %get3A_318 = arith.constant 5 : i32
      %get3A_319 = arith.index_cast %get3A_318 : i32 to index
      %get3A_320 = arith.index_cast %add3A_317 : i32 to index
      %get3A_321 = tpu.vector_load %arg5[%get3A_319, %get3A_320] {strides = array<i32>} : memref<8x1280xf32, #tpu.memory_space<vmem>>, vector<16xf32>,
      %mul3A_322 = arith.constant 64 : i32
      %mul3A_323 = arith.muli %mul3A_322, %scan3A_58 : i32
      %add3A_324 = arith.constant 48 : i32
      %add3A_325 = arith.addi %mul3A_323, %add3A_324 : i32
      %get3A_326 = arith.constant 6 : i32
      %get3A_327 = arith.index_cast %get3A_326 : i32 to index
      %get3A_328 = arith.index_cast %add3A_325 : i32 to index
      %get3A_329 = tpu.vector_load %arg5[%get3A_327, %get3A_328] {strides = array<i32>} : memref<8x1280xf32, #tpu.memory_space<vmem>>, vector<16xf32>,
      %mul3A_330 = arith.constant 64 : i32
      %mul3A_331 = arith.muli %mul3A_330, %scan3A_58 : i32
      %add3A_332 = arith.constant 48 : i32
      %add3A_333 = arith.addi %mul3A_331, %add3A_332 : i32
      %get3A_334 = arith.constant 7 : i32
      %get3A_335 = arith.index_cast %get3A_334 : i32 to index
      %get3A_336 = arith.index_cast %add3A_333 : i32 to index
      %get3A_337 = tpu.vector_load %arg5[%get3A_335, %get3A_336] {strides = array<i32>} : memref<8x1280xf32, #tpu.memory_space<vmem>>, vector<16xf32>,
      tpu.vector_store_idx %arg11[%broadcast_in_dim3A_3, %get3A_63], %get3A_89 {add = true} : memref<8x10257xf32, #tpu.memory_space<vmem>>[vector<16xi32>, vector<16xi32>], vector<16xf32>,
      tpu.vector_store_idx %arg11[%broadcast_in_dim3A_5, %get3A_63], %get3A_97 {add = true} : memref<8x10257xf32, #tpu.memory_space<vmem>>[vector<16xi32>, vector<16xi32>], vector<16xf32>,
      tpu.vector_store_idx %arg11[%broadcast_in_dim3A_7, %get3A_63], %get3A_105 {add = true} : memref<8x10257xf32, #tpu.memory_space<vmem>>[vector<16xi32>, vector<16xi32>], vector<16xf32>,
      tpu.vector_store_idx %arg11[%broadcast_in_dim3A_9, %get3A_63], %get3A_113 {add = true} : memref<8x10257xf32, #tpu.memory_space<vmem>>[vector<16xi32>, vector<16xi32>], vector<16xf32>,
      tpu.vector_store_idx %arg11[%broadcast_in_dim3A_11, %get3A_63], %get3A_121 {add = true} : memref<8x10257xf32, #tpu.memory_space<vmem>>[vector<16xi32>, vector<16xi32>], vector<16xf32>,
      tpu.vector_store_idx %arg11[%broadcast_in_dim3A_13, %get3A_63], %get3A_129 {add = true} : memref<8x10257xf32, #tpu.memory_space<vmem>>[vector<16xi32>, vector<16xi32>], vector<16xf32>,
      tpu.vector_store_idx %arg11[%broadcast_in_dim3A_15, %get3A_63], %get3A_137 {add = true} : memref<8x10257xf32, #tpu.memory_space<vmem>>[vector<16xi32>, vector<16xi32>], vector<16xf32>,
      tpu.vector_store_idx %arg11[%broadcast_in_dim3A_17, %get3A_63], %get3A_145 {add = true} : memref<8x10257xf32, #tpu.memory_space<vmem>>[vector<16xi32>, vector<16xi32>], vector<16xf32>,
      tpu.vector_store_idx %arg11[%broadcast_in_dim3A_3, %get3A_69], %get3A_153 {add = true} : memref<8x10257xf32, #tpu.memory_space<vmem>>[vector<16xi32>, vector<16xi32>], vector<16xf32>,
      tpu.vector_store_idx %arg11[%broadcast_in_dim3A_5, %get3A_69], %get3A_161 {add = true} : memref<8x10257xf32, #tpu.memory_space<vmem>>[vector<16xi32>, vector<16xi32>], vector<16xf32>,
      tpu.vector_store_idx %arg11[%broadcast_in_dim3A_7, %get3A_69], %get3A_169 {add = true} : memref<8x10257xf32, #tpu.memory_space<vmem>>[vector<16xi32>, vector<16xi32>], vector<16xf32>,
      tpu.vector_store_idx %arg11[%broadcast_in_dim3A_9, %get3A_69], %get3A_177 {add = true} : memref<8x10257xf32, #tpu.memory_space<vmem>>[vector<16xi32>, vector<16xi32>], vector<16xf32>,
      tpu.vector_store_idx %arg11[%broadcast_in_dim3A_11, %get3A_69], %get3A_185 {add = true} : memref<8x10257xf32, #tpu.memory_space<vmem>>[vector<16xi32>, vector<16xi32>], vector<16xf32>,
      tpu.vector_store_idx %arg11[%broadcast_in_dim3A_13, %get3A_69], %get3A_193 {add = true} : memref<8x10257xf32, #tpu.memory_space<vmem>>[vector<16xi32>, vector<16xi32>], vector<16xf32>,
      tpu.vector_store_idx %arg11[%broadcast_in_dim3A_15, %get3A_69], %get3A_201 {add = true} : memref<8x10257xf32, #tpu.memory_space<vmem>>[vector<16xi32>, vector<16xi32>], vector<16xf32>,
      tpu.vector_store_idx %arg11[%broadcast_in_dim3A_17, %get3A_69], %get3A_209 {add = true} : memref<8x10257xf32, #tpu.memory_space<vmem>>[vector<16xi32>, vector<16xi32>], vector<16xf32>,
      tpu.vector_store_idx %arg11[%broadcast_in_dim3A_3, %get3A_75], %get3A_217 {add = true} : memref<8x10257xf32, #tpu.memory_space<vmem>>[vector<16xi32>, vector<16xi32>], vector<16xf32>,
      tpu.vector_store_idx %arg11[%broadcast_in_dim3A_5, %get3A_75], %get3A_225 {add = true} : memref<8x10257xf32, #tpu.memory_space<vmem>>[vector<16xi32>, vector<16xi32>], vector<16xf32>,
      tpu.vector_store_idx %arg11[%broadcast_in_dim3A_7, %get3A_75], %get3A_233 {add = true} : memref<8x10257xf32, #tpu.memory_space<vmem>>[vector<16xi32>, vector<16xi32>], vector<16xf32>,
      tpu.vector_store_idx %arg11[%broadcast_in_dim3A_9, %get3A_75], %get3A_241 {add = true} : memref<8x10257xf32, #tpu.memory_space<vmem>>[vector<16xi32>, vector<16xi32>], vector<16xf32>,
      tpu.vector_store_idx %arg11[%broadcast_in_dim3A_11, %get3A_75], %get3A_249 {add = true} : memref<8x10257xf32, #tpu.memory_space<vmem>>[vector<16xi32>, vector<16xi32>], vector<16xf32>,
      tpu.vector_store_idx %arg11[%broadcast_in_dim3A_13, %get3A_75], %get3A_257 {add = true} : memref<8x10257xf32, #tpu.memory_space<vmem>>[vector<16xi32>, vector<16xi32>], vector<16xf32>,
      tpu.vector_store_idx %arg11[%broadcast_in_dim3A_15, %get3A_75], %get3A_265 {add = true} : memref<8x10257xf32, #tpu.memory_space<vmem>>[vector<16xi32>, vector<16xi32>], vector<16xf32>,
      tpu.vector_store_idx %arg11[%broadcast_in_dim3A_17, %get3A_75], %get3A_273 {add = true} : memref<8x10257xf32, #tpu.memory_space<vmem>>[vector<16xi32>, vector<16xi32>], vector<16xf32>,
      tpu.vector_store_idx %arg11[%broadcast_in_dim3A_3, %get3A_81], %get3A_281 {add = true} : memref<8x10257xf32, #tpu.memory_space<vmem>>[vector<16xi32>, vector<16xi32>], vector<16xf32>,
      tpu.vector_store_idx %arg11[%broadcast_in_dim3A_5, %get3A_81], %get3A_289 {add = true} : memref<8x10257xf32, #tpu.memory_space<vmem>>[vector<16xi32>, vector<16xi32>], vector<16xf32>,
      tpu.vector_store_idx %arg11[%broadcast_in_dim3A_7, %get3A_81], %get3A_297 {add = true} : memref<8x10257xf32, #tpu.memory_space<vmem>>[vector<16xi32>, vector<16xi32>], vector<16xf32>,
      tpu.vector_store_idx %arg11[%broadcast_in_dim3A_9, %get3A_81], %get3A_305 {add = true} : memref<8x10257xf32, #tpu.memory_space<vmem>>[vector<16xi32>, vector<16xi32>], vector<16xf32>,
      tpu.vector_store_idx %arg11[%broadcast_in_dim3A_11, %get3A_81], %get3A_313 {add = true} : memref<8x10257xf32, #tpu.memory_space<vmem>>[vector<16xi32>, vector<16xi32>], vector<16xf32>,
      tpu.vector_store_idx %arg11[%broadcast_in_dim3A_13, %get3A_81], %get3A_321 {add = true} : memref<8x10257xf32, #tpu.memory_space<vmem>>[vector<16xi32>, vector<16xi32>], vector<16xf32>,
      tpu.vector_store_idx %arg11[%broadcast_in_dim3A_15, %get3A_81], %get3A_329 {add = true} : memref<8x10257xf32, #tpu.memory_space<vmem>>[vector<16xi32>, vector<16xi32>], vector<16xf32>,
      tpu.vector_store_idx %arg11[%broadcast_in_dim3A_17, %get3A_81], %get3A_337 {add = true} : memref<8x10257xf32, #tpu.memory_space<vmem>>[vector<16xi32>, vector<16xi32>], vector<16xf32>,
    }
    %scan3A_55 = arith.constant 20 : i32
    %mul3A_56 = arith.constant 8 : i32
    %mul3A_57 = arith.muli %mul3A_56, %arg1 : i32
    "tpu.region"() ({
      %run_scoped3A = tpu.sem_alloc : memref<!tpu.dma_semaphore, #tpu.memory_space<semaphore_mem>>
      %dma_start3A_58 = arith.constant 0 : i32
      %dma_start3A_59 = tpu.memref_slice %arg4[%arg0, %mul3A_57, %dma_start3A_58] : memref<2x128x10257xf32, #tpu.memory_space<hbm>> -> memref<1x8x10257xf32, #tpu.memory_space<hbm>>
      %dma_start3A_60 = tpu.memref_squeeze %dma_start3A_59 : memref<1x8x10257xf32, #tpu.memory_space<hbm>> -> memref<8x10257xf32, #tpu.memory_space<hbm>>
      %dma_start3A_61 = arith.constant 0 : i32
      %dma_start3A_62 = tpu.memref_slice %arg4[%arg0, %mul3A_57, %dma_start3A_61] : memref<2x128x10257xf32, #tpu.memory_space<hbm>> -> memref<1x8x10257xf32, #tpu.memory_space<hbm>>
      %dma_start3A_63 = tpu.memref_squeeze %dma_start3A_62 : memref<1x8x10257xf32, #tpu.memory_space<hbm>> -> memref<8x10257xf32, #tpu.memory_space<hbm>>
      tpu.enqueue_dma source(%arg11 : memref<8x10257xf32, #tpu.memory_space<vmem>>) target(%dma_start3A_63 : memref<8x10257xf32, #tpu.memory_space<hbm>>) target_semaphore(%run_scoped3A : memref<!tpu.dma_semaphore, #tpu.memory_space<semaphore_mem>>)
      %dma_wait3A_64 = arith.constant 0 : i32
      %dma_wait3A_65 = tpu.memref_slice %arg4[%arg0, %mul3A_57, %dma_wait3A_64] : memref<2x128x10257xf32, #tpu.memory_space<hbm>> -> memref<1x8x10257xf32, #tpu.memory_space<hbm>>
      %dma_wait3A_66 = tpu.memref_squeeze %dma_wait3A_65 : memref<1x8x10257xf32, #tpu.memory_space<hbm>> -> memref<8x10257xf32, #tpu.memory_space<hbm>>
      %dma_wait3A_67 = arith.constant 0 : i32
      %dma_wait3A_68 = tpu.memref_slice %arg4[%arg0, %mul3A_57, %dma_wait3A_67] : memref<2x128x10257xf32, #tpu.memory_space<hbm>> -> memref<1x8x10257xf32, #tpu.memory_space<hbm>>
      %dma_wait3A_69 = tpu.memref_squeeze %dma_wait3A_68 : memref<1x8x10257xf32, #tpu.memory_space<hbm>> -> memref<8x10257xf32, #tpu.memory_space<hbm>>
      tpu.wait_dma2 semaphore(%run_scoped3A : memref<!tpu.dma_semaphore, #tpu.memory_space<semaphore_mem>>) src(%arg11 : memref<8x10257xf32, #tpu.memory_space<vmem>>) dst(%dma_wait3A_69 : memref<8x10257xf32, #tpu.memory_space<hbm>>)
      tpu.yield
    }) : () -> ()
    return
  }
}

module attributes {stable_mosaic.version = 14 : i64} {
  func.func @_b_body(%arg0: i32, %arg1: memref<16x32000xf32, #tpu.memory_space<vmem>>, %arg2: memref<16x32000xf32, #tpu.memory_space<vmem>>) attributes {dimension_semantics = [#tpu.dimension_semantics<arbitrary>], iteration_bounds = array<i64: 10>, scalar_prefetch = 0 : i64, scratch_operands = 0 : i64, tpu.core_type = #tpu.core_type<tc>, window_params = [{transform_indices = @transform_0, window_bounds = array<i64: 16, 32000>}, {transform_indices = @transform_1, window_bounds = array<i64: 16, 32000>}]} {
    %get3A = arith.constant 0 : index
    %get3A_0 = arith.constant 0 : index
    %get3A_1 = vector.load %arg1[%get3A, %get3A_0] : memref<16x32000xf32, #tpu.memory_space<vmem>>, vector<16x32000xf32>
    %swap3A = arith.constant 0 : index
    %swap3A_2 = arith.constant 0 : index
    %swap3A_3 = vector.load %arg2[%swap3A, %swap3A_2] : memref<16x32000xf32, #tpu.memory_space<vmem>>, vector<16x32000xf32>
    tpu.vector_store %arg2[%swap3A, %swap3A_2], %get3A_1 {strides = array<i32>} : memref<16x32000xf32, #tpu.memory_space<vmem>>, vector<16x32000xf32>,
    return
  }
  func.func @transform_0(%arg0: i32) -> (i32, i32) {
    %c16_i32 = arith.constant 16 : i32
    %c0_i32 = arith.constant 0 : i32
    return %c16_i32, %arg0 : i32, i32
  }
  func.func @transform_1(%arg0: i32) -> (i32, i32) {
    %c0_i32 = arith.constant 0 : i32
    %c0_i32_0 = arith.constant 0 : i32
    return %c0_i32, %arg0 : i32, i32
  }
}

module attributes {stable_mosaic.version = 14 : i64} {
  func.func @_comb_body(%arg0: i32, %arg1: memref<2x128x1280xf32, #tpu.memory_space<vmem>>, %arg2: memref<1280x128xf32, #tpu.memory_space<vmem>>) attributes {dimension_semantics = [#tpu.dimension_semantics<arbitrary>], iteration_bounds = array<i64: 8>, scalar_prefetch = 0 : i64, scratch_operands = 0 : i64, tpu.core_type = #tpu.core_type<tc>, window_params = [{transform_indices = @transform_0, window_bounds = array<i64: 2, 128, 1280>}, {transform_indices = @transform_1, window_bounds = array<i64: 1280, 128>}]} {
    %get3A = arith.constant 0 : index
    %get3A_0 = arith.constant 0 : index
    %get3A_1 = arith.constant 0 : index
    %get3A_2 = vector.load %arg1[%get3A, %get3A_0, %get3A_1] : memref<2x128x1280xf32, #tpu.memory_space<vmem>>, vector<1x128x1280xf32>
    %get3A_3 = vector.shape_cast %get3A_2 : vector<1x128x1280xf32> to vector<128x1280xf32>
    %get3A_4 = arith.constant 1 : index
    %get3A_5 = arith.constant 0 : index
    %get3A_6 = arith.constant 0 : index
    %get3A_7 = vector.load %arg1[%get3A_4, %get3A_5, %get3A_6] : memref<2x128x1280xf32, #tpu.memory_space<vmem>>, vector<1x128x1280xf32>
    %get3A_8 = vector.shape_cast %get3A_7 : vector<1x128x1280xf32> to vector<128x1280xf32>
    %add3A = arith.addf %get3A_3, %get3A_8 : vector<128x1280xf32>
    %transpose3A = tpu.transpose %add3A, [1, 0] : vector<128x1280xf32> -> vector<1280x128xf32>
    %swap3A = arith.constant 0 : index
    %swap3A_9 = arith.constant 0 : index
    %swap3A_10 = vector.load %arg2[%swap3A, %swap3A_9] : memref<1280x128xf32, #tpu.memory_space<vmem>>, vector<1280x128xf32>
    tpu.vector_store %arg2[%swap3A, %swap3A_9], %transpose3A {strides = array<i32>} : memref<1280x128xf32, #tpu.memory_space<vmem>>, vector<1280x128xf32>,
    return
  }
  func.func @transform_0(%arg0: i32) -> (i32, i32, i32) {
    %c0_i32 = arith.constant 0 : i32
    %c0_i32_0 = arith.constant 0 : i32
    %c0_i32_1 = arith.constant 0 : i32
    return %c0_i32, %c0_i32_0, %arg0 : i32, i32, i32
  }
  func.func @transform_1(%arg0: i32) -> (i32, i32) {
    %c0_i32 = arith.constant 0 : i32
    %c0_i32_0 = arith.constant 0 : i32
    return %arg0, %c0_i32 : i32, i32
  }
}

</mosaic_0001>

<sc_bundles>
// kernel: kernel.5.cloned.1.call-start
scs
__scs_entry_jumppad:
0x0: {  	(pc) =	sbr.rel $0x88, $3  }
0x1: {  	(tag) =	ssettag $0x0;
	lr =	simm.s32 $0x1  }
0x2: {  	[smem:$0x3F9E] =	sst lr;
	_ =	strace $0xD0000000  }
0x3: {  	_ = 	snop  }
0x4: {  	_ = 	snop  }
0x5: {  	_ = 	snop  }
0x6: {  	_ = 	snop  }
0x7: {  	_ = 	snop  }
__scs_overlays_trampoline_lowered:
0x8: {  	[smem:$0x3FAD] =	sst s0  }
0x9: {  	[smem:$0x3FAE] =	sst s1  }
0xa: {  	[smem:$0x3FAF] =	sst s2  }
0xb: {  	[smem:$0x3FB0] =	sst s3  }
0xc: {  	[smem:$0x3FB1] =	sst s4  }
0xd: {  	[smem:$0x3FB2] =	sst s5  }
0xe: {  	[smem:$0x3FB3] =	sst s6  }
0xf: {  	[smem:$0x3FB4] =	sst s7  }
0x10: {  	[smem:$0x3FB5] =	sst s8  }
0x11: {  	[smem:$0x3FB6] =	sst s9;
	s0 =	simm.s32 @!p0 $0x0  }
0x12: {  	s1 =	sld [smem:$0x3F9C];
	s0 =	simm.s32 @p0 $0x1  }
0x13: {  	[smem:$0x3FB7] =	sst s0;
	s0 =	simm.s32 @!p1 $0x0  }
0x14: {  	s2 =	sld [smem:$0x3F9B];
	s0 =	simm.s32 @p1 $0x1  }
0x15: {  	[smem:$0x3FB8] =	sst s0;
	s0 =	simm.s32 @!p2 $0x0  }
0x16: {  	s3 =	sld [smem:$0x3FDB];
	s0 =	simm.s32 @p2 $0x1  }
0x17: {  	s4 =	simm.s32 $0x1BF5;
	[smem:$0x3FBA] =	sst s0  }
0x18: {  	s0 =	sld [smem:$0x3F9D];
	_ =	swait.ge [sflag:s4], $0x0  }
0x19: {  	s7 =	sld [smem:$0x3F9E]  }
0x1a: {  	s8 =	sadd.s32 $0xFFFFE003, lr  }
0x1b: {  	s9 =	sadd.s32 $0xFFFFFEF7, lr;
	s5 =	simm.s32 $0xFFFFFFFF;
	p2 =	slt.u32 s8, $0xFFFFF086  }
0x1c: {  	p1 =	slt.u32 s9, $0xF7A;
	s5 =	simm.s32 @!p2 $0x0  }
0x1d: {  	s5 =	simm.s32 @p1 $0x1;
	p0 =	seq.s32 s7, s2  }
0x1e: {  	s7 =	smul.u32 @!p0 $0xF7A, s2;
	p2 =	seq.s32 @!p0 s5, $0x0  }
0x1f: {  	s9 =	smul.u32 $0xF7A, s1;
	s8 =	simm.s32 @!p0 $0x1BF5;
	p2 =	por !p2, p0  }
0x20: {  	[sflag:s8] =	ssyncset.s32 @!p0 $0xFFFFF086;
	s6 =	sadd.s32 @!p0 s3, s7;
	s7 =	simm.s32 @!p0 $0x108  }
0x21: {  	s3 =	sadd.s32 s3, s9;
	s6 =	sadd.s32 @!p0 $0x88, s6;
	s7 =	simm.s32 @p2 $0x1082  }
0x22: {  	[simem:s7], [sflag:s8] =	dma.local @!p0 [hbm:s6], $0xF7A  }
0x23: {  	s9 =	sor.u32 $0xD0000000, s2;
	s6 =	simm.s32 $0x108;
	_ =	swait.ge @!p0 [sflag:s8], $0x0  }
0x24: {  	s3 =	sadd.s32 $0x88, s3;
	s6 =	simm.s32 @!p1 $0x1082;
	[sflag:s4] =	ssyncset.s32 $0xFFFFF086  }
0x25: {  	[simem:s6], [sflag:s4] =	dma.local [hbm:s3], $0xF7A  }
0x26: {  	[smem:$0x3F9E] =	sst s1;
	(tag) =	ssettag s2;
	_ =	strace s9  }
0x27: {  	s1 =	sld [smem:$0x3FAE]  }
0x28: {  	s2 =	sld [smem:$0x3FAF]  }
0x29: {  	s4 =	sld [smem:$0x3FB1]  }
0x2a: {  	p0 =	seq.s32 s5, $0x0;
	s5 =	sld [smem:$0x3FB2]  }
0x2b: {  	s6 =	sld [smem:$0x3FB3]  }
0x2c: {  	s7 =	sld [smem:$0x3FB4]  }
0x2d: {  	s3 =	simm.s32 $0x108;
	s8 =	sld [smem:$0x3FB5]  }
0x2e: {  	s3 =	simm.s32 @!p0 $0x1082;
	s9 =	sld [smem:$0x3FB6]  }
0x2f: {  	lr =	sadd.s32 s0, s3;
	s0 =	sld [smem:$0x3FAD]  }
0x30: {  	s3 =	sld [smem:$0x3FB0]  }
0x31: {  	[smem:$0x3FB9] =	sst s10  }
0x32: {  	s10 =	sld [smem:$0x3FB7];
	_ =	sdelay $0x3  }
0x33: {  	p0 =	seq.s32 s10, $0x1;
	s10 =	sld [smem:$0x3FB9];
	_ =	sdelay $0x3  }
0x34: {  	[smem:$0x3FB9] =	sst s10  }
0x35: {  	s10 =	sld [smem:$0x3FB8];
	_ =	sdelay $0x3  }
0x36: {  	p1 =	seq.s32 s10, $0x1;
	s10 =	sld [smem:$0x3FB9];
	_ =	sdelay $0x3  }
0x37: {  	[smem:$0x3FB9] =	sst s10  }
0x38: {  	s10 =	sld [smem:$0x3FBA]  }
0x39: {  	_ = 	snop;
	(pc) =	sbr.ind lr, $3  }
0x3a: {  	_ = 	snop  }
0x3b: {  	_ = 	snop  }
0x3c: {  	p2 =	seq.s32 s10, $0x1;
	s10 =	sld [smem:$0x3FB9]  }
0x3d: {  	_ =	shalt  }
0x3e: {  	_ =	shalt  }
0x3f: {  	_ =	shalt  }
0x40: {  	_ =	shalt  }
0x41: {  	_ =	shalt  }
0x42: {  	_ =	shalt  }
0x43: {  	_ =	shalt  }
0x44: {  	_ =	shalt  }
0x45: {  	_ =	shalt  }
0x46: {  	_ =	shalt  }
0x47: {  	_ =	shalt  }
0x48: {  	_ =	shalt  }
0x49: {  	_ =	shalt  }
0x4a: {  	_ =	shalt  }
0x4b: {  	_ =	shalt  }
0x4c: {  	_ =	shalt  }
0x4d: {  	_ =	shalt  }
0x4e: {  	_ =	shalt  }
0x4f: {  	_ =	shalt  }
0x50: {  	_ =	shalt  }
0x51: {  	_ =	shalt  }
0x52: {  	_ =	shalt  }
0x53: {  	_ =	shalt  }
0x54: {  	_ =	shalt  }
0x55: {  	_ =	shalt  }
0x56: {  	_ =	shalt  }
0x57: {  	_ =	shalt  }
0x58: {  	_ =	shalt  }
0x59: {  	_ =	shalt  }
0x5a: {  	_ =	shalt  }
0x5b: {  	_ =	shalt  }
0x5c: {  	_ =	shalt  }
0x5d: {  	_ =	shalt  }
0x5e: {  	_ =	shalt  }
0x5f: {  	_ =	shalt  }
0x60: {  	_ =	shalt  }
0x61: {  	_ =	shalt  }
0x62: {  	_ =	shalt  }
0x63: {  	_ =	shalt  }
0x64: {  	_ =	shalt  }
0x65: {  	_ =	shalt  }
0x66: {  	_ =	shalt  }
0x67: {  	_ =	shalt  }
0x68: {  	_ =	shalt  }
0x69: {  	_ =	shalt  }
0x6a: {  	_ =	shalt  }
0x6b: {  	_ =	shalt  }
0x6c: {  	_ =	shalt  }
0x6d: {  	_ =	shalt  }
0x6e: {  	_ =	shalt  }
0x6f: {  	_ =	shalt  }
0x70: {  	_ =	shalt  }
0x71: {  	_ =	shalt  }
0x72: {  	_ =	shalt  }
0x73: {  	_ =	shalt  }
0x74: {  	_ =	shalt  }
0x75: {  	_ =	shalt  }
0x76: {  	_ =	shalt  }
0x77: {  	_ =	shalt  }
0x78: {  	_ =	shalt  }
0x79: {  	_ =	shalt  }
0x7a: {  	_ =	shalt  }
0x7b: {  	_ =	shalt  }
0x7c: {  	_ =	shalt  }
0x7d: {  	_ =	shalt  }
0x7e: {  	_ =	shalt  }
0x7f: {  	_ =	shalt  }
0x80: {  	_ =	shalt  }
0x81: {  	_ =	shalt  }
0x82: {  	_ =	shalt  }
0x83: {  	_ =	shalt  }
0x84: {  	_ =	shalt  }
0x85: {  	_ =	shalt  }
0x86: {  	_ =	shalt  }
0x87: {  	_ =	shalt  }
.Lfunc_end0:
.L_simem_size_0:
called_computation_lowered:
.L_overlay_start_0:
0x88: {  	s2 =	sld [smem:$0x3FD9]  }
0x89: {  	s3 =	sld [smem:$0x3FFE];
	_ =	sdelay $0x1  }
0x8a: {  	s1 =	srdreg.scid  }
0x8b: {  	s0 =	sand.u32 $0x1, s1  }
0x8c: {  	s14 =	sshll.u32 s0, $0xA;
	s2 =	sadd.s32 s3, s2  }
0x8d: {  	s2 =	sadd.s32 s2, s14  }
0x8e: {  	[smem:$0x3FC5] =	sst s2  }
0x8f: {  	_ = 	snop  }
0x90: {  	s2 =	sld [smem:$0x3FD0];
	_ =	sdelay $0x2  }
0x91: {  	s4 =	simm.s32 $0xA;
	s5 =	simm.s32 $0x10;
	s15 =	sld [smem:$0x3FC9]  }
0x92: {  	[smem:s5], [sflag:s4] =	dma.local [hbm:s2], $0x1  }
0x93: {  	_ =	swait.eq [sflag:s4], $0x1  }
0x94: {  	[sflag:s4] =	ssyncset.done $0x0  }
0x95: {  	[sflag:s4] =	ssyncadd.s32 $0xFFFFFFFF  }
0x96: {  	s16 =	sld [smem:$0x10];
	(tm) =	ssettm $0x1  }
0x97: {  	s17 =	sld [smem:$0x3FFB];
	_ =	sdelay $0x3  }
0x98: {  	_ =	strace s17  }
0x99: {  	s4 =	sld [smem:$0x3FFC];
	_ =	sdelay $0x3  }
0x9a: {  	_ =	strace s4  }
0x9b: {  	s4 =	sld [smem:$0x3FFD];
	_ =	sdelay $0x3  }
0x9c: {  	_ =	strace s4  }
0x9d: {  	_ =	strace $0x8FFFFFFF  }
0x9e: {  	s18 =	sld [smem:$0x3FDB];
	_ =	sdelay $0x1  }
0x9f: {  	s19 =	simm.s32 $_scs_section_size  }
0xa0: {  	s6 =	simm.s32 $_size__tile_overlayer_lowered;
	s7 =	simm.s32 $_tile_overlayer_lowered  }
0xa1: {  	s22 =	simm.s32 $0x1BFF;
	s21 =	sshll.u32 s7, $0x1;
	s4 =	sadd.s32 s19, s18  }
0xa2: {  	s8 =	simm.s32 $0x0;
	s20 =	sshll.u32 s6, $0x1;
	s6 =	sadd.s32 s21, s4  }
0xa3: {  	[timem:s8], [sflag:s22] =	dma.local [hbm:s6], s20  }
0xa4: {  	_ =	swait.ge [sflag:s22], s20  }
0xa5: {  	s5 =	ssub.s32 $0x0, s20;
	[sflag:s22] =	ssyncset.done $0x0  }
0xa6: {  	[sflag:s22] =	ssyncadd.s32 s5;
	_ =	sdelay $0x1  }
0xa7: {  	s23 =	simm.s32 $0x1B8B  }
0xa8: {  	_ =	swait.ge [sflag:s23], $0x1  }
0xa9: {  	[sflag:s23] =	ssyncset.done $0x0  }
0xaa: {  	s25 =	simm.s32 $0x1B8E;
	s24 =	sld [smem:$0x3FFE];
	[sflag:s23] =	ssyncadd.s32 $0xFFFFFFFF  }
0xab: {  	s26 =	simm.s32 $execute0_lowered;
	[smem:$0x3FD2] =	sst s25  }
0xac: {  	s6 =	sshll.u32 s26, $0x1;
	_ =	strace $0x80000046;
	[dreg:$0x1] =	wrdreg $0xFFFFFFFF  }
0xad: {  	s28 =	simm.s32 $_size_execute0_lowered;
	s4 =	sadd.s32 s4, s6;
	[dreg:$0x0] =	wrdreg $0x0  }
0xae: {  	s6 =	sshll.u32 s28, $0x1;
	[dreg:$0x2] =	wrdreg s4  }
0xaf: {  	[dreg:$0x3] =	wrdreg s6  }
0xb0: {  	[dreg:$0x4] =	wrdreg $0xC0  }
0xb1: {  	_ =	task [dreg:s8], $0x5FFFF  }
0xb2: {  	[dreg:$0x1] =	wrdreg $0xFFFFFFFF  }
0xb3: {  	[dreg:$0x0] =	wrdreg $0x60  }
0xb4: {  	[dreg:$0x2] =	wrdreg s15  }
0xb5: {  	[dreg:$0x3] =	wrdreg s16  }
0xb6: {  	[dreg:$0x4] =	wrdreg s24  }
0xb7: {  	[dreg:$0x5] =	wrdreg $0x9  }
0xb8: {  	_ =	task.clear_ibuf [dreg:s8], $0x6FFFF;
	_ =	strace $0x90000046  }
0xb9: {  	s29 =	simm.s32 $0x9;
	_ =	strace $0x80000048  }
0xba: {  	_ =	swait.ge [sflag:s29], $0x1  }
0xbb: {  	[sflag:s29] =	ssyncadd.s32 $0xFFFFFFFF  }
0xbc: {  	_ =	strace $0x90000048  }
0xbd: {  	_ =	sfence  }
0xbe: {  	s30 =	sld [smem:$0x0];
	_ =	sdelay $0x2  }
0xbf: {  	s31 =	sshll.u32 s1, $0xD;
	s1 =	sshrl.u32 s1, $0x2  }
0xc0: {  	s3 =	sand.u32 $0x4000, s31;
	s1 =	sadd.s32 s1, s30  }
0xc1: {  	s0 =	sor.u32 s3, s0;
	s1 =	sshll.u32 s1, $0x11  }
0xc2: {  	s0 =	sor.u32 s1, s0  }
0xc3: {  	s0 =	sadd.s32 $0x8F2B, s0  }
0xc4: {  	[sflag:s0] =	ssyncadd.remote.s32 $0x1  }
0xc5: {  	_ =	sfence.sel $0xFFFF  }
0xc6: {  	[dreg:$0x0] =	wrdreg $0xFFFFFFFF;
	(pc) =	sbr.abs _section_cstart, $3  }
0xc7: {  	[dreg:$0x1] =	wrdreg $0xFFFFFFFF  }
0xc8: {  	_ =	task.clear_ibuf [dreg:s8], $0x2FFFF;
	_ =	strace $0x9FFFFFFF  }
0xc9: {  	(tm) =	ssettm $0x7FFFFFFF  }
tec
execute0_lowered:
.L_overlay_start_1:
0x0: {  	(tag) =	ssettag $0x1  }
0x1: {  	s0 =	srdreg.scid;
	s1 =	stileid.u32  }
0x2: {  	s3 =	rddreg [dreg:$0x0];
	s0 =	sand.u32 $0x1, s0;
	s5 =	smul.u32 $0x14400, s1  }
0x3: {  	s4 =	rddreg [dreg:$0x1];
	s10 =	simm.s32 $0x0;
	s2 =	smul.u32 $0x144000, s0  }
0x4: {  	[smem:$0x7FF] =	sst s10;
	s6 =	sshll.u32 s0, $0x4  }
0x5: {  	s6 =	sor.u32 s1, s6;
	s2 =	sadd.s32 s5, s2;
	s5 =	smul.u32 $0x4E200, s0  }
0x6: {  	s7 =	rddreg [dreg:$0x2];
	_ =	strace $0x80000047;
	s6 =	smul.u32 $0x271000, s6  }
0x7: {  	s0 =	ssub.s32 $0x2, s0;
	s2 =	sshrl.u32 s2, $0x3;
	s8 =	sshrl.u32 s5, $0x3  }
0x8: {  	s28 =	sshrl.u32 s0, $0x1;
	s9 =	sshrl.u32 s6, $0x3;
	s29 =	sadd.s32 s4, s8  }
0x9: {  	s2 =	sadd.s32 s2, s7;
	s3 =	sadd.s32 s3, s9;
	[dreg:$0x4] =	wrdreg s29  }
0xa: {  	s0 =	ssub.s32 s0, s28;
	s31 =	sadd.s32 $0x600, s2;
	[dreg:$0x5] =	wrdreg s3  }
0xb: {  	s16 =	simm.s32 $0x1;
	s0 =	smax.u32 s0, $0x1;
	[dreg:$0x8] =	wrdreg s31  }
0xc: {  	s17 =	simm.s32 $0x8700;
	s1 =	sadd.s32 $0xA0, s29;
	[dreg:$0x9] =	wrdreg s0  }
0xd: {  	s20 =	simm.s32 $0x2;
	s30 =	sadd.s32 $0x500, s3;
	[dreg:$0x6] =	wrdreg s1  }
0xe: {  	v0 =	vimm.f32 $0.0e+00;
	s21 =	simm.s32 $0x3;
	s2 =	simm.s32 $0x0;
	[dreg:$0x7] =	wrdreg s30  }
.LBB2_1:
0xf: {  	[dreg:$0xa] =	wrdreg s2  }
0x10: {  	s0 =	rddreg [dreg:$0x4]  }
0x11: {  	s1 =	simm.s32 $0x7800;
	s26 =	rddreg [dreg:$0x5]  }
0x12: {  	[tilespmem:s1], [sflag:$0x1] =	stream.linear.gather [hbm4b:s0+s10], $0x500, $0x38;
	[tilespmem:$0x1CB00] =	vst v63  }
0x13: {  	s28 =	rddreg [dreg:$0x6]  }
0x14: {  	[tilespmem:s10], [sflag:$0x1] =	stream.linear.gather [hbm4b:s26+s10], $0x2800, $0x38;
	[tilespmem:$0x1CB00] =	vst v63  }
0x15: {  	s29 =	simm.s32 $0x7D00;
	s30 =	rddreg [dreg:$0x7]  }
0x16: {  	[tilespmem:s29], [sflag:$0x2] =	stream.linear.gather [hbm4b:s28+s10], $0x500, $0x38;
	[tilespmem:$0x1CB00] =	vst v63  }
0x17: {  	s31 =	simm.s32 $0x2800;
	s25 =	simm.s32 $0x0;
	s24 =	simm.s32 $0x1000  }
0x18: {  	[tilespmem:s31], [sflag:$0x2] =	stream.linear.gather [hbm4b:s30+s10], $0x2800, $0x38;
	[tilespmem:$0x1CB00] =	vst v63  }
.LBB2_2:
0x19: {  	p0 =	sne.s32 s24, $0x4F000;
	[tilespmem:s25+$0x8AF0] =	vst v0  }
0x1a: {  	[tilespmem:s25+$0x8700] =	vst v0  }
0x1b: {  	[tilespmem:s25+$0x8710] =	vst v0  }
0x1c: {  	[tilespmem:s25+$0x8720] =	vst v0  }
0x1d: {  	[tilespmem:s25+$0x8730] =	vst v0  }
0x1e: {  	[tilespmem:s25+$0x8740] =	vst v0  }
0x1f: {  	[tilespmem:s25+$0x8750] =	vst v0  }
0x20: {  	[tilespmem:s25+$0x8760] =	vst v0  }
0x21: {  	[tilespmem:s25+$0x8770] =	vst v0  }
0x22: {  	[tilespmem:s25+$0x8780] =	vst v0  }
0x23: {  	[tilespmem:s25+$0x8790] =	vst v0  }
0x24: {  	[tilespmem:s25+$0x87A0] =	vst v0  }
0x25: {  	[tilespmem:s25+$0x87B0] =	vst v0  }
0x26: {  	[tilespmem:s25+$0x87C0] =	vst v0  }
0x27: {  	[tilespmem:s25+$0x87D0] =	vst v0  }
0x28: {  	[tilespmem:s25+$0x87E0] =	vst v0  }
0x29: {  	[tilespmem:s25+$0x87F0] =	vst v0  }
0x2a: {  	[tilespmem:s25+$0x8800] =	vst v0  }
0x2b: {  	[tilespmem:s25+$0x8810] =	vst v0  }
0x2c: {  	[tilespmem:s25+$0x8820] =	vst v0  }
0x2d: {  	[tilespmem:s25+$0x8830] =	vst v0  }
0x2e: {  	[tilespmem:s25+$0x8840] =	vst v0  }
0x2f: {  	[tilespmem:s25+$0x8850] =	vst v0  }
0x30: {  	[tilespmem:s25+$0x8860] =	vst v0  }
0x31: {  	[tilespmem:s25+$0x8870] =	vst v0  }
0x32: {  	[tilespmem:s25+$0x8880] =	vst v0  }
0x33: {  	[tilespmem:s25+$0x8890] =	vst v0  }
0x34: {  	[tilespmem:s25+$0x88A0] =	vst v0  }
0x35: {  	[tilespmem:s25+$0x88B0] =	vst v0  }
0x36: {  	[tilespmem:s25+$0x88C0] =	vst v0  }
0x37: {  	[tilespmem:s25+$0x88D0] =	vst v0  }
0x38: {  	[tilespmem:s25+$0x88E0] =	vst v0  }
0x39: {  	[tilespmem:s25+$0x88F0] =	vst v0  }
0x3a: {  	[tilespmem:s25+$0x8900] =	vst v0  }
0x3b: {  	[tilespmem:s25+$0x8910] =	vst v0  }
0x3c: {  	[tilespmem:s25+$0x8920] =	vst v0  }
0x3d: {  	[tilespmem:s25+$0x8930] =	vst v0  }
0x3e: {  	[tilespmem:s25+$0x8940] =	vst v0  }
0x3f: {  	[tilespmem:s25+$0x8950] =	vst v0  }
0x40: {  	[tilespmem:s25+$0x8960] =	vst v0  }
0x41: {  	[tilespmem:s25+$0x8970] =	vst v0  }
0x42: {  	[tilespmem:s25+$0x8980] =	vst v0  }
0x43: {  	[tilespmem:s25+$0x8990] =	vst v0  }
0x44: {  	[tilespmem:s25+$0x89A0] =	vst v0  }
0x45: {  	[tilespmem:s25+$0x89B0] =	vst v0  }
0x46: {  	[tilespmem:s25+$0x89C0] =	vst v0  }
0x47: {  	[tilespmem:s25+$0x89D0] =	vst v0  }
0x48: {  	[tilespmem:s25+$0x89E0] =	vst v0  }
0x49: {  	[tilespmem:s25+$0x89F0] =	vst v0  }
0x4a: {  	[tilespmem:s25+$0x8A00] =	vst v0  }
0x4b: {  	[tilespmem:s25+$0x8A10] =	vst v0  }
0x4c: {  	[tilespmem:s25+$0x8A20] =	vst v0  }
0x4d: {  	[tilespmem:s25+$0x8A30] =	vst v0  }
0x4e: {  	[tilespmem:s25+$0x8A40] =	vst v0  }
0x4f: {  	[tilespmem:s25+$0x8A50] =	vst v0  }
0x50: {  	[tilespmem:s25+$0x8A60] =	vst v0  }
0x51: {  	[tilespmem:s25+$0x8A70] =	vst v0  }
0x52: {  	[tilespmem:s25+$0x8A80] =	vst v0  }
0x53: {  	[tilespmem:s25+$0x8A90] =	vst v0  }
.Ltmp0:
0x54: {  	[tilespmem:s25+$0x8AA0] =	vst v0;
	(pc) =	sbr.rel @p0 .LBB2_2-.Ltmp0, $4  }
0x55: {  	[tilespmem:s25+$0x8AB0] =	vst v0  }
0x56: {  	[tilespmem:s25+$0x8AC0] =	vst v0  }
0x57: {  	[tilespmem:s25+$0x8AD0] =	vst v0  }
0x58: {  	[tilespmem:s25+$0x8AE0] =	vst v0;
	s25 =	sshra.s32 s24, $0x2;
	s24 =	sadd.s32 $0x1000, s24  }
0x59: {  	[tilespmem:s25+$0x8AF0] =	vst v0  }
0x5a: {  	[tilespmem:s25+$0x8700] =	vst v0  }
0x5b: {  	[tilespmem:s25+$0x8710] =	vst v0  }
0x5c: {  	[tilespmem:s25+$0x8720] =	vst v0  }
0x5d: {  	[tilespmem:s25+$0x8730] =	vst v0  }
0x5e: {  	[tilespmem:s25+$0x8740] =	vst v0  }
0x5f: {  	[tilespmem:s25+$0x8750] =	vst v0  }
0x60: {  	[tilespmem:s25+$0x8760] =	vst v0  }
0x61: {  	[tilespmem:s25+$0x8770] =	vst v0  }
0x62: {  	[tilespmem:s25+$0x8780] =	vst v0  }
0x63: {  	[tilespmem:s25+$0x8790] =	vst v0  }
0x64: {  	[tilespmem:s25+$0x87A0] =	vst v0  }
0x65: {  	[tilespmem:s25+$0x87B0] =	vst v0  }
0x66: {  	[tilespmem:s25+$0x87C0] =	vst v0  }
0x67: {  	[tilespmem:s25+$0x87D0] =	vst v0  }
0x68: {  	[tilespmem:s25+$0x87E0] =	vst v0  }
0x69: {  	[tilespmem:s25+$0x87F0] =	vst v0  }
0x6a: {  	[tilespmem:s25+$0x8800] =	vst v0  }
0x6b: {  	[tilespmem:s25+$0x8810] =	vst v0  }
0x6c: {  	[tilespmem:s25+$0x8820] =	vst v0  }
0x6d: {  	[tilespmem:s25+$0x8830] =	vst v0  }
0x6e: {  	[tilespmem:s25+$0x8840] =	vst v0  }
0x6f: {  	[tilespmem:s25+$0x8850] =	vst v0  }
0x70: {  	[tilespmem:s25+$0x8860] =	vst v0  }
0x71: {  	[tilespmem:s25+$0x8870] =	vst v0  }
0x72: {  	[tilespmem:s25+$0x8880] =	vst v0  }
0x73: {  	[tilespmem:s25+$0x8890] =	vst v0  }
0x74: {  	[tilespmem:s25+$0x88A0] =	vst v0  }
0x75: {  	[tilespmem:s25+$0x88B0] =	vst v0  }
0x76: {  	[tilespmem:s25+$0x88C0] =	vst v0  }
0x77: {  	[tilespmem:s25+$0x88D0] =	vst v0  }
0x78: {  	[tilespmem:s25+$0x88E0] =	vst v0  }
0x79: {  	[tilespmem:s25+$0x88F0] =	vst v0  }
0x7a: {  	[tilespmem:s25+$0x8900] =	vst v0  }
0x7b: {  	[tilespmem:s25+$0x8910] =	vst v0  }
0x7c: {  	[tilespmem:s25+$0x8920] =	vst v0  }
0x7d: {  	[tilespmem:s25+$0x8930] =	vst v0  }
0x7e: {  	[tilespmem:s25+$0x8940] =	vst v0  }
0x7f: {  	[tilespmem:s25+$0x8950] =	vst v0  }
0x80: {  	[tilespmem:s25+$0x8960] =	vst v0  }
0x81: {  	[tilespmem:s25+$0x8970] =	vst v0  }
0x82: {  	[tilespmem:s25+$0x8980] =	vst v0  }
0x83: {  	[tilespmem:s25+$0x8990] =	vst v0  }
0x84: {  	[tilespmem:s25+$0x89A0] =	vst v0  }
0x85: {  	[tilespmem:s25+$0x89B0] =	vst v0  }
0x86: {  	[tilespmem:s25+$0x89C0] =	vst v0  }
0x87: {  	[tilespmem:s25+$0x89D0] =	vst v0  }
0x88: {  	[tilespmem:s25+$0x89E0] =	vst v0  }
0x89: {  	[tilespmem:s25+$0x89F0] =	vst v0  }
0x8a: {  	[tilespmem:s25+$0x8A00] =	vst v0  }
0x8b: {  	[tilespmem:s25+$0x8A10] =	vst v0  }
0x8c: {  	[tilespmem:s25+$0x8A20] =	vst v0  }
0x8d: {  	[tilespmem:s25+$0x8A30] =	vst v0  }
0x8e: {  	[tilespmem:s25+$0x8A40] =	vst v0  }
0x8f: {  	[tilespmem:s25+$0x8A50] =	vst v0  }
0x90: {  	[tilespmem:s25+$0x8A60] =	vst v0  }
0x91: {  	[tilespmem:s25+$0x8A70] =	vst v0  }
0x92: {  	[tilespmem:s25+$0x8A80] =	vst v0  }
0x93: {  	[tilespmem:s25+$0x8A90] =	vst v0  }
0x94: {  	[tilespmem:s25+$0x8AA0] =	vst v0  }
0x95: {  	[tilespmem:s25+$0x8AB0] =	vst v0  }
0x96: {  	[tilespmem:s25+$0x8AC0] =	vst v0  }
0x97: {  	[tilespmem:s25+$0x8AD0] =	vst v0  }
0x98: {  	s24 =	simm.s32 $0x0;
	[tilespmem:s25+$0x8AE0] =	vst v0;
	s25 =	simm.s32 $0x0  }
.LBB2_4:
0x99: {  	_ =	swait.ge [sflag:s16], $0x500  }
0x9a: {  	[sflag:s16] =	ssyncset.done $0x0  }
0x9b: {  	p0 =	por $0x0, $0x0;
	[sflag:s16] =	ssyncadd.s32 $0xFFFFFB00  }
0x9c: {  	s26 =	simm.s32 $0x7800;
	s0 =	sand.u32 $0x40, s24;
	_ =	swait.ge [sflag:s16], $0x2800  }
0x9d: {  	s2 =	sand.u32 $0x780, s24;
	s9 =	simm.s32 $0x1;
	[sflag:s16] =	ssyncset.done $0x0  }
0x9e: {  	s10 =	sor.u32 $0x10, s0;
	s2 =	sor.u32 $0x7800, s2;
	[sflag:s16] =	ssyncadd.s32 $0xFFFFD800  }
0x9f: {  	s28 =	sand.u32 $0x3C00, s24;
	s9 =	simm.s32 @!p0 $0x0;
	s29 =	sor.u32 s10, s2;
	v6 =	vld [tilespmem:s26+$0x0]  }
0xa0: {  	s9 =	sshll.u32 s9, $0x6;
	s10 =	sor.u32 s10, s28;
	v10 =	vld [tilespmem:s29+$0x0]  }
0xa1: {  	s9 =	sadd.s32 $0x0, s9;
	v11 =	vld [tilespmem:s10+$0x180]  }
0xa2: {  	s31 =	sadd.s32 $0x20, s9;
	v12 =	vld [tilespmem:s10+$0x0]  }
0xa3: {  	s11 =	sor.u32 $0x200, s31;
	v13 =	vld [tilespmem:s10+$0x80]  }
0xa4: {  	s4 =	sor.u32 $0x380, s9;
	v18 =	vld [tilespmem:s11+$0x0]  }
0xa5: {  	s8 =	sor.u32 $0x280, s31;
	v17 =	vld [tilespmem:s4+$0x0]  }
0xa6: {  	s13 =	sor.u32 $0x30, s0;
	s12 =	sor.u32 $0x300, s31;
	v20 =	vld [tilespmem:s8+$0x0]  }
0xa7: {  	s14 =	sor.u32 s13, s28;
	v4 =	vld [tilespmem:s12+$0x0]  }
0xa8: {  	v1 =	vld [tilespmem:s14+$0x180]  }
0xa9: {  	v2 =	vld [tilespmem:s14+$0x100]  }
0xaa: {  	v3 =	vld [tilespmem:s14+$0x80]  }
0xab: {  	v5 =	vld [tilespmem:s14+$0x0]  }
0xac: {  	s18 =	sor.u32 s13, s2;
	s19 =	sadd.s32 $0x30, s9;
	v30 =	vld [tilespmem:s10+$0x100]  }
0xad: {  	s23 =	sor.u32 $0x280, s19;
	v32 =	vld [tilespmem:s18+$0x0]  }
0xae: {  	s31 =	sor.u32 $0x380, s31;
	v8 =	vld [tilespmem:s23+$0x0]  }
0xaf: {  	s12 =	sor.u32 $0x20, s0;
	s0 =	sor.u32 s0, s28;
	v14 =	vld [tilespmem:s31+$0x0]  }
0xb0: {  	v29 =	vld [tilespmem:s0+$0x0]  }
0xb1: {  	v31 =	vld [tilespmem:s0+$0x80]  }
0xb2: {  	s29 =	sadd.s32 $0x10, s9;
	v34 =	vld [tilespmem:s0+$0x100]  }
0xb3: {  	s30 =	sor.u32 $0x300, s29;
	v35 =	vld [tilespmem:s0+$0x180]  }
0xb4: {  	s3 =	sor.u32 $0x380, s29;
	v15 =	vld [tilespmem:s30+$0x0]  }
0xb5: {  	s7 =	sor.u32 $0x200, s29;
	v16 =	vld [tilespmem:s3+$0x0]  }
0xb6: {  	s29 =	sor.u32 $0x280, s29;
	v19 =	vld [tilespmem:s7+$0x0]  }
0xb7: {  	s15 =	sor.u32 s12, s28;
	v21 =	vld [tilespmem:s29+$0x0]  }
0xb8: {  	v24 =	vld [tilespmem:s15+$0x180]  }
0xb9: {  	v25 =	vld [tilespmem:s15+$0x100]  }
0xba: {  	v26 =	vld [tilespmem:s15+$0x80]  }
0xbb: {  	s2 =	sor.u32 s12, s2;
	v28 =	vld [tilespmem:s15+$0x0]  }
0xbc: {  	s29 =	sor.u32 $0x300, s9;
	v33 =	vld [tilespmem:s2+$0x0];
	v7 =	vshll.u32 v6, $0x3  }
0xbd: {  	s30 =	sor.u32 $0x200, s19;
	v22 =	vld [tilespmem:s29+$0x0];
	v6 =	vand.u32 $0x7F, v6;
	v7 =	vand.u32 $0xFFFFFC00, v7  }
0xbe: {  	s29 =	sor.u32 $0x280, s9;
	v9 =	vld [tilespmem:s30+$0x0];
	v36 =	vor.u32 v6, v7  }
0xbf: {  	v23 =	vld [tilespmem:s29+$0x0];
	s29 =	sor.u32 $0x200, s9;
	v37 =	vor.u32 $0x80, v36  }
0xc0: {  	s9 =	sor.u32 $0x380, s19;
	v27 =	vld [tilespmem:s29+$0x0];
	v38 =	vor.u32 $0x100, v36  }
0xc1: {  	s22 =	sor.u32 $0x300, s19;
	v6 =	vld [tilespmem:s9+$0x0];
	v39 =	vor.u32 $0x180, v36  }
0xc2: {  	v7 =	vld [tilespmem:s22+$0x0];
	v40 =	vor.u32 $0x200, v36  }
0xc3: {  	v41 =	vor.u32 $0x280, v36;
	[tilespmem:v36+s17+$0x0] =	vst.idx.add.f32.msk $0xffff, v29  }
0xc4: {  	v42 =	vshll.u32 v10, $0x3;
	v55 =	vor.u32 $0x300, v36;
	[tilespmem:v37+s17+$0x0] =	vst.idx.add.f32.msk $0xffff, v31  }
0xc5: {  	v10 =	vand.u32 $0x7F, v10;
	v57 =	vand.u32 $0xFFFFFC00, v42;
	v56 =	vor.u32 $0x380, v36;
	[tilespmem:v38+s17+$0x0] =	vst.idx.add.f32.msk $0xffff, v34  }
0xc6: {  	v10 =	vor.u32 v10, v57;
	[tilespmem:v39+s17+$0x0] =	vst.idx.add.f32.msk $0xffff, v35  }
0xc7: {  	v58 =	vor.u32 $0x80, v10;
	[tilespmem:v40+s17+$0x0] =	vst.idx.add.f32.msk $0xffff, v27  }
0xc8: {  	v59 =	vor.u32 $0x100, v10;
	[tilespmem:v41+s17+$0x0] =	vst.idx.add.f32.msk $0xffff, v23  }
0xc9: {  	v60 =	vor.u32 $0x180, v10;
	[tilespmem:v55+s17+$0x0] =	vst.idx.add.f32.msk $0xffff, v22  }
0xca: {  	v61 =	vor.u32 $0x200, v10;
	[tilespmem:v56+s17+$0x0] =	vst.idx.add.f32.msk $0xffff, v17  }
0xcb: {  	v17 =	vor.u32 $0x280, v10;
	[tilespmem:v10+s17+$0x0] =	vst.idx.add.f32.msk $0xffff, v12  }
0xcc: {  	v62 =	vor.u32 $0x300, v10;
	v12 =	vshll.u32 v33, $0x3;
	[tilespmem:v58+s17+$0x0] =	vst.idx.add.f32.msk $0xffff, v13  }
0xcd: {  	v10 =	vor.u32 $0x380, v10;
	v12 =	vand.u32 $0xFFFFFC00, v12;
	v13 =	vand.u32 $0x7F, v33;
	[tilespmem:v59+s17+$0x0] =	vst.idx.add.f32.msk $0xffff, v30  }
0xce: {  	v12 =	vor.u32 v13, v12;
	[tilespmem:v60+s17+$0x0] =	vst.idx.add.f32.msk $0xffff, v11  }
0xcf: {  	v11 =	vor.u32 $0x80, v12;
	[tilespmem:v61+s17+$0x0] =	vst.idx.add.f32.msk $0xffff, v19  }
0xd0: {  	v13 =	vor.u32 $0x100, v12;
	[tilespmem:v17+s17+$0x0] =	vst.idx.add.f32.msk $0xffff, v21  }
0xd1: {  	v17 =	vor.u32 $0x180, v12;
	[tilespmem:v62+s17+$0x0] =	vst.idx.add.f32.msk $0xffff, v15  }
0xd2: {  	[tilespmem:v10+s17+$0x0] =	vst.idx.add.f32.msk $0xffff, v16  }
0xd3: {  	[tilespmem:v12+s17+$0x0] =	vst.idx.add.f32.msk $0xffff, v28  }
0xd4: {  	v19 =	vor.u32 $0x200, v12;
	[tilespmem:v11+s17+$0x0] =	vst.idx.add.f32.msk $0xffff, v26  }
0xd5: {  	v63 =	vor.u32 $0x280, v12;
	[tilespmem:v13+s17+$0x0] =	vst.idx.add.f32.msk $0xffff, v25  }
0xd6: {  	v10 =	vshll.u32 v32, $0x3;
	[tilespmem:v17+s17+$0x0] =	vst.idx.add.f32.msk $0xffff, v24;
	v17 =	vor.u32 $0x300, v12  }
0xd7: {  	v16 =	vor.u32 $0x380, v12;
	v10 =	vand.u32 $0xFFFFFC00, v10;
	v11 =	vand.u32 $0x7F, v32  }
0xd8: {  	v11 =	vor.u32 v11, v10  }
0xd9: {  	v15 =	vor.u32 $0x80, v11;
	[tilespmem:v19+s17+$0x0] =	vst.idx.add.f32.msk $0xffff, v18  }
0xda: {  	s28 =	simm.s32 $0x200;
	s29 =	simm.s32 $0x0;
	v13 =	vor.u32 $0x200, v11;
	v10 =	vor.u32 $0x100, v11;
	v12 =	vor.u32 $0x180, v11;
	[tilespmem:v63+s17+$0x0] =	vst.idx.add.f32.msk $0xffff, v20  }
.LBB2_5:
0xdb: {  	[tilespmem:v17+s17+$0x0] =	vst.idx.add.f32.msk $0xffff, v4;
	p0 =	por !p0, !p0;
	s29 =	sadd.s32 $0x40, s29;
	s26 =	sadd.s32 $0x40, s26  }
0xdc: {  	p1 =	sne.s32 s28, $0x2600;
	v4 =	vor.u32 $0x280, v11;
	s2 =	smov.u32 s28;
	s28 =	sadd.s32 $0x200, s28;
	[tilespmem:v16+s17+$0x0] =	vst.idx.add.f32.msk $0xffff, v14  }
0xdd: {  	[tilespmem:v11+s17+$0x0] =	vst.idx.add.f32.msk $0xffff, v5;
	v5 =	vor.u32 $0x300, v11  }
0xde: {  	[tilespmem:v15+s17+$0x0] =	vst.idx.add.f32.msk $0xffff, v3;
	v3 =	vor.u32 $0x380, v11  }
0xdf: {  	[tilespmem:v10+s17+$0x0] =	vst.idx.add.f32.msk $0xffff, v2  }
0xe0: {  	[tilespmem:v12+s17+$0x0] =	vst.idx.add.f32.msk $0xffff, v1  }
0xe1: {  	[tilespmem:v13+s17+$0x0] =	vst.idx.add.f32.msk $0xffff, v9  }
0xe2: {  	s11 =	simm.s32 $0x1;
	[tilespmem:v4+s17+$0x0] =	vst.idx.add.f32.msk $0xffff, v8  }
0xe3: {  	s9 =	sand.u32 $0x40, s29;
	s0 =	sand.u32 $0x780, s29;
	s10 =	sand.u32 $0x3C00, s2;
	[tilespmem:v5+s17+$0x0] =	vst.idx.add.f32.msk $0xffff, v7  }
0xe4: {  	s11 =	simm.s32 @!p0 $0x0;
	s12 =	sor.u32 $0x10, s9;
	s30 =	sor.u32 $0x7800, s0;
	[tilespmem:v3+s17+$0x0] =	vst.idx.add.f32.msk $0xffff, v6  }
0xe5: {  	s11 =	sshll.u32 s11, $0x6;
	s31 =	sor.u32 s12, s30;
	s0 =	sor.u32 s12, s10;
	v6 =	vld [tilespmem:s26+$0x0]  }
0xe6: {  	s12 =	sor.u32 $0x30, s9;
	s2 =	sadd.s32 s11, s2;
	v7 =	vld [tilespmem:s31+$0x0]  }
0xe7: {  	s11 =	sor.u32 $0x380, s2;
	s7 =	sadd.s32 $0x20, s2;
	s31 =	sadd.s32 $0x30, s2;
	v11 =	vld [tilespmem:s0+$0x180]  }
0xe8: {  	s8 =	sor.u32 $0x300, s2;
	s22 =	sadd.s32 $0x10, s2;
	s23 =	sor.u32 $0x300, s7;
	v16 =	vld [tilespmem:s0+$0x0]  }
0xe9: {  	s14 =	sor.u32 $0x280, s2;
	s15 =	sor.u32 $0x300, s22;
	s18 =	sor.u32 $0x280, s7;
	v17 =	vld [tilespmem:s0+$0x80]  }
0xea: {  	s19 =	sor.u32 $0x200, s2;
	s2 =	sor.u32 $0x380, s22;
	v13 =	vld [tilespmem:s15+$0x0];
	s15 =	sor.u32 $0x200, s7  }
0xeb: {  	s13 =	sor.u32 $0x20, s9;
	s4 =	sor.u32 s12, s30;
	s1 =	sor.u32 $0x280, s22;
	v15 =	vld [tilespmem:s2+$0x0]  }
0xec: {  	s3 =	sor.u32 s13, s30;
	s13 =	sor.u32 s13, s10;
	s22 =	sor.u32 $0x200, s22;
	v10 =	vld [tilespmem:s15+$0x0]  }
0xed: {  	s2 =	sor.u32 s9, s10;
	v18 =	vld [tilespmem:s11+$0x0]  }
0xee: {  	s9 =	sor.u32 s12, s10;
	v19 =	vld [tilespmem:s22+$0x0]  }
0xef: {  	s10 =	sor.u32 $0x380, s31;
	v12 =	vld [tilespmem:s18+$0x0]  }
0xf0: {  	s11 =	sor.u32 $0x300, s31;
	v4 =	vld [tilespmem:s23+$0x0]  }
0xf1: {  	v20 =	vld [tilespmem:s1+$0x0];
	s1 =	sor.u32 $0x280, s31  }
0xf2: {  	s31 =	sor.u32 $0x200, s31;
	v1 =	vld [tilespmem:s9+$0x180]  }
0xf3: {  	v2 =	vld [tilespmem:s9+$0x100]  }
0xf4: {  	s30 =	sor.u32 $0x380, s7;
	v3 =	vld [tilespmem:s9+$0x80]  }
0xf5: {  	v21 =	vld [tilespmem:s8+$0x0]  }
0xf6: {  	v5 =	vld [tilespmem:s9+$0x0]  }
0xf7: {  	v22 =	vld [tilespmem:s14+$0x0]  }
0xf8: {  	v23 =	vld [tilespmem:s13+$0x180]  }
0xf9: {  	v8 =	vand.u32 $0x7F, v6;
	v6 =	vshll.u32 v6, $0x3;
	v24 =	vld [tilespmem:s13+$0x100]  }
0xfa: {  	v6 =	vand.u32 $0xFFFFFC00, v6;
	v25 =	vld [tilespmem:s13+$0x80]  }
0xfb: {  	v27 =	vor.u32 v8, v6;
	v26 =	vld [tilespmem:s19+$0x0]  }
0xfc: {  	v29 =	vor.u32 $0x80, v27;
	v28 =	vld [tilespmem:s13+$0x0]  }
0xfd: {  	v31 =	vor.u32 $0x100, v27;
	v30 =	vld [tilespmem:s2+$0x0]  }
0xfe: {  	v33 =	vor.u32 $0x180, v27;
	v32 =	vld [tilespmem:s0+$0x100]  }
0xff: {  	v35 =	vor.u32 $0x200, v27;
	v34 =	vld [tilespmem:s2+$0x80]  }
0x100: {  	v37 =	vor.u32 $0x280, v27;
	v36 =	vld [tilespmem:s4+$0x0]  }
0x101: {  	v6 =	vshll.u32 v7, $0x3;
	v39 =	vor.u32 $0x300, v27;
	v38 =	vld [tilespmem:s3+$0x0]  }
0x102: {  	v7 =	vand.u32 $0x7F, v7;
	v41 =	vor.u32 $0x380, v27;
	v6 =	vand.u32 $0xFFFFFC00, v6;
	v40 =	vld [tilespmem:s2+$0x100]  }
0x103: {  	v43 =	vor.u32 v7, v6;
	v42 =	vld [tilespmem:s2+$0x180]  }
0x104: {  	v44 =	vor.u32 $0x80, v43;
	v6 =	vld [tilespmem:s10+$0x0]  }
0x105: {  	v45 =	vor.u32 $0x100, v43;
	v7 =	vld [tilespmem:s11+$0x0];
	v9 =	vshll.u32 v36, $0x3  }
0x106: {  	v46 =	vor.u32 $0x180, v43;
	v8 =	vld [tilespmem:s1+$0x0];
	v14 =	vshll.u32 v38, $0x3;
	v47 =	vand.u32 $0xFFFFFC00, v9  }
0x107: {  	v48 =	vor.u32 $0x200, v43;
	v9 =	vld [tilespmem:s31+$0x0];
	v49 =	vand.u32 $0xFFFFFC00, v14  }
0x108: {  	v50 =	vor.u32 $0x280, v43;
	v14 =	vld [tilespmem:s30+$0x0]  }
0x109: {  	[tilespmem:v27+s17+$0x0] =	vst.idx.add.f32.msk $0xffff, v30;
	v27 =	vor.u32 $0x300, v43  }
0x10a: {  	[tilespmem:v29+s17+$0x0] =	vst.idx.add.f32.msk $0xffff, v34;
	v29 =	vor.u32 $0x380, v43  }
0x10b: {  	[tilespmem:v31+s17+$0x0] =	vst.idx.add.f32.msk $0xffff, v40  }
0x10c: {  	[tilespmem:v33+s17+$0x0] =	vst.idx.add.f32.msk $0xffff, v42  }
0x10d: {  	[tilespmem:v35+s17+$0x0] =	vst.idx.add.f32.msk $0xffff, v26  }
0x10e: {  	[tilespmem:v37+s17+$0x0] =	vst.idx.add.f32.msk $0xffff, v22  }
0x10f: {  	[tilespmem:v39+s17+$0x0] =	vst.idx.add.f32.msk $0xffff, v21  }
0x110: {  	[tilespmem:v41+s17+$0x0] =	vst.idx.add.f32.msk $0xffff, v18  }
0x111: {  	[tilespmem:v43+s17+$0x0] =	vst.idx.add.f32.msk $0xffff, v16  }
0x112: {  	v16 =	vand.u32 $0x7F, v38;
	[tilespmem:v44+s17+$0x0] =	vst.idx.add.f32.msk $0xffff, v17  }
0x113: {  	v16 =	vor.u32 v16, v49;
	[tilespmem:v45+s17+$0x0] =	vst.idx.add.f32.msk $0xffff, v32  }
0x114: {  	[tilespmem:v46+s17+$0x0] =	vst.idx.add.f32.msk $0xffff, v11;
	v11 =	vor.u32 $0x80, v16  }
0x115: {  	v18 =	vor.u32 $0x100, v16;
	[tilespmem:v48+s17+$0x0] =	vst.idx.add.f32.msk $0xffff, v19  }
0x116: {  	v19 =	vor.u32 $0x180, v16;
	[tilespmem:v50+s17+$0x0] =	vst.idx.add.f32.msk $0xffff, v20  }
0x117: {  	v20 =	vor.u32 $0x200, v16;
	[tilespmem:v27+s17+$0x0] =	vst.idx.add.f32.msk $0xffff, v13  }
0x118: {  	v21 =	vor.u32 $0x280, v16;
	[tilespmem:v29+s17+$0x0] =	vst.idx.add.f32.msk $0xffff, v15  }
0x119: {  	v17 =	vor.u32 $0x300, v16;
	[tilespmem:v16+s17+$0x0] =	vst.idx.add.f32.msk $0xffff, v28  }
.Ltmp1:
0x11a: {  	v16 =	vor.u32 $0x380, v16;
	[tilespmem:v11+s17+$0x0] =	vst.idx.add.f32.msk $0xffff, v25;
	v11 =	vand.u32 $0x7F, v36;
	(pc) =	sbr.rel @p1 .LBB2_5-.Ltmp1, $4  }
0x11b: {  	[tilespmem:v18+s17+$0x0] =	vst.idx.add.f32.msk $0xffff, v24;
	v11 =	vor.u32 v11, v47  }
0x11c: {  	[tilespmem:v19+s17+$0x0] =	vst.idx.add.f32.msk $0xffff, v23;
	v15 =	vor.u32 $0x80, v11;
	v13 =	vor.u32 $0x200, v11  }
0x11d: {  	[tilespmem:v20+s17+$0x0] =	vst.idx.add.f32.msk $0xffff, v10;
	v10 =	vor.u32 $0x100, v11  }
0x11e: {  	[tilespmem:v21+s17+$0x0] =	vst.idx.add.f32.msk $0xffff, v12;
	v12 =	vor.u32 $0x180, v11  }
0x11f: {  	_ =	sdelay $0x3  }
0x120: {  	[tilespmem:v17+s17+$0x0] =	vst.idx.add.f32.msk $0xffff, v4  }
0x121: {  	[tilespmem:v16+s17+$0x0] =	vst.idx.add.f32.msk $0xffff, v14  }
0x122: {  	v4 =	vor.u32 $0x280, v11;
	s26 =	smul.u32 $0x3, s25;
	[tilespmem:v11+s17+$0x0] =	vst.idx.add.f32.msk $0xffff, v5  }
0x123: {  	v5 =	vor.u32 $0x300, v11;
	[tilespmem:v15+s17+$0x0] =	vst.idx.add.f32.msk $0xffff, v3  }
0x124: {  	s0 =	sadd.s32 $0x2, s26;
	v3 =	vor.u32 $0x380, v11;
	[tilespmem:v10+s17+$0x0] =	vst.idx.add.f32.msk $0xffff, v2  }
0x125: {  	s1 =	smul.u32 $0x500, s0;
	[tilespmem:v12+s17+$0x0] =	vst.idx.add.f32.msk $0xffff, v1  }
0x126: {  	s0 =	smul.u32 $0x2800, s0;
	[tilespmem:v13+s17+$0x0] =	vst.idx.add.f32.msk $0xffff, v9  }
0x127: {  	s2 =	rddreg [dreg:$0x1];
	s28 =	simm.s32 $0x0;
	s1 =	sadd.s32 s5, s1;
	[tilespmem:v4+s17+$0x0] =	vst.idx.add.f32.msk $0xffff, v8  }
0x128: {  	s7 =	simm.s32 $0x8200;
	s0 =	sadd.s32 s6, s0;
	s1 =	sshrl.u32 s1, $0x3;
	[tilespmem:v5+s17+$0x0] =	vst.idx.add.f32.msk $0xffff, v7  }
0x129: {  	s23 =	rddreg [dreg:$0x0];
	s0 =	sshrl.u32 s0, $0x3;
	s1 =	sadd.s32 s2, s1;
	[tilespmem:v3+s17+$0x0] =	vst.idx.add.f32.msk $0xffff, v6  }
0x12a: {  	[tilespmem:s7], [sflag:$0x3] =	stream.linear.gather [hbm4b:s1+s28], $0x500, $0x38;
	[tilespmem:$0x1CB00] =	vst v63  }
0x12b: {  	s8 =	simm.s32 $0x5000;
	s0 =	sadd.s32 s23, s0  }
0x12c: {  	[tilespmem:s8], [sflag:$0x3] =	stream.linear.gather [hbm4b:s0+s28], $0x2800, $0x38;
	[tilespmem:$0x1CB00] =	vst v63  }
0x12d: {  	_ =	swait.ge [sflag:s20], $0x500  }
0x12e: {  	[sflag:s20] =	ssyncset.done $0x0  }
0x12f: {  	p0 =	por $0x0, $0x0;
	s0 =	simm.s32 $0x1;
	[sflag:s20] =	ssyncadd.s32 $0xFFFFFB00  }
0x130: {  	s0 =	simm.s32 @!p0 $0x0;
	_ =	swait.ge [sflag:s20], $0x2800  }
0x131: {  	s0 =	sshll.u32 s0, $0x6;
	[sflag:s20] =	ssyncset.done $0x0  }
0x132: {  	s29 =	simm.s32 $0x7D00;
	s0 =	sadd.s32 $0x0, s0;
	[sflag:s20] =	ssyncadd.s32 $0xFFFFD800  }
0x133: {  	s9 =	sor.u32 $0x300, s0;
	v14 =	vld [tilespmem:s29+$0x0]  }
0x134: {  	s10 =	sor.u32 $0x280, s0;
	s11 =	sadd.s32 $0x30, s0;
	v15 =	vld [tilespmem:s9+$0x2800]  }
0x135: {  	s12 =	sor.u32 $0x300, s11;
	v16 =	vld [tilespmem:s10+$0x2800]  }
0x136: {  	s13 =	sor.u32 $0x380, s11;
	v1 =	vld [tilespmem:s12+$0x2800]  }
0x137: {  	s3 =	sor.u32 $0x280, s11;
	v2 =	vld [tilespmem:s13+$0x2800]  }
0x138: {  	s1 =	sor.u32 $0x200, s11;
	v3 =	vld [tilespmem:s3+$0x2800]  }
0x139: {  	s14 =	sadd.s32 $0x20, s0;
	s15 =	sor.u32 $0x200, s0;
	v4 =	vld [tilespmem:s1+$0x2800]  }
0x13a: {  	s18 =	sor.u32 $0x380, s14;
	v17 =	vld [tilespmem:s15+$0x2800]  }
0x13b: {  	s19 =	sadd.s32 $0x10, s0;
	s4 =	sor.u32 $0x300, s14;
	v5 =	vld [tilespmem:s18+$0x2800]  }
0x13c: {  	s22 =	sor.u32 $0x380, s19;
	v6 =	vld [tilespmem:s4+$0x2800]  }
0x13d: {  	s31 =	sor.u32 $0x200, s14;
	v18 =	vld [tilespmem:s22+$0x2800]  }
0x13e: {  	s7 =	sor.u32 $0x280, s14;
	v9 =	vld [tilespmem:s31+$0x2800]  }
0x13f: {  	s8 =	sor.u32 $0x300, s19;
	v8 =	vld [tilespmem:s7+$0x2800]  }
0x140: {  	s0 =	sor.u32 $0x380, s0;
	v19 =	vld [tilespmem:s8+$0x2800]  }
0x141: {  	s9 =	sand.u32 $0x3C00, s28;
	s10 =	sand.u32 $0x40, s28;
	s7 =	sor.u32 $0x200, s19;
	v21 =	vld [tilespmem:s0+$0x2800]  }
0x142: {  	s3 =	sor.u32 $0x280, s19;
	s11 =	sor.u32 $0x30, s10;
	s1 =	sadd.s32 $0x2800, s9;
	v20 =	vld [tilespmem:s7+$0x2800]  }
0x143: {  	s13 =	sand.u32 $0x780, s28;
	v22 =	vld [tilespmem:s3+$0x2800];
	s12 =	sor.u32 s11, s1  }
0x144: {  	s7 =	sadd.s32 $0x7D00, s13;
	s8 =	sor.u32 $0x10, s10;
	v7 =	vld [tilespmem:s12+$0x180]  }
0x145: {  	s14 =	sor.u32 s8, s7;
	v10 =	vld [tilespmem:s12+$0x100]  }
0x146: {  	v23 =	vld [tilespmem:s14+$0x0]  }
0x147: {  	s15 =	sor.u32 $0x20, s10;
	v11 =	vld [tilespmem:s12+$0x80]  }
0x148: {  	s18 =	sor.u32 s15, s1;
	v12 =	vld [tilespmem:s12+$0x0]  }
0x149: {  	v13 =	vld [tilespmem:s18+$0x180]  }
0x14a: {  	v24 =	vld [tilespmem:s18+$0x100]  }
0x14b: {  	v25 =	vld [tilespmem:s18+$0x80]  }
0x14c: {  	s19 =	sor.u32 s11, s7;
	v26 =	vld [tilespmem:s18+$0x0]  }
0x14d: {  	s22 =	sor.u32 s15, s7;
	v27 =	vld [tilespmem:s19+$0x0]  }
0x14e: {  	s31 =	sor.u32 s10, s1;
	v28 =	vld [tilespmem:s22+$0x0]  }
0x14f: {  	v29 =	vld [tilespmem:s31+$0x0]  }
0x150: {  	v31 =	vld [tilespmem:s31+$0x80];
	v30 =	vshll.u32 v14, $0x3  }
0x151: {  	v32 =	vld [tilespmem:s31+$0x100];
	v14 =	vand.u32 $0x7F, v14;
	v30 =	vand.u32 $0xFFFFFC00, v30  }
0x152: {  	s1 =	sor.u32 s8, s1;
	v33 =	vld [tilespmem:s31+$0x180];
	v14 =	vor.u32 v14, v30  }
0x153: {  	v34 =	vld [tilespmem:s1+$0x180];
	v30 =	vor.u32 $0x80, v14  }
0x154: {  	v36 =	vld [tilespmem:s1+$0x100];
	v35 =	vor.u32 $0x100, v14  }
0x155: {  	v38 =	vld [tilespmem:s1+$0x80];
	v37 =	vor.u32 $0x180, v14  }
0x156: {  	v40 =	vld [tilespmem:s1+$0x0];
	v39 =	vor.u32 $0x200, v14  }
0x157: {  	v41 =	vor.u32 $0x280, v14;
	[tilespmem:v14+s17+$0x0] =	vst.idx.add.f32.msk $0xffff, v29  }
0x158: {  	v61 =	vshll.u32 v23, $0x3;
	v42 =	vor.u32 $0x300, v14;
	[tilespmem:v30+s17+$0x0] =	vst.idx.add.f32.msk $0xffff, v31  }
0x159: {  	v23 =	vand.u32 $0x7F, v23;
	v29 =	vand.u32 $0xFFFFFC00, v61;
	v14 =	vor.u32 $0x380, v14;
	[tilespmem:v35+s17+$0x0] =	vst.idx.add.f32.msk $0xffff, v32  }
0x15a: {  	v23 =	vor.u32 v23, v29;
	[tilespmem:v37+s17+$0x0] =	vst.idx.add.f32.msk $0xffff, v33  }
0x15b: {  	v29 =	vor.u32 $0x80, v23;
	[tilespmem:v39+s17+$0x0] =	vst.idx.add.f32.msk $0xffff, v17  }
0x15c: {  	v17 =	vor.u32 $0x100, v23;
	[tilespmem:v41+s17+$0x0] =	vst.idx.add.f32.msk $0xffff, v16  }
0x15d: {  	v16 =	vor.u32 $0x180, v23;
	[tilespmem:v42+s17+$0x0] =	vst.idx.add.f32.msk $0xffff, v15  }
0x15e: {  	v15 =	vor.u32 $0x200, v23;
	[tilespmem:v14+s17+$0x0] =	vst.idx.add.f32.msk $0xffff, v21  }
0x15f: {  	v14 =	vor.u32 $0x280, v23;
	[tilespmem:v23+s17+$0x0] =	vst.idx.add.f32.msk $0xffff, v40  }
0x160: {  	v62 =	vshll.u32 v28, $0x3;
	v63 =	vor.u32 $0x300, v23;
	[tilespmem:v29+s17+$0x0] =	vst.idx.add.f32.msk $0xffff, v38  }
0x161: {  	v28 =	vand.u32 $0x7F, v28;
	v21 =	vand.u32 $0xFFFFFC00, v62;
	v23 =	vor.u32 $0x380, v23;
	[tilespmem:v17+s17+$0x0] =	vst.idx.add.f32.msk $0xffff, v36  }
0x162: {  	v21 =	vor.u32 v28, v21;
	[tilespmem:v16+s17+$0x0] =	vst.idx.add.f32.msk $0xffff, v34  }
0x163: {  	v16 =	vor.u32 $0x80, v21;
	[tilespmem:v15+s17+$0x0] =	vst.idx.add.f32.msk $0xffff, v20  }
0x164: {  	v20 =	vor.u32 $0x100, v21;
	[tilespmem:v14+s17+$0x0] =	vst.idx.add.f32.msk $0xffff, v22  }
0x165: {  	[tilespmem:v63+s17+$0x0] =	vst.idx.add.f32.msk $0xffff, v19;
	v19 =	vor.u32 $0x180, v21  }
0x166: {  	[tilespmem:v23+s17+$0x0] =	vst.idx.add.f32.msk $0xffff, v18;
	v18 =	vor.u32 $0x200, v21  }
0x167: {  	v17 =	vor.u32 $0x280, v21;
	v14 =	vshll.u32 v27, $0x3;
	[tilespmem:v21+s17+$0x0] =	vst.idx.add.f32.msk $0xffff, v26  }
0x168: {  	v15 =	vand.u32 $0x7F, v27;
	v14 =	vand.u32 $0xFFFFFC00, v14;
	[tilespmem:v16+s17+$0x0] =	vst.idx.add.f32.msk $0xffff, v25;
	v16 =	vor.u32 $0x300, v21  }
0x169: {  	s30 =	simm.s32 $0x200;
	v15 =	vor.u32 v15, v14;
	v14 =	vor.u32 $0x380, v21;
	[tilespmem:v20+s17+$0x0] =	vst.idx.add.f32.msk $0xffff, v24  }
.LBB2_7:
0x16a: {  	[tilespmem:v19+s17+$0x0] =	vst.idx.add.f32.msk $0xffff, v13;
	p0 =	por !p0, !p0;
	s28 =	sadd.s32 $0x40, s28;
	s29 =	sadd.s32 $0x40, s29  }
0x16b: {  	p1 =	sne.s32 s30, $0x2600;
	s0 =	smov.u32 s30;
	s30 =	sadd.s32 $0x200, s30;
	[tilespmem:v18+s17+$0x0] =	vst.idx.add.f32.msk $0xffff, v9;
	v9 =	vor.u32 $0x80, v15  }
0x16c: {  	[tilespmem:v17+s17+$0x0] =	vst.idx.add.f32.msk $0xffff, v8;
	v8 =	vor.u32 $0x100, v15  }
0x16d: {  	[tilespmem:v16+s17+$0x0] =	vst.idx.add.f32.msk $0xffff, v6;
	v6 =	vor.u32 $0x180, v15  }
0x16e: {  	[tilespmem:v14+s17+$0x0] =	vst.idx.add.f32.msk $0xffff, v5;
	v5 =	vor.u32 $0x200, v15  }
0x16f: {  	[tilespmem:v15+s17+$0x0] =	vst.idx.add.f32.msk $0xffff, v12;
	v12 =	vor.u32 $0x280, v15  }
0x170: {  	[tilespmem:v9+s17+$0x0] =	vst.idx.add.f32.msk $0xffff, v11;
	v9 =	vor.u32 $0x300, v15  }
0x171: {  	[tilespmem:v8+s17+$0x0] =	vst.idx.add.f32.msk $0xffff, v10;
	v8 =	vor.u32 $0x380, v15  }
0x172: {  	[tilespmem:v6+s17+$0x0] =	vst.idx.add.f32.msk $0xffff, v7  }
0x173: {  	s1 =	simm.s32 $0x1;
	[tilespmem:v5+s17+$0x0] =	vst.idx.add.f32.msk $0xffff, v4  }
0x174: {  	s1 =	simm.s32 @!p0 $0x0;
	[tilespmem:v12+s17+$0x0] =	vst.idx.add.f32.msk $0xffff, v3  }
0x175: {  	s1 =	sshll.u32 s1, $0x6;
	[tilespmem:v9+s17+$0x0] =	vst.idx.add.f32.msk $0xffff, v1  }
0x176: {  	s2 =	sand.u32 $0x780, s28;
	s3 =	sand.u32 $0x3C00, s0;
	s1 =	sadd.s32 s1, s0;
	[tilespmem:v8+s17+$0x0] =	vst.idx.add.f32.msk $0xffff, v2  }
0x177: {  	s4 =	sadd.s32 $0x7D00, s2;
	s0 =	sor.u32 $0x300, s1;
	s7 =	sadd.s32 $0x10, s1;
	v10 =	vld [tilespmem:s29+$0x0]  }
0x178: {  	s10 =	sand.u32 $0x40, s28;
	s8 =	sor.u32 $0x280, s1;
	s9 =	sadd.s32 $0x30, s1;
	v14 =	vld [tilespmem:s0+$0x2800]  }
0x179: {  	s2 =	sor.u32 $0x10, s10;
	s11 =	sor.u32 $0x20, s10;
	v16 =	vld [tilespmem:s8+$0x2800];
	s8 =	sor.u32 $0x300, s9  }
0x17a: {  	s12 =	sor.u32 $0x30, s10;
	s0 =	sadd.s32 $0x2800, s3;
	s3 =	sor.u32 $0x380, s9;
	v1 =	vld [tilespmem:s8+$0x2800]  }
0x17b: {  	s31 =	sor.u32 s11, s4;
	s13 =	sor.u32 $0x280, s9;
	s8 =	sadd.s32 $0x20, s1;
	v2 =	vld [tilespmem:s3+$0x2800]  }
0x17c: {  	s9 =	sor.u32 $0x200, s9;
	s3 =	sor.u32 s2, s4;
	s14 =	sor.u32 $0x380, s8;
	v3 =	vld [tilespmem:s13+$0x2800]  }
0x17d: {  	s15 =	sor.u32 $0x300, s7;
	s18 =	sor.u32 $0x280, s8;
	s13 =	sor.u32 $0x200, s1;
	v4 =	vld [tilespmem:s9+$0x2800]  }
0x17e: {  	s19 =	sor.u32 $0x300, s8;
	s1 =	sor.u32 $0x380, s1;
	v17 =	vld [tilespmem:s13+$0x2800];
	s13 =	sor.u32 $0x280, s7  }
0x17f: {  	s22 =	sor.u32 $0x200, s7;
	s8 =	sor.u32 $0x200, s8;
	s7 =	sor.u32 $0x380, s7;
	v5 =	vld [tilespmem:s14+$0x2800]  }
0x180: {  	s9 =	sor.u32 s12, s4;
	v6 =	vld [tilespmem:s19+$0x2800]  }
0x181: {  	v20 =	vld [tilespmem:s7+$0x2800]  }
0x182: {  	v9 =	vld [tilespmem:s8+$0x2800]  }
0x183: {  	v8 =	vld [tilespmem:s18+$0x2800]  }
0x184: {  	v18 =	vld [tilespmem:s15+$0x2800]  }
0x185: {  	v19 =	vld [tilespmem:s22+$0x2800]  }
0x186: {  	s4 =	sor.u32 s12, s0;
	v21 =	vld [tilespmem:s1+$0x2800];
	s1 =	sor.u32 s11, s0  }
0x187: {  	v7 =	vld [tilespmem:s4+$0x180]  }
0x188: {  	v11 =	vand.u32 $0x7F, v10;
	v12 =	vshll.u32 v10, $0x3;
	v22 =	vld [tilespmem:s13+$0x2800]  }
0x189: {  	v12 =	vand.u32 $0xFFFFFC00, v12;
	s7 =	sor.u32 s10, s0;
	v10 =	vld [tilespmem:s4+$0x100]  }
0x18a: {  	v23 =	vor.u32 v11, v12;
	v15 =	vld [tilespmem:s3+$0x0]  }
0x18b: {  	v25 =	vor.u32 $0x80, v23;
	v24 =	vld [tilespmem:s7+$0x0]  }
0x18c: {  	v27 =	vor.u32 $0x100, v23;
	v26 =	vld [tilespmem:s7+$0x80]  }
0x18d: {  	v28 =	vor.u32 $0x180, v23;
	v11 =	vld [tilespmem:s4+$0x80]  }
0x18e: {  	v30 =	vor.u32 $0x200, v23;
	v29 =	vld [tilespmem:s7+$0x100]  }
0x18f: {  	v31 =	vor.u32 $0x280, v23;
	v13 =	vld [tilespmem:s1+$0x180];
	v32 =	vshll.u32 v15, $0x3  }
0x190: {  	v33 =	vor.u32 $0x300, v23;
	v12 =	vld [tilespmem:s4+$0x0];
	v32 =	vand.u32 $0xFFFFFC00, v32  }
0x191: {  	v35 =	vor.u32 $0x380, v23;
	v34 =	vld [tilespmem:s1+$0x100]  }
0x192: {  	v36 =	vld [tilespmem:s1+$0x80]  }
0x193: {  	s0 =	sor.u32 s2, s0;
	v37 =	vld [tilespmem:s1+$0x0]  }
0x194: {  	v38 =	vld [tilespmem:s0+$0x180]  }
0x195: {  	v39 =	vld [tilespmem:s0+$0x100]  }
0x196: {  	v40 =	vld [tilespmem:s0+$0x80]  }
0x197: {  	v41 =	vld [tilespmem:s9+$0x0]  }
0x198: {  	v42 =	vld [tilespmem:s31+$0x0]  }
0x199: {  	v43 =	vld [tilespmem:s7+$0x180]  }
0x19a: {  	v44 =	vld [tilespmem:s0+$0x0]  }
0x19b: {  	v15 =	vand.u32 $0x7F, v15;
	[tilespmem:v23+s17+$0x0] =	vst.idx.add.f32.msk $0xffff, v24  }
0x19c: {  	v23 =	vor.u32 v15, v32;
	[tilespmem:v25+s17+$0x0] =	vst.idx.add.f32.msk $0xffff, v26;
	v15 =	vand.u32 $0x7F, v41;
	v24 =	vshll.u32 v41, $0x3  }
0x19d: {  	v25 =	vor.u32 $0x80, v23;
	[tilespmem:v27+s17+$0x0] =	vst.idx.add.f32.msk $0xffff, v29;
	v26 =	vshll.u32 v42, $0x3;
	v24 =	vand.u32 $0xFFFFFC00, v24  }
0x19e: {  	v27 =	vor.u32 $0x100, v23;
	[tilespmem:v28+s17+$0x0] =	vst.idx.add.f32.msk $0xffff, v43;
	v26 =	vand.u32 $0xFFFFFC00, v26;
	v15 =	vor.u32 v15, v24  }
0x19f: {  	[tilespmem:v30+s17+$0x0] =	vst.idx.add.f32.msk $0xffff, v17;
	v17 =	vor.u32 $0x180, v23  }
0x1a0: {  	[tilespmem:v31+s17+$0x0] =	vst.idx.add.f32.msk $0xffff, v16;
	v16 =	vor.u32 $0x200, v23  }
0x1a1: {  	[tilespmem:v33+s17+$0x0] =	vst.idx.add.f32.msk $0xffff, v14;
	v14 =	vor.u32 $0x280, v23  }
0x1a2: {  	[tilespmem:v35+s17+$0x0] =	vst.idx.add.f32.msk $0xffff, v21;
	v21 =	vor.u32 $0x300, v23  }
0x1a3: {  	[tilespmem:v23+s17+$0x0] =	vst.idx.add.f32.msk $0xffff, v44;
	v23 =	vor.u32 $0x380, v23  }
0x1a4: {  	v24 =	vand.u32 $0x7F, v42;
	[tilespmem:v25+s17+$0x0] =	vst.idx.add.f32.msk $0xffff, v40  }
0x1a5: {  	v24 =	vor.u32 v24, v26;
	[tilespmem:v27+s17+$0x0] =	vst.idx.add.f32.msk $0xffff, v39  }
0x1a6: {  	v25 =	vor.u32 $0x80, v24;
	[tilespmem:v17+s17+$0x0] =	vst.idx.add.f32.msk $0xffff, v38  }
0x1a7: {  	v26 =	vor.u32 $0x100, v24;
	[tilespmem:v16+s17+$0x0] =	vst.idx.add.f32.msk $0xffff, v19  }
0x1a8: {  	v19 =	vor.u32 $0x180, v24;
	[tilespmem:v14+s17+$0x0] =	vst.idx.add.f32.msk $0xffff, v22  }
.Ltmp2:
0x1a9: {  	[tilespmem:v21+s17+$0x0] =	vst.idx.add.f32.msk $0xffff, v18;
	v18 =	vor.u32 $0x200, v24;
	(pc) =	sbr.rel @p1 .LBB2_7-.Ltmp2, $4  }
0x1aa: {  	v17 =	vor.u32 $0x280, v24;
	[tilespmem:v23+s17+$0x0] =	vst.idx.add.f32.msk $0xffff, v20  }
0x1ab: {  	v16 =	vor.u32 $0x300, v24;
	[tilespmem:v24+s17+$0x0] =	vst.idx.add.f32.msk $0xffff, v37  }
0x1ac: {  	v14 =	vor.u32 $0x380, v24;
	[tilespmem:v25+s17+$0x0] =	vst.idx.add.f32.msk $0xffff, v36  }
0x1ad: {  	[tilespmem:v26+s17+$0x0] =	vst.idx.add.f32.msk $0xffff, v34  }
0x1ae: {  	_ =	sdelay $0x3  }
0x1af: {  	[tilespmem:v19+s17+$0x0] =	vst.idx.add.f32.msk $0xffff, v13  }
0x1b0: {  	[tilespmem:v18+s17+$0x0] =	vst.idx.add.f32.msk $0xffff, v9;
	v9 =	vor.u32 $0x80, v15  }
0x1b1: {  	[tilespmem:v17+s17+$0x0] =	vst.idx.add.f32.msk $0xffff, v8;
	v8 =	vor.u32 $0x100, v15  }
0x1b2: {  	[tilespmem:v16+s17+$0x0] =	vst.idx.add.f32.msk $0xffff, v6;
	v6 =	vor.u32 $0x180, v15  }
0x1b3: {  	[tilespmem:v14+s17+$0x0] =	vst.idx.add.f32.msk $0xffff, v5;
	v5 =	vor.u32 $0x200, v15  }
0x1b4: {  	[tilespmem:v15+s17+$0x0] =	vst.idx.add.f32.msk $0xffff, v12;
	v12 =	vor.u32 $0x280, v15  }
0x1b5: {  	[tilespmem:v9+s17+$0x0] =	vst.idx.add.f32.msk $0xffff, v11;
	v9 =	vor.u32 $0x300, v15  }
0x1b6: {  	s0 =	sadd.s32 $0x3, s26;
	[tilespmem:v8+s17+$0x0] =	vst.idx.add.f32.msk $0xffff, v10;
	v8 =	vor.u32 $0x380, v15  }
0x1b7: {  	s1 =	smul.u32 $0x500, s0;
	[tilespmem:v6+s17+$0x0] =	vst.idx.add.f32.msk $0xffff, v7  }
0x1b8: {  	s0 =	smul.u32 $0x2800, s0;
	[tilespmem:v5+s17+$0x0] =	vst.idx.add.f32.msk $0xffff, v4  }
0x1b9: {  	s2 =	rddreg [dreg:$0x1];
	s1 =	sadd.s32 s5, s1;
	[tilespmem:v12+s17+$0x0] =	vst.idx.add.f32.msk $0xffff, v3  }
0x1ba: {  	s28 =	simm.s32 $0x0;
	s0 =	sadd.s32 s6, s0;
	s1 =	sshrl.u32 s1, $0x3;
	[tilespmem:v9+s17+$0x0] =	vst.idx.add.f32.msk $0xffff, v1  }
0x1bb: {  	s8 =	simm.s32 $0x7800;
	s0 =	sshrl.u32 s0, $0x3;
	s1 =	sadd.s32 s2, s1;
	[tilespmem:v8+s17+$0x0] =	vst.idx.add.f32.msk $0xffff, v2  }
0x1bc: {  	[tilespmem:s8], [sflag:$0x1] =	stream.linear.gather [hbm4b:s1+s28], $0x500, $0x38;
	[tilespmem:$0x1CB00] =	vst v63  }
0x1bd: {  	s0 =	sadd.s32 s23, s0  }
0x1be: {  	[tilespmem:s28], [sflag:$0x1] =	stream.linear.gather [hbm4b:s0+s28], $0x2800, $0x38;
	[tilespmem:$0x1CB00] =	vst v63  }
0x1bf: {  	_ =	swait.ge [sflag:s21], $0x500  }
0x1c0: {  	[sflag:s21] =	ssyncset.done $0x0  }
0x1c1: {  	p0 =	por $0x0, $0x0;
	s0 =	simm.s32 $0x1;
	[sflag:s21] =	ssyncadd.s32 $0xFFFFFB00  }
0x1c2: {  	s0 =	simm.s32 @!p0 $0x0;
	_ =	swait.ge [sflag:s21], $0x2800  }
0x1c3: {  	s0 =	sshll.u32 s0, $0x6;
	[sflag:s21] =	ssyncset.done $0x0  }
0x1c4: {  	s29 =	simm.s32 $0x8200;
	s0 =	sadd.s32 $0x0, s0;
	[sflag:s21] =	ssyncadd.s32 $0xFFFFD800  }
0x1c5: {  	s9 =	sor.u32 $0x300, s0;
	v14 =	vld [tilespmem:s29+$0x0]  }
0x1c6: {  	s10 =	sor.u32 $0x280, s0;
	s11 =	sadd.s32 $0x30, s0;
	v15 =	vld [tilespmem:s9+$0x5000]  }
0x1c7: {  	s12 =	sor.u32 $0x300, s11;
	v16 =	vld [tilespmem:s10+$0x5000]  }
0x1c8: {  	s13 =	sor.u32 $0x380, s11;
	v1 =	vld [tilespmem:s12+$0x5000]  }
0x1c9: {  	s3 =	sor.u32 $0x280, s11;
	v2 =	vld [tilespmem:s13+$0x5000]  }
0x1ca: {  	s1 =	sor.u32 $0x200, s11;
	v3 =	vld [tilespmem:s3+$0x5000]  }
0x1cb: {  	s14 =	sadd.s32 $0x20, s0;
	s15 =	sor.u32 $0x200, s0;
	v4 =	vld [tilespmem:s1+$0x5000]  }
0x1cc: {  	s18 =	sor.u32 $0x380, s14;
	v17 =	vld [tilespmem:s15+$0x5000]  }
0x1cd: {  	s19 =	sadd.s32 $0x10, s0;
	s4 =	sor.u32 $0x300, s14;
	v5 =	vld [tilespmem:s18+$0x5000]  }
0x1ce: {  	s22 =	sor.u32 $0x380, s19;
	v6 =	vld [tilespmem:s4+$0x5000]  }
0x1cf: {  	s31 =	sor.u32 $0x200, s14;
	v18 =	vld [tilespmem:s22+$0x5000]  }
0x1d0: {  	s7 =	sor.u32 $0x280, s14;
	v9 =	vld [tilespmem:s31+$0x5000]  }
0x1d1: {  	s8 =	sor.u32 $0x300, s19;
	v8 =	vld [tilespmem:s7+$0x5000]  }
0x1d2: {  	s0 =	sor.u32 $0x380, s0;
	v19 =	vld [tilespmem:s8+$0x5000]  }
0x1d3: {  	s9 =	sand.u32 $0x3C00, s28;
	s10 =	sand.u32 $0x40, s28;
	s7 =	sor.u32 $0x200, s19;
	v21 =	vld [tilespmem:s0+$0x5000]  }
0x1d4: {  	s3 =	sor.u32 $0x280, s19;
	s11 =	sor.u32 $0x30, s10;
	s1 =	sadd.s32 $0x5000, s9;
	v20 =	vld [tilespmem:s7+$0x5000]  }
0x1d5: {  	s13 =	sand.u32 $0x780, s28;
	v22 =	vld [tilespmem:s3+$0x5000];
	s12 =	sor.u32 s11, s1  }
0x1d6: {  	s7 =	sadd.s32 $0x8200, s13;
	s8 =	sor.u32 $0x10, s10;
	v7 =	vld [tilespmem:s12+$0x180]  }
0x1d7: {  	s14 =	sor.u32 s8, s7;
	v10 =	vld [tilespmem:s12+$0x100]  }
0x1d8: {  	v23 =	vld [tilespmem:s14+$0x0]  }
0x1d9: {  	s15 =	sor.u32 $0x20, s10;
	v11 =	vld [tilespmem:s12+$0x80]  }
0x1da: {  	s18 =	sor.u32 s15, s1;
	v12 =	vld [tilespmem:s12+$0x0]  }
0x1db: {  	v13 =	vld [tilespmem:s18+$0x180]  }
0x1dc: {  	v24 =	vld [tilespmem:s18+$0x100]  }
0x1dd: {  	v25 =	vld [tilespmem:s18+$0x80]  }
0x1de: {  	s19 =	sor.u32 s11, s7;
	v26 =	vld [tilespmem:s18+$0x0]  }
0x1df: {  	s22 =	sor.u32 s15, s7;
	v27 =	vld [tilespmem:s19+$0x0]  }
0x1e0: {  	s31 =	sor.u32 s10, s1;
	v28 =	vld [tilespmem:s22+$0x0]  }
0x1e1: {  	v29 =	vld [tilespmem:s31+$0x0]  }
0x1e2: {  	v31 =	vld [tilespmem:s31+$0x80];
	v30 =	vshll.u32 v14, $0x3  }
0x1e3: {  	v32 =	vld [tilespmem:s31+$0x100];
	v14 =	vand.u32 $0x7F, v14;
	v30 =	vand.u32 $0xFFFFFC00, v30  }
0x1e4: {  	s1 =	sor.u32 s8, s1;
	v33 =	vld [tilespmem:s31+$0x180];
	v14 =	vor.u32 v14, v30  }
0x1e5: {  	v34 =	vld [tilespmem:s1+$0x180];
	v30 =	vor.u32 $0x80, v14  }
0x1e6: {  	v36 =	vld [tilespmem:s1+$0x100];
	v35 =	vor.u32 $0x100, v14  }
0x1e7: {  	v38 =	vld [tilespmem:s1+$0x80];
	v37 =	vor.u32 $0x180, v14  }
0x1e8: {  	v40 =	vld [tilespmem:s1+$0x0];
	v39 =	vor.u32 $0x200, v14  }
0x1e9: {  	v41 =	vor.u32 $0x280, v14;
	[tilespmem:v14+s17+$0x0] =	vst.idx.add.f32.msk $0xffff, v29  }
0x1ea: {  	v61 =	vshll.u32 v23, $0x3;
	v42 =	vor.u32 $0x300, v14;
	[tilespmem:v30+s17+$0x0] =	vst.idx.add.f32.msk $0xffff, v31  }
0x1eb: {  	v23 =	vand.u32 $0x7F, v23;
	v29 =	vand.u32 $0xFFFFFC00, v61;
	v14 =	vor.u32 $0x380, v14;
	[tilespmem:v35+s17+$0x0] =	vst.idx.add.f32.msk $0xffff, v32  }
0x1ec: {  	v23 =	vor.u32 v23, v29;
	[tilespmem:v37+s17+$0x0] =	vst.idx.add.f32.msk $0xffff, v33  }
0x1ed: {  	v29 =	vor.u32 $0x80, v23;
	[tilespmem:v39+s17+$0x0] =	vst.idx.add.f32.msk $0xffff, v17  }
0x1ee: {  	v17 =	vor.u32 $0x100, v23;
	[tilespmem:v41+s17+$0x0] =	vst.idx.add.f32.msk $0xffff, v16  }
0x1ef: {  	v16 =	vor.u32 $0x180, v23;
	[tilespmem:v42+s17+$0x0] =	vst.idx.add.f32.msk $0xffff, v15  }
0x1f0: {  	v15 =	vor.u32 $0x200, v23;
	[tilespmem:v14+s17+$0x0] =	vst.idx.add.f32.msk $0xffff, v21  }
0x1f1: {  	v14 =	vor.u32 $0x280, v23;
	[tilespmem:v23+s17+$0x0] =	vst.idx.add.f32.msk $0xffff, v40  }
0x1f2: {  	v62 =	vshll.u32 v28, $0x3;
	v63 =	vor.u32 $0x300, v23;
	[tilespmem:v29+s17+$0x0] =	vst.idx.add.f32.msk $0xffff, v38  }
0x1f3: {  	v28 =	vand.u32 $0x7F, v28;
	v21 =	vand.u32 $0xFFFFFC00, v62;
	v23 =	vor.u32 $0x380, v23;
	[tilespmem:v17+s17+$0x0] =	vst.idx.add.f32.msk $0xffff, v36  }
0x1f4: {  	v21 =	vor.u32 v28, v21;
	[tilespmem:v16+s17+$0x0] =	vst.idx.add.f32.msk $0xffff, v34  }
0x1f5: {  	v16 =	vor.u32 $0x80, v21;
	[tilespmem:v15+s17+$0x0] =	vst.idx.add.f32.msk $0xffff, v20  }
0x1f6: {  	v20 =	vor.u32 $0x100, v21;
	[tilespmem:v14+s17+$0x0] =	vst.idx.add.f32.msk $0xffff, v22  }
0x1f7: {  	[tilespmem:v63+s17+$0x0] =	vst.idx.add.f32.msk $0xffff, v19;
	v19 =	vor.u32 $0x180, v21  }
0x1f8: {  	[tilespmem:v23+s17+$0x0] =	vst.idx.add.f32.msk $0xffff, v18;
	v18 =	vor.u32 $0x200, v21  }
0x1f9: {  	v17 =	vor.u32 $0x280, v21;
	v14 =	vshll.u32 v27, $0x3;
	[tilespmem:v21+s17+$0x0] =	vst.idx.add.f32.msk $0xffff, v26  }
0x1fa: {  	v15 =	vand.u32 $0x7F, v27;
	v14 =	vand.u32 $0xFFFFFC00, v14;
	[tilespmem:v16+s17+$0x0] =	vst.idx.add.f32.msk $0xffff, v25;
	v16 =	vor.u32 $0x300, v21  }
0x1fb: {  	s30 =	simm.s32 $0x200;
	v15 =	vor.u32 v15, v14;
	v14 =	vor.u32 $0x380, v21;
	[tilespmem:v20+s17+$0x0] =	vst.idx.add.f32.msk $0xffff, v24  }
.LBB2_9:
0x1fc: {  	[tilespmem:v19+s17+$0x0] =	vst.idx.add.f32.msk $0xffff, v13;
	p0 =	por !p0, !p0;
	s28 =	sadd.s32 $0x40, s28;
	s29 =	sadd.s32 $0x40, s29  }
0x1fd: {  	p1 =	sne.s32 s30, $0x2600;
	s0 =	smov.u32 s30;
	s30 =	sadd.s32 $0x200, s30;
	[tilespmem:v18+s17+$0x0] =	vst.idx.add.f32.msk $0xffff, v9;
	v9 =	vor.u32 $0x80, v15  }
0x1fe: {  	[tilespmem:v17+s17+$0x0] =	vst.idx.add.f32.msk $0xffff, v8;
	v8 =	vor.u32 $0x100, v15  }
0x1ff: {  	[tilespmem:v16+s17+$0x0] =	vst.idx.add.f32.msk $0xffff, v6;
	v6 =	vor.u32 $0x180, v15  }
0x200: {  	[tilespmem:v14+s17+$0x0] =	vst.idx.add.f32.msk $0xffff, v5;
	v5 =	vor.u32 $0x200, v15  }
0x201: {  	[tilespmem:v15+s17+$0x0] =	vst.idx.add.f32.msk $0xffff, v12;
	v12 =	vor.u32 $0x280, v15  }
0x202: {  	[tilespmem:v9+s17+$0x0] =	vst.idx.add.f32.msk $0xffff, v11;
	v9 =	vor.u32 $0x300, v15  }
0x203: {  	[tilespmem:v8+s17+$0x0] =	vst.idx.add.f32.msk $0xffff, v10;
	v8 =	vor.u32 $0x380, v15  }
0x204: {  	[tilespmem:v6+s17+$0x0] =	vst.idx.add.f32.msk $0xffff, v7  }
0x205: {  	s1 =	simm.s32 $0x1;
	[tilespmem:v5+s17+$0x0] =	vst.idx.add.f32.msk $0xffff, v4  }
0x206: {  	s1 =	simm.s32 @!p0 $0x0;
	[tilespmem:v12+s17+$0x0] =	vst.idx.add.f32.msk $0xffff, v3  }
0x207: {  	s1 =	sshll.u32 s1, $0x6;
	[tilespmem:v9+s17+$0x0] =	vst.idx.add.f32.msk $0xffff, v1  }
0x208: {  	s2 =	sand.u32 $0x780, s28;
	s3 =	sand.u32 $0x3C00, s0;
	s1 =	sadd.s32 s1, s0;
	[tilespmem:v8+s17+$0x0] =	vst.idx.add.f32.msk $0xffff, v2  }
0x209: {  	s4 =	sadd.s32 $0x8200, s2;
	s0 =	sor.u32 $0x300, s1;
	s7 =	sadd.s32 $0x10, s1;
	v10 =	vld [tilespmem:s29+$0x0]  }
0x20a: {  	s10 =	sand.u32 $0x40, s28;
	s8 =	sor.u32 $0x280, s1;
	s9 =	sadd.s32 $0x30, s1;
	v14 =	vld [tilespmem:s0+$0x5000]  }
0x20b: {  	s2 =	sor.u32 $0x10, s10;
	s11 =	sor.u32 $0x20, s10;
	v16 =	vld [tilespmem:s8+$0x5000];
	s8 =	sor.u32 $0x300, s9  }
0x20c: {  	s12 =	sor.u32 $0x30, s10;
	s0 =	sadd.s32 $0x5000, s3;
	s3 =	sor.u32 $0x380, s9;
	v1 =	vld [tilespmem:s8+$0x5000]  }
0x20d: {  	s31 =	sor.u32 s11, s4;
	s13 =	sor.u32 $0x280, s9;
	s8 =	sadd.s32 $0x20, s1;
	v2 =	vld [tilespmem:s3+$0x5000]  }
0x20e: {  	s9 =	sor.u32 $0x200, s9;
	s3 =	sor.u32 s2, s4;
	s14 =	sor.u32 $0x380, s8;
	v3 =	vld [tilespmem:s13+$0x5000]  }
0x20f: {  	s15 =	sor.u32 $0x300, s7;
	s18 =	sor.u32 $0x280, s8;
	s13 =	sor.u32 $0x200, s1;
	v4 =	vld [tilespmem:s9+$0x5000]  }
0x210: {  	s19 =	sor.u32 $0x300, s8;
	s1 =	sor.u32 $0x380, s1;
	v17 =	vld [tilespmem:s13+$0x5000];
	s13 =	sor.u32 $0x280, s7  }
0x211: {  	s22 =	sor.u32 $0x200, s7;
	s8 =	sor.u32 $0x200, s8;
	s7 =	sor.u32 $0x380, s7;
	v5 =	vld [tilespmem:s14+$0x5000]  }
0x212: {  	s9 =	sor.u32 s12, s4;
	v6 =	vld [tilespmem:s19+$0x5000]  }
0x213: {  	v20 =	vld [tilespmem:s7+$0x5000]  }
0x214: {  	v9 =	vld [tilespmem:s8+$0x5000]  }
0x215: {  	v8 =	vld [tilespmem:s18+$0x5000]  }
0x216: {  	v18 =	vld [tilespmem:s15+$0x5000]  }
0x217: {  	v19 =	vld [tilespmem:s22+$0x5000]  }
0x218: {  	s4 =	sor.u32 s12, s0;
	v21 =	vld [tilespmem:s1+$0x5000];
	s1 =	sor.u32 s11, s0  }
0x219: {  	v7 =	vld [tilespmem:s4+$0x180]  }
0x21a: {  	v11 =	vand.u32 $0x7F, v10;
	v12 =	vshll.u32 v10, $0x3;
	v22 =	vld [tilespmem:s13+$0x5000]  }
0x21b: {  	v12 =	vand.u32 $0xFFFFFC00, v12;
	s7 =	sor.u32 s10, s0;
	v10 =	vld [tilespmem:s4+$0x100]  }
0x21c: {  	v23 =	vor.u32 v11, v12;
	v15 =	vld [tilespmem:s3+$0x0]  }
0x21d: {  	v25 =	vor.u32 $0x80, v23;
	v24 =	vld [tilespmem:s7+$0x0]  }
0x21e: {  	v27 =	vor.u32 $0x100, v23;
	v26 =	vld [tilespmem:s7+$0x80]  }
0x21f: {  	v28 =	vor.u32 $0x180, v23;
	v11 =	vld [tilespmem:s4+$0x80]  }
0x220: {  	v30 =	vor.u32 $0x200, v23;
	v29 =	vld [tilespmem:s7+$0x100]  }
0x221: {  	v31 =	vor.u32 $0x280, v23;
	v13 =	vld [tilespmem:s1+$0x180];
	v32 =	vshll.u32 v15, $0x3  }
0x222: {  	v33 =	vor.u32 $0x300, v23;
	v12 =	vld [tilespmem:s4+$0x0];
	v32 =	vand.u32 $0xFFFFFC00, v32  }
0x223: {  	v35 =	vor.u32 $0x380, v23;
	v34 =	vld [tilespmem:s1+$0x100]  }
0x224: {  	v36 =	vld [tilespmem:s1+$0x80]  }
0x225: {  	s0 =	sor.u32 s2, s0;
	v37 =	vld [tilespmem:s1+$0x0]  }
0x226: {  	v38 =	vld [tilespmem:s0+$0x180]  }
0x227: {  	v39 =	vld [tilespmem:s0+$0x100]  }
0x228: {  	v40 =	vld [tilespmem:s0+$0x80]  }
0x229: {  	v41 =	vld [tilespmem:s9+$0x0]  }
0x22a: {  	v42 =	vld [tilespmem:s31+$0x0]  }
0x22b: {  	v43 =	vld [tilespmem:s7+$0x180]  }
0x22c: {  	v44 =	vld [tilespmem:s0+$0x0]  }
0x22d: {  	v15 =	vand.u32 $0x7F, v15;
	[tilespmem:v23+s17+$0x0] =	vst.idx.add.f32.msk $0xffff, v24  }
0x22e: {  	v23 =	vor.u32 v15, v32;
	[tilespmem:v25+s17+$0x0] =	vst.idx.add.f32.msk $0xffff, v26;
	v15 =	vand.u32 $0x7F, v41;
	v24 =	vshll.u32 v41, $0x3  }
0x22f: {  	v25 =	vor.u32 $0x80, v23;
	[tilespmem:v27+s17+$0x0] =	vst.idx.add.f32.msk $0xffff, v29;
	v26 =	vshll.u32 v42, $0x3;
	v24 =	vand.u32 $0xFFFFFC00, v24  }
0x230: {  	v27 =	vor.u32 $0x100, v23;
	[tilespmem:v28+s17+$0x0] =	vst.idx.add.f32.msk $0xffff, v43;
	v26 =	vand.u32 $0xFFFFFC00, v26;
	v15 =	vor.u32 v15, v24  }
0x231: {  	[tilespmem:v30+s17+$0x0] =	vst.idx.add.f32.msk $0xffff, v17;
	v17 =	vor.u32 $0x180, v23  }
0x232: {  	[tilespmem:v31+s17+$0x0] =	vst.idx.add.f32.msk $0xffff, v16;
	v16 =	vor.u32 $0x200, v23  }
0x233: {  	[tilespmem:v33+s17+$0x0] =	vst.idx.add.f32.msk $0xffff, v14;
	v14 =	vor.u32 $0x280, v23  }
0x234: {  	[tilespmem:v35+s17+$0x0] =	vst.idx.add.f32.msk $0xffff, v21;
	v21 =	vor.u32 $0x300, v23  }
0x235: {  	[tilespmem:v23+s17+$0x0] =	vst.idx.add.f32.msk $0xffff, v44;
	v23 =	vor.u32 $0x380, v23  }
0x236: {  	v24 =	vand.u32 $0x7F, v42;
	[tilespmem:v25+s17+$0x0] =	vst.idx.add.f32.msk $0xffff, v40  }
0x237: {  	v24 =	vor.u32 v24, v26;
	[tilespmem:v27+s17+$0x0] =	vst.idx.add.f32.msk $0xffff, v39  }
0x238: {  	v25 =	vor.u32 $0x80, v24;
	[tilespmem:v17+s17+$0x0] =	vst.idx.add.f32.msk $0xffff, v38  }
0x239: {  	v26 =	vor.u32 $0x100, v24;
	[tilespmem:v16+s17+$0x0] =	vst.idx.add.f32.msk $0xffff, v19  }
0x23a: {  	v19 =	vor.u32 $0x180, v24;
	[tilespmem:v14+s17+$0x0] =	vst.idx.add.f32.msk $0xffff, v22  }
.Ltmp3:
0x23b: {  	[tilespmem:v21+s17+$0x0] =	vst.idx.add.f32.msk $0xffff, v18;
	v18 =	vor.u32 $0x200, v24;
	(pc) =	sbr.rel @p1 .LBB2_9-.Ltmp3, $4  }
0x23c: {  	v17 =	vor.u32 $0x280, v24;
	[tilespmem:v23+s17+$0x0] =	vst.idx.add.f32.msk $0xffff, v20  }
0x23d: {  	v16 =	vor.u32 $0x300, v24;
	[tilespmem:v24+s17+$0x0] =	vst.idx.add.f32.msk $0xffff, v37  }
0x23e: {  	v14 =	vor.u32 $0x380, v24;
	[tilespmem:v25+s17+$0x0] =	vst.idx.add.f32.msk $0xffff, v36  }
0x23f: {  	[tilespmem:v26+s17+$0x0] =	vst.idx.add.f32.msk $0xffff, v34  }
0x240: {  	_ =	sdelay $0x3  }
0x241: {  	[tilespmem:v19+s17+$0x0] =	vst.idx.add.f32.msk $0xffff, v13  }
0x242: {  	v57 =	vor.u32 $0x80, v15;
	[tilespmem:v18+s17+$0x0] =	vst.idx.add.f32.msk $0xffff, v9  }
0x243: {  	v58 =	vor.u32 $0x100, v15;
	[tilespmem:v17+s17+$0x0] =	vst.idx.add.f32.msk $0xffff, v8  }
0x244: {  	v59 =	vor.u32 $0x180, v15;
	[tilespmem:v16+s17+$0x0] =	vst.idx.add.f32.msk $0xffff, v6  }
0x245: {  	v60 =	vor.u32 $0x200, v15;
	[tilespmem:v14+s17+$0x0] =	vst.idx.add.f32.msk $0xffff, v5  }
0x246: {  	v61 =	vor.u32 $0x280, v15;
	[tilespmem:v15+s17+$0x0] =	vst.idx.add.f32.msk $0xffff, v12  }
0x247: {  	v62 =	vor.u32 $0x300, v15;
	[tilespmem:v57+s17+$0x0] =	vst.idx.add.f32.msk $0xffff, v11  }
0x248: {  	v63 =	vor.u32 $0x380, v15;
	p0 =	seq.s32 s25, $0x52;
	[tilespmem:v58+s17+$0x0] =	vst.idx.add.f32.msk $0xffff, v10  }
.Ltmp4:
0x249: {  	[tilespmem:v59+s17+$0x0] =	vst.idx.add.f32.msk $0xffff, v7;
	(pc) =	sbr.rel @p0 .LBB2_12-.Ltmp4, $4  }
0x24a: {  	[tilespmem:v60+s17+$0x0] =	vst.idx.add.f32.msk $0xffff, v4  }
0x24b: {  	[tilespmem:v61+s17+$0x0] =	vst.idx.add.f32.msk $0xffff, v3  }
0x24c: {  	[tilespmem:v62+s17+$0x0] =	vst.idx.add.f32.msk $0xffff, v1  }
0x24d: {  	[tilespmem:v63+s17+$0x0] =	vst.idx.add.f32.msk $0xffff, v2  }
0x24e: {  	s0 =	sadd.s32 $0x4, s26  }
0x24f: {  	s1 =	smul.u32 $0x500, s0  }
0x250: {  	s0 =	smul.u32 $0x2800, s0  }
0x251: {  	s2 =	rddreg [dreg:$0x1];
	s30 =	simm.s32 $0x0;
	s1 =	sadd.s32 s5, s1  }
.Ltmp5:
0x252: {  	s0 =	sadd.s32 s6, s0;
	s1 =	sshrl.u32 s1, $0x3;
	(pc) =	sbr.rel .LBB2_4-.Ltmp5, $4  }
0x253: {  	s3 =	simm.s32 $0x7D00;
	s0 =	sshrl.u32 s0, $0x3;
	s1 =	sadd.s32 s2, s1  }
0x254: {  	[tilespmem:s3], [sflag:$0x2] =	stream.linear.gather [hbm4b:s1+s30], $0x500, $0x38;
	[tilespmem:$0x1CB00] =	vst v63  }
0x255: {  	s31 =	simm.s32 $0x2800;
	s25 =	sadd.s32 $0x1, s25;
	s0 =	sadd.s32 s23, s0  }
0x256: {  	[tilespmem:s31], [sflag:$0x2] =	stream.linear.gather [hbm4b:s0+s30], $0x2800, $0x38;
	[tilespmem:$0x1CB00] =	vst v63  }
.LBB2_12:
0x257: {  	_ =	swait.ge [sflag:s16], $0x500  }
0x258: {  	[sflag:s16] =	ssyncset.done $0x0  }
0x259: {  	p0 =	por $0x0, $0x0;
	s24 =	simm.s32 $0x0;
	[sflag:s16] =	ssyncadd.s32 $0xFFFFFB00  }
0x25a: {  	s25 =	simm.s32 $0x7800;
	s2 =	simm.s32 $0x1;
	_ =	swait.ge [sflag:s16], $0x2800  }
0x25b: {  	s0 =	sand.u32 $0x40, s24;
	s1 =	sand.u32 $0x780, s24;
	[sflag:s16] =	ssyncset.done $0x0  }
0x25c: {  	s3 =	sor.u32 $0x10, s0;
	s1 =	sor.u32 $0x7800, s1;
	[sflag:s16] =	ssyncadd.s32 $0xFFFFD800  }
0x25d: {  	s4 =	sand.u32 $0x3C00, s24;
	s2 =	simm.s32 @!p0 $0x0;
	s7 =	sor.u32 s3, s1;
	v6 =	vld [tilespmem:s25+$0x0]  }
0x25e: {  	s2 =	sshll.u32 s2, $0x6;
	s3 =	sor.u32 s3, s4;
	v10 =	vld [tilespmem:s7+$0x0]  }
0x25f: {  	s2 =	sadd.s32 $0x0, s2;
	v11 =	vld [tilespmem:s3+$0x180]  }
0x260: {  	s28 =	sadd.s32 $0x10, s2;
	v12 =	vld [tilespmem:s3+$0x0]  }
0x261: {  	s8 =	sor.u32 $0x300, s28;
	v13 =	vld [tilespmem:s3+$0x80]  }
0x262: {  	s9 =	sadd.s32 $0x20, s2;
	s29 =	sor.u32 $0x380, s28;
	v14 =	vld [tilespmem:s8+$0x0]  }
0x263: {  	s10 =	sor.u32 $0x200, s9;
	v16 =	vld [tilespmem:s29+$0x0]  }
0x264: {  	s30 =	sor.u32 $0x380, s2;
	v18 =	vld [tilespmem:s10+$0x0]  }
0x265: {  	s31 =	sor.u32 $0x200, s28;
	v17 =	vld [tilespmem:s30+$0x0]  }
0x266: {  	s11 =	sor.u32 $0x280, s9;
	v19 =	vld [tilespmem:s31+$0x0]  }
0x267: {  	s13 =	sor.u32 $0x30, s0;
	s12 =	sor.u32 $0x300, s9;
	v20 =	vld [tilespmem:s11+$0x0]  }
0x268: {  	s14 =	sor.u32 s13, s4;
	v4 =	vld [tilespmem:s12+$0x0]  }
0x269: {  	v1 =	vld [tilespmem:s14+$0x180]  }
0x26a: {  	v2 =	vld [tilespmem:s14+$0x100]  }
0x26b: {  	s15 =	sor.u32 $0x300, s2;
	v3 =	vld [tilespmem:s14+$0x80]  }
0x26c: {  	v22 =	vld [tilespmem:s15+$0x0]  }
0x26d: {  	s18 =	sor.u32 $0x280, s2;
	v5 =	vld [tilespmem:s14+$0x0]  }
0x26e: {  	s22 =	sor.u32 $0x200, s2;
	v23 =	vld [tilespmem:s18+$0x0]  }
0x26f: {  	v27 =	vld [tilespmem:s22+$0x0]  }
0x270: {  	s23 =	sor.u32 s13, s1;
	v30 =	vld [tilespmem:s3+$0x100]  }
0x271: {  	s7 =	sor.u32 $0x280, s28;
	v32 =	vld [tilespmem:s23+$0x0]  }
0x272: {  	s11 =	sor.u32 $0x20, s0;
	s0 =	sor.u32 s0, s4;
	v21 =	vld [tilespmem:s7+$0x0]  }
0x273: {  	v29 =	vld [tilespmem:s0+$0x0]  }
0x274: {  	v31 =	vld [tilespmem:s0+$0x80]  }
0x275: {  	s26 =	sadd.s32 $0x30, s2;
	v34 =	vld [tilespmem:s0+$0x100]  }
0x276: {  	s29 =	sor.u32 $0x280, s26;
	v35 =	vld [tilespmem:s0+$0x180]  }
0x277: {  	s30 =	sor.u32 $0x200, s26;
	v8 =	vld [tilespmem:s29+$0x0]  }
0x278: {  	s31 =	sor.u32 $0x380, s9;
	v9 =	vld [tilespmem:s30+$0x0]  }
0x279: {  	s19 =	sor.u32 s11, s4;
	v15 =	vld [tilespmem:s31+$0x0]  }
0x27a: {  	v24 =	vld [tilespmem:s19+$0x180];
	v7 =	vshll.u32 v6, $0x3  }
0x27b: {  	v25 =	vld [tilespmem:s19+$0x100];
	v6 =	vand.u32 $0x7F, v6;
	v7 =	vand.u32 $0xFFFFFC00, v7  }
0x27c: {  	v26 =	vld [tilespmem:s19+$0x80];
	v36 =	vor.u32 v6, v7  }
0x27d: {  	s1 =	sor.u32 s11, s1;
	v28 =	vld [tilespmem:s19+$0x0];
	v37 =	vor.u32 $0x80, v36  }
0x27e: {  	s2 =	sor.u32 $0x380, s26;
	v33 =	vld [tilespmem:s1+$0x0];
	v38 =	vor.u32 $0x100, v36  }
0x27f: {  	s28 =	sor.u32 $0x300, s26;
	v6 =	vld [tilespmem:s2+$0x0];
	v39 =	vor.u32 $0x180, v36  }
0x280: {  	v7 =	vld [tilespmem:s28+$0x0];
	v40 =	vor.u32 $0x200, v36  }
0x281: {  	v41 =	vor.u32 $0x280, v36;
	[tilespmem:v36+s17+$0x0] =	vst.idx.add.f32.msk $0xffff, v29  }
0x282: {  	v42 =	vshll.u32 v10, $0x3;
	v55 =	vor.u32 $0x300, v36;
	[tilespmem:v37+s17+$0x0] =	vst.idx.add.f32.msk $0xffff, v31  }
0x283: {  	v10 =	vand.u32 $0x7F, v10;
	v57 =	vand.u32 $0xFFFFFC00, v42;
	v56 =	vor.u32 $0x380, v36;
	[tilespmem:v38+s17+$0x0] =	vst.idx.add.f32.msk $0xffff, v34  }
0x284: {  	v10 =	vor.u32 v10, v57;
	[tilespmem:v39+s17+$0x0] =	vst.idx.add.f32.msk $0xffff, v35  }
0x285: {  	v58 =	vor.u32 $0x80, v10;
	[tilespmem:v40+s17+$0x0] =	vst.idx.add.f32.msk $0xffff, v27  }
0x286: {  	v59 =	vor.u32 $0x100, v10;
	[tilespmem:v41+s17+$0x0] =	vst.idx.add.f32.msk $0xffff, v23  }
0x287: {  	v60 =	vor.u32 $0x180, v10;
	[tilespmem:v55+s17+$0x0] =	vst.idx.add.f32.msk $0xffff, v22  }
0x288: {  	v61 =	vor.u32 $0x200, v10;
	[tilespmem:v56+s17+$0x0] =	vst.idx.add.f32.msk $0xffff, v17  }
0x289: {  	v17 =	vor.u32 $0x280, v10;
	[tilespmem:v10+s17+$0x0] =	vst.idx.add.f32.msk $0xffff, v12  }
0x28a: {  	v62 =	vor.u32 $0x300, v10;
	v12 =	vshll.u32 v33, $0x3;
	[tilespmem:v58+s17+$0x0] =	vst.idx.add.f32.msk $0xffff, v13  }
0x28b: {  	v10 =	vor.u32 $0x380, v10;
	v12 =	vand.u32 $0xFFFFFC00, v12;
	v13 =	vand.u32 $0x7F, v33;
	[tilespmem:v59+s17+$0x0] =	vst.idx.add.f32.msk $0xffff, v30  }
0x28c: {  	v12 =	vor.u32 v13, v12;
	[tilespmem:v60+s17+$0x0] =	vst.idx.add.f32.msk $0xffff, v11  }
0x28d: {  	v11 =	vor.u32 $0x80, v12;
	[tilespmem:v61+s17+$0x0] =	vst.idx.add.f32.msk $0xffff, v19  }
0x28e: {  	v13 =	vor.u32 $0x100, v12;
	[tilespmem:v17+s17+$0x0] =	vst.idx.add.f32.msk $0xffff, v21  }
0x28f: {  	v17 =	vor.u32 $0x180, v12;
	[tilespmem:v62+s17+$0x0] =	vst.idx.add.f32.msk $0xffff, v14  }
0x290: {  	[tilespmem:v10+s17+$0x0] =	vst.idx.add.f32.msk $0xffff, v16  }
0x291: {  	[tilespmem:v12+s17+$0x0] =	vst.idx.add.f32.msk $0xffff, v28  }
0x292: {  	v19 =	vor.u32 $0x200, v12;
	[tilespmem:v11+s17+$0x0] =	vst.idx.add.f32.msk $0xffff, v26  }
0x293: {  	v63 =	vor.u32 $0x280, v12;
	[tilespmem:v13+s17+$0x0] =	vst.idx.add.f32.msk $0xffff, v25  }
0x294: {  	v10 =	vshll.u32 v32, $0x3;
	[tilespmem:v17+s17+$0x0] =	vst.idx.add.f32.msk $0xffff, v24;
	v17 =	vor.u32 $0x300, v12  }
0x295: {  	v16 =	vor.u32 $0x380, v12;
	v10 =	vand.u32 $0xFFFFFC00, v10;
	v11 =	vand.u32 $0x7F, v32  }
0x296: {  	v11 =	vor.u32 v11, v10  }
0x297: {  	v14 =	vor.u32 $0x80, v11;
	[tilespmem:v19+s17+$0x0] =	vst.idx.add.f32.msk $0xffff, v18  }
0x298: {  	s26 =	simm.s32 $0x200;
	v13 =	vor.u32 $0x200, v11;
	v10 =	vor.u32 $0x100, v11;
	v12 =	vor.u32 $0x180, v11;
	[tilespmem:v63+s17+$0x0] =	vst.idx.add.f32.msk $0xffff, v20  }
.LBB2_13:
0x299: {  	[tilespmem:v17+s17+$0x0] =	vst.idx.add.f32.msk $0xffff, v4;
	p0 =	por !p0, !p0;
	s24 =	sadd.s32 $0x40, s24;
	s25 =	sadd.s32 $0x40, s25  }
0x29a: {  	p1 =	sne.s32 s26, $0x2600;
	v4 =	vor.u32 $0x280, v11;
	s1 =	smov.u32 s26;
	s26 =	sadd.s32 $0x200, s26;
	[tilespmem:v16+s17+$0x0] =	vst.idx.add.f32.msk $0xffff, v15  }
0x29b: {  	[tilespmem:v11+s17+$0x0] =	vst.idx.add.f32.msk $0xffff, v5;
	v5 =	vor.u32 $0x300, v11  }
0x29c: {  	[tilespmem:v14+s17+$0x0] =	vst.idx.add.f32.msk $0xffff, v3;
	v3 =	vor.u32 $0x380, v11  }
0x29d: {  	[tilespmem:v10+s17+$0x0] =	vst.idx.add.f32.msk $0xffff, v2  }
0x29e: {  	[tilespmem:v12+s17+$0x0] =	vst.idx.add.f32.msk $0xffff, v1  }
0x29f: {  	[tilespmem:v13+s17+$0x0] =	vst.idx.add.f32.msk $0xffff, v9  }
0x2a0: {  	s4 =	simm.s32 $0x1;
	[tilespmem:v4+s17+$0x0] =	vst.idx.add.f32.msk $0xffff, v8  }
0x2a1: {  	s2 =	sand.u32 $0x40, s24;
	s0 =	sand.u32 $0x780, s24;
	s3 =	sand.u32 $0x3C00, s1;
	[tilespmem:v5+s17+$0x0] =	vst.idx.add.f32.msk $0xffff, v7  }
0x2a2: {  	s4 =	simm.s32 @!p0 $0x0;
	s7 =	sor.u32 $0x10, s2;
	s8 =	sor.u32 $0x7800, s0;
	[tilespmem:v3+s17+$0x0] =	vst.idx.add.f32.msk $0xffff, v6  }
0x2a3: {  	s4 =	sshll.u32 s4, $0x6;
	s9 =	sor.u32 s7, s8;
	s0 =	sor.u32 s7, s3;
	v6 =	vld [tilespmem:s25+$0x0]  }
0x2a4: {  	s7 =	sor.u32 $0x30, s2;
	s1 =	sadd.s32 s4, s1;
	v7 =	vld [tilespmem:s9+$0x0]  }
0x2a5: {  	s4 =	sor.u32 $0x380, s1;
	s10 =	sadd.s32 $0x30, s1;
	s9 =	sadd.s32 $0x20, s1;
	v11 =	vld [tilespmem:s0+$0x180]  }
0x2a6: {  	s11 =	sor.u32 $0x300, s1;
	s12 =	sadd.s32 $0x10, s1;
	s13 =	sor.u32 $0x300, s9;
	v16 =	vld [tilespmem:s0+$0x0]  }
0x2a7: {  	s14 =	sor.u32 $0x280, s1;
	s15 =	sor.u32 $0x300, s12;
	s18 =	sor.u32 $0x280, s9;
	v17 =	vld [tilespmem:s0+$0x80]  }
0x2a8: {  	s1 =	sor.u32 $0x200, s1;
	s19 =	sor.u32 $0x200, s9;
	v13 =	vld [tilespmem:s15+$0x0];
	s15 =	sor.u32 $0x380, s12  }
0x2a9: {  	s22 =	sor.u32 $0x20, s2;
	s23 =	sor.u32 s7, s8;
	s28 =	sor.u32 $0x280, s12;
	v14 =	vld [tilespmem:s15+$0x0]  }
0x2aa: {  	s8 =	sor.u32 s22, s8;
	s12 =	sor.u32 $0x200, s12;
	s15 =	sor.u32 s22, s3;
	v10 =	vld [tilespmem:s19+$0x0]  }
0x2ab: {  	s2 =	sor.u32 s2, s3;
	v18 =	vld [tilespmem:s4+$0x0]  }
0x2ac: {  	s3 =	sor.u32 s7, s3;
	v19 =	vld [tilespmem:s12+$0x0]  }
0x2ad: {  	s4 =	sor.u32 $0x380, s10;
	v12 =	vld [tilespmem:s18+$0x0]  }
0x2ae: {  	s7 =	sor.u32 $0x300, s10;
	v4 =	vld [tilespmem:s13+$0x0]  }
0x2af: {  	s12 =	sor.u32 $0x280, s10;
	v20 =	vld [tilespmem:s28+$0x0]  }
0x2b0: {  	s28 =	sor.u32 $0x200, s10;
	v1 =	vld [tilespmem:s3+$0x180]  }
0x2b1: {  	v2 =	vld [tilespmem:s3+$0x100]  }
0x2b2: {  	s9 =	sor.u32 $0x380, s9;
	v3 =	vld [tilespmem:s3+$0x80]  }
0x2b3: {  	v21 =	vld [tilespmem:s11+$0x0]  }
0x2b4: {  	v5 =	vld [tilespmem:s3+$0x0]  }
0x2b5: {  	v22 =	vld [tilespmem:s14+$0x0]  }
0x2b6: {  	v23 =	vld [tilespmem:s15+$0x180]  }
0x2b7: {  	v8 =	vand.u32 $0x7F, v6;
	v6 =	vshll.u32 v6, $0x3;
	v24 =	vld [tilespmem:s15+$0x100]  }
0x2b8: {  	v6 =	vand.u32 $0xFFFFFC00, v6;
	v25 =	vld [tilespmem:s15+$0x80]  }
0x2b9: {  	v27 =	vor.u32 v8, v6;
	v26 =	vld [tilespmem:s1+$0x0]  }
0x2ba: {  	v29 =	vor.u32 $0x80, v27;
	v28 =	vld [tilespmem:s15+$0x0]  }
0x2bb: {  	v31 =	vor.u32 $0x100, v27;
	v30 =	vld [tilespmem:s2+$0x0]  }
0x2bc: {  	v33 =	vor.u32 $0x180, v27;
	v32 =	vld [tilespmem:s0+$0x100]  }
0x2bd: {  	v35 =	vor.u32 $0x200, v27;
	v34 =	vld [tilespmem:s2+$0x80]  }
0x2be: {  	v37 =	vor.u32 $0x280, v27;
	v36 =	vld [tilespmem:s23+$0x0]  }
0x2bf: {  	v6 =	vshll.u32 v7, $0x3;
	v39 =	vor.u32 $0x300, v27;
	v38 =	vld [tilespmem:s8+$0x0]  }
0x2c0: {  	v7 =	vand.u32 $0x7F, v7;
	v41 =	vor.u32 $0x380, v27;
	v6 =	vand.u32 $0xFFFFFC00, v6;
	v40 =	vld [tilespmem:s2+$0x100]  }
0x2c1: {  	v43 =	vor.u32 v7, v6;
	v42 =	vld [tilespmem:s2+$0x180]  }
0x2c2: {  	v44 =	vor.u32 $0x80, v43;
	v6 =	vld [tilespmem:s4+$0x0]  }
0x2c3: {  	v45 =	vor.u32 $0x100, v43;
	v7 =	vld [tilespmem:s7+$0x0];
	v9 =	vshll.u32 v36, $0x3  }
0x2c4: {  	v46 =	vor.u32 $0x180, v43;
	v8 =	vld [tilespmem:s12+$0x0];
	v15 =	vshll.u32 v38, $0x3;
	v47 =	vand.u32 $0xFFFFFC00, v9  }
0x2c5: {  	v48 =	vor.u32 $0x200, v43;
	v9 =	vld [tilespmem:s28+$0x0];
	v49 =	vand.u32 $0xFFFFFC00, v15  }
0x2c6: {  	v50 =	vor.u32 $0x280, v43;
	v15 =	vld [tilespmem:s9+$0x0]  }
0x2c7: {  	[tilespmem:v27+s17+$0x0] =	vst.idx.add.f32.msk $0xffff, v30;
	v27 =	vor.u32 $0x300, v43  }
0x2c8: {  	[tilespmem:v29+s17+$0x0] =	vst.idx.add.f32.msk $0xffff, v34;
	v29 =	vor.u32 $0x380, v43  }
0x2c9: {  	[tilespmem:v31+s17+$0x0] =	vst.idx.add.f32.msk $0xffff, v40  }
0x2ca: {  	[tilespmem:v33+s17+$0x0] =	vst.idx.add.f32.msk $0xffff, v42  }
0x2cb: {  	[tilespmem:v35+s17+$0x0] =	vst.idx.add.f32.msk $0xffff, v26  }
0x2cc: {  	[tilespmem:v37+s17+$0x0] =	vst.idx.add.f32.msk $0xffff, v22  }
0x2cd: {  	[tilespmem:v39+s17+$0x0] =	vst.idx.add.f32.msk $0xffff, v21  }
0x2ce: {  	[tilespmem:v41+s17+$0x0] =	vst.idx.add.f32.msk $0xffff, v18  }
0x2cf: {  	[tilespmem:v43+s17+$0x0] =	vst.idx.add.f32.msk $0xffff, v16  }
0x2d0: {  	v16 =	vand.u32 $0x7F, v38;
	[tilespmem:v44+s17+$0x0] =	vst.idx.add.f32.msk $0xffff, v17  }
0x2d1: {  	v16 =	vor.u32 v16, v49;
	[tilespmem:v45+s17+$0x0] =	vst.idx.add.f32.msk $0xffff, v32  }
0x2d2: {  	[tilespmem:v46+s17+$0x0] =	vst.idx.add.f32.msk $0xffff, v11;
	v11 =	vor.u32 $0x80, v16  }
0x2d3: {  	v18 =	vor.u32 $0x100, v16;
	[tilespmem:v48+s17+$0x0] =	vst.idx.add.f32.msk $0xffff, v19  }
0x2d4: {  	v19 =	vor.u32 $0x180, v16;
	[tilespmem:v50+s17+$0x0] =	vst.idx.add.f32.msk $0xffff, v20  }
0x2d5: {  	v20 =	vor.u32 $0x200, v16;
	[tilespmem:v27+s17+$0x0] =	vst.idx.add.f32.msk $0xffff, v13  }
0x2d6: {  	v21 =	vor.u32 $0x280, v16;
	[tilespmem:v29+s17+$0x0] =	vst.idx.add.f32.msk $0xffff, v14  }
0x2d7: {  	v17 =	vor.u32 $0x300, v16;
	[tilespmem:v16+s17+$0x0] =	vst.idx.add.f32.msk $0xffff, v28  }
.Ltmp6:
0x2d8: {  	v16 =	vor.u32 $0x380, v16;
	[tilespmem:v11+s17+$0x0] =	vst.idx.add.f32.msk $0xffff, v25;
	v11 =	vand.u32 $0x7F, v36;
	(pc) =	sbr.rel @p1 .LBB2_13-.Ltmp6, $4  }
0x2d9: {  	[tilespmem:v18+s17+$0x0] =	vst.idx.add.f32.msk $0xffff, v24;
	v11 =	vor.u32 v11, v47  }
0x2da: {  	[tilespmem:v19+s17+$0x0] =	vst.idx.add.f32.msk $0xffff, v23;
	v14 =	vor.u32 $0x80, v11;
	v13 =	vor.u32 $0x200, v11  }
0x2db: {  	[tilespmem:v20+s17+$0x0] =	vst.idx.add.f32.msk $0xffff, v10;
	v10 =	vor.u32 $0x100, v11  }
0x2dc: {  	[tilespmem:v21+s17+$0x0] =	vst.idx.add.f32.msk $0xffff, v12;
	v12 =	vor.u32 $0x180, v11  }
0x2dd: {  	_ =	sdelay $0x3  }
0x2de: {  	[tilespmem:v17+s17+$0x0] =	vst.idx.add.f32.msk $0xffff, v4  }
0x2df: {  	[tilespmem:v16+s17+$0x0] =	vst.idx.add.f32.msk $0xffff, v15  }
0x2e0: {  	v62 =	vor.u32 $0x280, v11;
	[tilespmem:v11+s17+$0x0] =	vst.idx.add.f32.msk $0xffff, v5  }
0x2e1: {  	v63 =	vor.u32 $0x300, v11;
	[tilespmem:v14+s17+$0x0] =	vst.idx.add.f32.msk $0xffff, v3  }
0x2e2: {  	v3 =	vor.u32 $0x380, v11;
	[tilespmem:v10+s17+$0x0] =	vst.idx.add.f32.msk $0xffff, v2  }
0x2e3: {  	[tilespmem:v12+s17+$0x0] =	vst.idx.add.f32.msk $0xffff, v1  }
0x2e4: {  	[tilespmem:v13+s17+$0x0] =	vst.idx.add.f32.msk $0xffff, v9  }
0x2e5: {  	[tilespmem:v62+s17+$0x0] =	vst.idx.add.f32.msk $0xffff, v8  }
0x2e6: {  	[tilespmem:v63+s17+$0x0] =	vst.idx.add.f32.msk $0xffff, v7  }
0x2e7: {  	s10 =	simm.s32 $0x0;
	s0 =	rddreg [dreg:$0x8];
	s1 =	simm.s32 $0x4;
	[tilespmem:v3+s17+$0x0] =	vst.idx.add.f32.msk $0xffff, v6  }
0x2e8: {  	[hbm4b:s0+s10] =	stream.linear.scatter [tilespmem:s17], [sflag:$0x4], $0x14400, $0x38;
	[tilespmem:$0x1CB00] =	vst v63  }
0x2e9: {  	_ =	swait.ge [sflag:s1], $0x14400  }
0x2ea: {  	s2 =	rddreg [dreg:$0xa]  }
0x2eb: {  	s31 =	rddreg [dreg:$0x9];
	s2 =	sadd.s32 $0x1, s2  }
0x2ec: {  	p0 =	sne.s32 s2, s31  }
.Ltmp7:
0x2ed: {  	_ = 	snop;
	(pc) =	sbr.rel @p0 .LBB2_1-.Ltmp7, $3  }
0x2ee: {  	_ =	sdelay $0x1  }
0x2ef: {  	[sflag:s1] =	ssyncset.done $0x0  }
0x2f0: {  	[sflag:s1] =	ssyncadd.s32 $0xFFFEBC00  }
0x2f1: {  	_ =	sfence.sel $0x180000  }
0x2f2: {  	[bflag:$0x0] =	sbarrier.arrive $0xFFFF  }
0x2f3: {  	_ =	strace $0x90000047  }
0x2f4: {  	s0 =	stileid.u32;
	[bflag:$0x2] =	sbarrier.arrive $0xFFFF  }
0x2f5: {  	p0 =	sne.s32 s0, $0x0;
	s0 =	rddreg [dreg:$0x3]  }
0x2f6: {  	s0 =	sadd.s32 @!p0 $0x100000, s0  }
0x2f7: {  	[sflag:s0] =	ssyncadd.tile.s32 @!p0 $0x1;
	_ =	shalt  }
.Lfunc_end2:
_tile_overlayer_lowered:
.L_overlay_start_2:
0x2f8: {  	(tag) =	ssettag $0x2  }
0x2f9: {  	s0 =	rddreg [dreg:$0x0];
	s2 =	stileid.u32  }
0x2fa: {  	s1 =	rddreg [dreg:$0x1];
	p0 =	sne.s32 s2, $0x0  }
0x2fb: {  	s3 =	rddreg [dreg:$0x2];
	[bflag:$0x3] =	sbarrier.arrive $0xFFFF;
	s2 =	simm.s32 @!p0 $0x1C04  }
0x2fc: {  	[timem:s3], [sflag:s2] =	dma.local @!p0 [hbm:s0], s1  }
0x2fd: {  	s0 =	simm.s32 @!p0 $0x4  }
0x2fe: {  	_ =	swait.ge @!p0 [sflag:s0], s1  }
0x2ff: {  	s1 =	ssub.s32 @!p0 $0x0, s1;
	[sflag:s0] =	ssyncset.done @!p0 $0x0  }
0x300: {  	[sflag:s0] =	ssyncadd.s32 @!p0 s1  }
0x301: {  	[bflag:$0x3] =	sbarrier.arrive $0xFFFF  }
0x302: {  	_ =	shalt  }

</sc_bundles>
